<compile_context>
chip_gen: v7x
topology: tpu7x:2x2x1
jax: 0.10.2.dev20260603
libtpu: 0.0.44.dev20260713+nightly
codegen_flags: <defaults>
</compile_context>

<pallas_src>
import functools

import jax
import jax.numpy as jnp
from jax import lax
from jax.experimental import pallas as pl
from jax.experimental.pallas import tpu as pltpu
from jax.experimental.pallas import tpu_sc as plsc

N = 10000
E = 320000
D = 128

NC = 2
NS = 16
NW = NC * NS
NPAD = 10240
K = 128
CH_PAIR = 160
EPAD = NS * CH_PAIR * K
N0 = 113
N1 = CH_PAIR - N0
PB = 2
GLA = 1
IDXB = 4
ILA = 3
RPT = NPAD // NS


def _sc_segment_body(with_cnt, y_hbm, src_hbm, dst_hbm, *refs):
    if with_cnt:
        (s_hbm, cnt_hbm,
         acc, cntacc, sidx, didx, rows, ones, zcnt, gsem, ssem, isem) = refs
    else:
        (s_hbm,
         acc, sidx, didx, rows, gsem, ssem, isem) = refs
    cid = lax.axis_index("c")
    sid = lax.axis_index("s")
    myrows = pl.ds(sid * RPT, RPT)

    z16 = jnp.zeros((16,), jnp.float32)

    def _zrow(i, _):
        rows[0, i // (D // 16), pl.ds(lax.rem(i, D // 16) * 16, 16)] = z16
        return 0

    lax.fori_loop(0, K * D // 16, _zrow, 0)
    for j in range(RPT // K):
        pltpu.sync_copy(rows.at[0], acc.at[pl.ds(sid * RPT + j * K, K)])
    rem_rows = RPT - (RPT // K) * K
    if rem_rows:
        pltpu.sync_copy(rows.at[0, pl.ds(0, rem_rows)],
                        acc.at[pl.ds(sid * RPT + (RPT // K) * K, rem_rows)])
    if with_cnt:
        def _zone(i, _):
            ones[pl.ds(i * 16, 16)] = jnp.ones((16,), jnp.float32)
            return 0

        lax.fori_loop(0, K // 16, _zone, 0)

        def _zc(i, _):
            zcnt[pl.ds(i * 16, 16)] = z16
            return 0

        lax.fori_loop(0, RPT // 16, _zc, 0)
        pltpu.sync_copy(zcnt, cntacc.at[myrows])
    plsc.subcore_barrier()

    nch = jnp.where(cid == 0, N0, N1)
    ebase = (sid * CH_PAIR + jnp.where(cid == 0, 0, N0)) * K

    def _idx(c):
        ib = lax.rem(c, IDXB)
        off = ebase + c * K
        pltpu.async_copy(src_hbm.at[pl.ds(off, K)], sidx.at[ib],
                         isem.at[ib])
        pltpu.async_copy(dst_hbm.at[pl.ds(off, K)], didx.at[ib],
                         isem.at[ib])

    def _wait_idx(c):
        ib = lax.rem(c, IDXB)
        off = ebase + c * K
        pltpu.make_async_copy(src_hbm.at[pl.ds(off, K)], sidx.at[ib],
                              isem.at[ib]).wait()
        pltpu.make_async_copy(dst_hbm.at[pl.ds(off, K)], didx.at[ib],
                              isem.at[ib]).wait()

    def _gather(c):
        pltpu.async_copy(y_hbm.at[sidx.at[lax.rem(c, IDXB)]],
                         rows.at[lax.rem(c, PB)], gsem.at[lax.rem(c, PB)])

    def _wait_gather(c):
        pltpu.make_async_copy(y_hbm.at[sidx.at[lax.rem(c, IDXB)]],
                              rows.at[lax.rem(c, PB)],
                              gsem.at[lax.rem(c, PB)]).wait()

    def _scatter(c):
        b = lax.rem(c, PB)
        ib = lax.rem(c, IDXB)
        pltpu.async_copy(rows.at[b], acc.at[didx.at[ib]], ssem.at[b],
                         add=True)
        if with_cnt:
            pltpu.async_copy(ones, cntacc.at[didx.at[ib]], ssem.at[b],
                             add=True)

    def _wait_scatter(c):
        b = lax.rem(c, PB)
        ib = lax.rem(c, IDXB)
        pltpu.make_async_copy(rows.at[b], acc.at[didx.at[ib]],
                              ssem.at[b]).wait()
        if with_cnt:
            pltpu.make_async_copy(ones, cntacc.at[didx.at[ib]],
                                  ssem.at[b]).wait()

    for i in range(ILA):
        @pl.when(i < nch)
        def _():
            _idx(i)
    for i in range(GLA):
        @pl.when(i < nch)
        def _():
            _wait_idx(i)
            _gather(i)

    def _chunk(c, _):
        @pl.when(c >= 1)
        def _():
            _wait_scatter(c - 1)

        @pl.when(c + ILA < nch)
        def _():
            _idx(c + ILA)

        @pl.when(c + GLA < nch)
        def _():
            _wait_idx(c + GLA)
            _gather(c + GLA)

        _wait_gather(c)
        _scatter(c)
        return 0

    lax.fori_loop(0, nch, _chunk, 0)

    @pl.when(nch >= 1)
    def _():
        _wait_scatter(nch - 1)
    plsc.subcore_barrier()

    pltpu.sync_copy(acc.at[myrows], s_hbm.at[pl.ds(cid * NPAD + sid * RPT,
                                                   RPT)])
    if with_cnt:
        pltpu.sync_copy(cntacc.at[myrows],
                        cnt_hbm.at[pl.ds(cid * NPAD + sid * RPT, RPT)])


def _sc_segment_sum(y, src, dst, with_cnt):
    mesh = plsc.VectorSubcoreMesh(core_axis_name="c", subcore_axis_name="s")
    if with_cnt:
        out_type = (
            pltpu.HBM((NC * NPAD, D), jnp.float32),
            pltpu.HBM((NC * NPAD,), jnp.float32),
        )
        scratch = [
            pltpu.VMEM_SHARED((NPAD, D), jnp.float32),
            pltpu.VMEM_SHARED((NPAD,), jnp.float32),
            pltpu.VMEM((IDXB, K), jnp.int32),
            pltpu.VMEM((IDXB, K), jnp.int32),
            pltpu.VMEM((PB, K, D), jnp.float32),
            pltpu.VMEM((K,), jnp.float32),
            pltpu.VMEM((RPT,), jnp.float32),
            pltpu.SemaphoreType.DMA((PB,)),
            pltpu.SemaphoreType.DMA((PB,)),
            pltpu.SemaphoreType.DMA((IDXB,)),
        ]
        args = (y, src, dst)
    else:
        out_type = pltpu.HBM((NC * NPAD, D), jnp.float32)
        scratch = [
            pltpu.VMEM_SHARED((NPAD, D), jnp.float32),
            pltpu.VMEM((IDXB, K), jnp.int32),
            pltpu.VMEM((IDXB, K), jnp.int32),
            pltpu.VMEM((PB, K, D), jnp.float32),
            pltpu.SemaphoreType.DMA((PB,)),
            pltpu.SemaphoreType.DMA((PB,)),
            pltpu.SemaphoreType.DMA((IDXB,)),
        ]
        args = (y, src, dst)
    return pl.kernel(
        functools.partial(_sc_segment_body, with_cnt),
        out_type=out_type,
        mesh=mesh,
        scratch_types=scratch,
    )(*args)


def _mm_body(x_ref, w_ref, o_ref):
    o_ref[...] = jnp.dot(x_ref[...], w_ref[...],
                         preferred_element_type=jnp.float32)


def _tc_matmul(x, wt):
    return pl.pallas_call(
        _mm_body,
        out_shape=jax.ShapeDtypeStruct((NPAD, D), jnp.float32),
    )(x, wt)


def _mid_body(s_ref, c_ref, x_ref, wr_ref, b_ref, wl2_ref, h_ref, y2_ref):
    s = s_ref[0] + s_ref[1]
    c = c_ref[0] + c_ref[1]
    agg = s / jnp.maximum(c, 1.0)
    h = jnp.maximum(
        agg + b_ref[...]
        + jnp.dot(x_ref[...], wr_ref[...], preferred_element_type=jnp.float32),
        0.0)
    h_ref[...] = h
    y2_ref[...] = jnp.dot(h, wl2_ref[...], preferred_element_type=jnp.float32)


def _tc_mid(s1, cnt, x, w1r_t, b1, w2l_t):
    return pl.pallas_call(
        _mid_body,
        out_shape=(
            jax.ShapeDtypeStruct((NPAD, D), jnp.float32),
            jax.ShapeDtypeStruct((NPAD, D), jnp.float32),
        ),
    )(s1, cnt, x, w1r_t, b1, w2l_t)


def _fin_body(s_ref, c_ref, h_ref, wr_ref, b_ref, o_ref):
    s = s_ref[0] + s_ref[1]
    c = c_ref[0] + c_ref[1]
    agg = s / jnp.maximum(c, 1.0)
    o_ref[...] = jnp.maximum(
        agg + b_ref[...]
        + jnp.dot(h_ref[...], wr_ref[...], preferred_element_type=jnp.float32),
        0.0)


def _tc_fin(s2, cnt, h, w2r_t, b2):
    return pl.pallas_call(
        _fin_body,
        out_shape=jax.ShapeDtypeStruct((NPAD, D), jnp.float32),
    )(s2, cnt, h, w2r_t, b2)


def kernel(x, edge_index, W1_l, b1_l, W1_r, W2_l, b2_l, W2_r):
    src = edge_index[0]
    dst = edge_index[1]
    pad = EPAD - E
    src_p = jnp.concatenate([src, jnp.zeros((pad,), jnp.int32)])
    dst_p = jnp.concatenate(
        [dst, N + (jnp.arange(pad, dtype=jnp.int32) % (NPAD - N))])
    x_pad = jnp.pad(x, ((0, NPAD - N), (0, 0)))
    b1r = b1_l.reshape(1, D)
    b2r = b2_l.reshape(1, D)

    y1 = _tc_matmul(x_pad, W1_l.T)
    s1, cnt = _sc_segment_sum(y1, src_p, dst_p, True)
    s1 = s1.reshape(NC, NPAD, D)
    cnt = cnt.reshape(NC, NPAD, 1)
    h, y2 = _tc_mid(s1, cnt, x_pad, W1_r.T, b1r, W2_l.T)
    s2 = _sc_segment_sum(y2, src_p, dst_p, False).reshape(NC, NPAD, D)
    out = _tc_fin(s2, cnt, h, W2_r.T, b2r)
    return out[:N]

# --- scband reference (transcript-rebuilt; emitter-appended) ---
"""Pipeline reference for scband-gnn-2989297238517 (READ-ONLY COPY).

The authoritative reference and input builder live on the scoring server;
editing this copy changes nothing except your own understanding.
"""

import jax, jax.numpy as jnp
import numpy as np

N = 10000
E = 320000
IN_DIM = 128
HID = 128
OUT = 128


def _glorot(key, shape):
    s = 1.0 / np.sqrt(shape[1])
    return jax.random.uniform(key, shape, minval=-s, maxval=s, dtype=jnp.float32)


def setup_inputs(seed: int = 0) -> dict:
    key = jax.random.key(seed)
    ks = jax.random.split(key, 8)
    x = jax.random.normal(ks[0], (N, IN_DIM), dtype=jnp.float32)
    edge_index = jax.random.randint(ks[1], (2, E), 0, N, dtype=jnp.int32)
    # SAGEConv layer 1: lin_l (applied to aggregated neighbors, with bias), lin_r (root, no bias)
    W1_l = _glorot(ks[2], (HID, IN_DIM))
    b1_l = jnp.zeros((HID,), dtype=jnp.float32)
    W1_r = _glorot(ks[3], (HID, IN_DIM))
    # SAGEConv layer 2
    W2_l = _glorot(ks[4], (OUT, HID))
    b2_l = jnp.zeros((OUT,), dtype=jnp.float32)
    W2_r = _glorot(ks[5], (OUT, HID))
    return {"x": x, "edge_index": edge_index, "W1_l": W1_l, "b1_l": b1_l,
            "W1_r": W1_r, "W2_l": W2_l, "b2_l": b2_l, "W2_r": W2_r}


def _sage_conv(x, edge_index, W_l, b_l, W_r):
    src = edge_index[0]
    dst = edge_index[1]
    msgs = jnp.take(x, src, axis=0)                      # gather (SparseCore)
    agg = jax.ops.segment_sum(msgs, dst, num_segments=N)  # scatter-add
    cnt = jax.ops.segment_sum(jnp.ones((msgs.shape[0],), dtype=x.dtype), dst, num_segments=N)
    agg = agg / jnp.maximum(cnt, 1.0)[:, None]            # mean aggregation
    return agg @ W_l.T + b_l + x @ W_r.T


def reference(x, edge_index, W1_l, b1_l, W1_r, W2_l, b2_l, W2_r):
    h = jax.nn.relu(_sage_conv(x, edge_index, W1_l, b1_l, W1_r))
    out = jax.nn.relu(_sage_conv(h, edge_index, W2_l, b2_l, W2_r))
    return out

if __name__ == "__main__":
    import jax
    _d = setup_inputs()
    print(jax.jit(kernel)(*tuple(_d.values())))

</pallas_src>

<mosaic_0001>
#map = affine_map<(d0, d1) -> (0, 0)>
#map1 = affine_map<(d0, d1) -> (0)>
module attributes {stable_mosaic.version = 14 : i64} {
  func.func @_sc_segment_body(%arg0: i32, %arg1: i32, %arg2: memref<10240x128xf32, #tpu.memory_space<hbm>>, %arg3: memref<327680xi32, #tpu.memory_space<hbm>>, %arg4: memref<327680xi32, #tpu.memory_space<hbm>>, %arg5: memref<20480x128xf32, #tpu.memory_space<hbm>>, %arg6: memref<20480xf32, #tpu.memory_space<hbm>>, %arg7: memref<10240x128xf32, #tpu.memory_space<vmem_shared>>, %arg8: memref<10240xf32, #tpu.memory_space<vmem_shared>>, %arg9: memref<4x128xi32, #tpu.memory_space<vmem>>, %arg10: memref<4x128xi32, #tpu.memory_space<vmem>>, %arg11: memref<2x128x128xf32, #tpu.memory_space<vmem>>, %arg12: memref<128xf32, #tpu.memory_space<vmem>>, %arg13: memref<640xf32, #tpu.memory_space<vmem>>, %arg14: memref<2x!tpu.dma_semaphore, #tpu.memory_space<semaphore_mem>>, %arg15: memref<2x!tpu.dma_semaphore, #tpu.memory_space<semaphore_mem>>, %arg16: memref<4x!tpu.dma_semaphore, #tpu.memory_space<semaphore_mem>>) attributes {dimension_semantics = [#tpu.dimension_semantics<core_parallel>, #tpu.dimension_semantics<subcore_parallel>], iteration_bounds = array<i64: 2, 16>, scalar_prefetch = 0 : i64, scratch_operands = 10 : i64, tpu.core_type = #tpu.core_type<sc_vector_subcore>, window_params = [{transform_indices = #map}, {transform_indices = #map1}, {transform_indices = #map1}, {transform_indices = #map}, {transform_indices = #map1}]} {
    %mul3A = arith.constant 640 : i32
    %mul3A_0 = arith.muli %arg1, %mul3A : i32
    %broadcast_in_dim3A = arith.constant 0.000000e+00 : f32
    %broadcast_in_dim3A_1 = vector.broadcast %broadcast_in_dim3A : f32 to vector<16xf32>
    %scan3A = arith.constant 0 : i32
    %scan3A_2 = arith.constant 0 : i32
    %scan3A_3 = arith.constant 1024 : i32
    %scan3A_4 = arith.addi %scan3A_2, %scan3A_3 : i32
    %scan3A_5 = arith.constant 1 : i32
    %scan3A_6 = scf.for %scan3A_100 = %scan3A_2 to %scan3A_4 step %scan3A_5 iter_args(%scan3A_101 = %scan3A) -> (i32)  : i32 {
      %jit3A_102 = arith.constant 8 : i32
      %div3A = arith.divsi %scan3A_100, %jit3A_102 : i32
      %sign3A = arith.constant 0 : i32
      %sign3A_103 = arith.cmpi sgt, %scan3A_100, %sign3A : i32
      %sign3A_104 = arith.extui %sign3A_103 : i1 to i32
      %sign3A_105 = arith.constant 0 : i32
      %sign3A_106 = arith.cmpi slt, %scan3A_100, %sign3A_105 : i32
      %sign3A_107 = arith.extui %sign3A_106 : i1 to i32
      %sign3A_108 = arith.subi %sign3A_104, %sign3A_107 : i32
      %sign3A_109 = arith.constant 0 : i32
      %sign3A_110 = arith.cmpi sgt, %jit3A_102, %sign3A_109 : i32
      %sign3A_111 = arith.extui %sign3A_110 : i1 to i32
      %sign3A_112 = arith.constant 0 : i32
      %sign3A_113 = arith.cmpi slt, %jit3A_102, %sign3A_112 : i32
      %sign3A_114 = arith.extui %sign3A_113 : i1 to i32
      %sign3A_115 = arith.subi %sign3A_111, %sign3A_114 : i32
      %ne3A = arith.cmpi ne, %sign3A_108, %sign3A_115 : i32
      %rem3A = arith.remsi %scan3A_100, %jit3A_102 : i32
      %ne3A_116 = arith.constant 0 : i32
      %ne3A_117 = arith.cmpi ne, %rem3A, %ne3A_116 : i32
      %and3A = arith.andi %ne3A, %ne3A_117 : i1
      %sub3A = arith.constant 1 : i32
      %sub3A_118 = arith.subi %div3A, %sub3A : i32
      %select_n3A_119 = arith.select %and3A, %sub3A_118, %div3A : i32
      %rem3A_120 = arith.constant 8 : i32
      %rem3A_121 = arith.remsi %scan3A_100, %rem3A_120 : i32
      %mul3A_122 = arith.constant 16 : i32
      %mul3A_123 = arith.muli %rem3A_121, %mul3A_122 : i32
      %swap3A = arith.constant 0 : i32
      %swap3A_124 = arith.index_cast %swap3A : i32 to index
      %swap3A_125 = arith.index_cast %select_n3A_119 : i32 to index
      %swap3A_126 = arith.index_cast %mul3A_123 : i32 to index
      %swap3A_127 = tpu.vector_load %arg11[%swap3A_124, %swap3A_125, %swap3A_126] {strides = array<i32>} : memref<2x128x128xf32, #tpu.memory_space<vmem>>, vector<1x1x16xf32>,
      %swap3A_128 = vector.shape_cast %swap3A_127 : vector<1x1x16xf32> to vector<16xf32>
      %swap3A_129 = vector.shape_cast %broadcast_in_dim3A_1 : vector<16xf32> to vector<1x1x16xf32>
      tpu.vector_store %arg11[%swap3A_124, %swap3A_125, %swap3A_126], %swap3A_129 {strides = array<i32>} : memref<2x128x128xf32, #tpu.memory_space<vmem>>, vector<1x1x16xf32>,
      %scan3A_130 = arith.constant 0 : i32
      scf.yield %scan3A_130 : i32
    }
    %scan3A_7 = arith.constant 1024 : i32
    %mul3A_8 = arith.constant 640 : i32
    %mul3A_9 = arith.muli %arg1, %mul3A_8 : i32
    %add3A = arith.constant 0 : i32
    %add3A_10 = arith.addi %mul3A_9, %add3A : i32
    %run_scoped3A = arith.constant 0 : i32
    "tpu.region"() ({
      %run_scoped3A_100 = tpu.sem_alloc : memref<!tpu.dma_semaphore, #tpu.memory_space<semaphore_mem>>
      %dma_start3A = arith.constant 0 : i32
      %dma_start3A_101 = arith.constant 0 : i32
      %dma_start3A_102 = tpu.memref_slice %arg11[%run_scoped3A, %dma_start3A, %dma_start3A_101] : memref<2x128x128xf32, #tpu.memory_space<vmem>> -> memref<1x128x128xf32, #tpu.memory_space<vmem>>
      %dma_start3A_103 = tpu.memref_squeeze %dma_start3A_102 : memref<1x128x128xf32, #tpu.memory_space<vmem>> -> memref<128x128xf32, #tpu.memory_space<vmem>>
      %dma_start3A_104 = arith.constant 0 : i32
      %dma_start3A_105 = tpu.memref_slice %arg7[%add3A_10, %dma_start3A_104] : memref<10240x128xf32, #tpu.memory_space<vmem_shared>> -> memref<128x128xf32, #tpu.memory_space<vmem_shared>>
      %dma_start3A_106 = arith.constant 0 : i32
      %dma_start3A_107 = tpu.memref_slice %arg7[%add3A_10, %dma_start3A_106] : memref<10240x128xf32, #tpu.memory_space<vmem_shared>> -> memref<128x128xf32, #tpu.memory_space<vmem_shared>>
      %dma_start3A_108 = arith.constant 0 : i32
      %dma_start3A_109 = arith.constant 0 : i32
      %dma_start3A_110 = tpu.memref_slice %arg11[%run_scoped3A, %dma_start3A_108, %dma_start3A_109] : memref<2x128x128xf32, #tpu.memory_space<vmem>> -> memref<1x128x128xf32, #tpu.memory_space<vmem>>
      %dma_start3A_111 = tpu.memref_squeeze %dma_start3A_110 : memref<1x128x128xf32, #tpu.memory_space<vmem>> -> memref<128x128xf32, #tpu.memory_space<vmem>>
      tpu.enqueue_dma source(%dma_start3A_111 : memref<128x128xf32, #tpu.memory_space<vmem>>) target(%dma_start3A_107 : memref<128x128xf32, #tpu.memory_space<vmem_shared>>) target_semaphore(%run_scoped3A_100 : memref<!tpu.dma_semaphore, #tpu.memory_space<semaphore_mem>>)
      %dma_wait3A = arith.constant 0 : i32
      %dma_wait3A_112 = arith.constant 0 : i32
      %dma_wait3A_113 = tpu.memref_slice %arg11[%run_scoped3A, %dma_wait3A, %dma_wait3A_112] : memref<2x128x128xf32, #tpu.memory_space<vmem>> -> memref<1x128x128xf32, #tpu.memory_space<vmem>>
      %dma_wait3A_114 = tpu.memref_squeeze %dma_wait3A_113 : memref<1x128x128xf32, #tpu.memory_space<vmem>> -> memref<128x128xf32, #tpu.memory_space<vmem>>
      %dma_wait3A_115 = arith.constant 0 : i32
      %dma_wait3A_116 = tpu.memref_slice %arg7[%add3A_10, %dma_wait3A_115] : memref<10240x128xf32, #tpu.memory_space<vmem_shared>> -> memref<128x128xf32, #tpu.memory_space<vmem_shared>>
      %dma_wait3A_117 = arith.constant 0 : i32
      %dma_wait3A_118 = tpu.memref_slice %arg7[%add3A_10, %dma_wait3A_117] : memref<10240x128xf32, #tpu.memory_space<vmem_shared>> -> memref<128x128xf32, #tpu.memory_space<vmem_shared>>
      %dma_wait3A_119 = arith.constant 0 : i32
      %dma_wait3A_120 = arith.constant 0 : i32
      %dma_wait3A_121 = tpu.memref_slice %arg11[%run_scoped3A, %dma_wait3A_119, %dma_wait3A_120] : memref<2x128x128xf32, #tpu.memory_space<vmem>> -> memref<1x128x128xf32, #tpu.memory_space<vmem>>
      %dma_wait3A_122 = tpu.memref_squeeze %dma_wait3A_121 : memref<1x128x128xf32, #tpu.memory_space<vmem>> -> memref<128x128xf32, #tpu.memory_space<vmem>>
      tpu.wait_dma2 semaphore(%run_scoped3A_100 : memref<!tpu.dma_semaphore, #tpu.memory_space<semaphore_mem>>) src(%dma_wait3A_122 : memref<128x128xf32, #tpu.memory_space<vmem>>) dst(%dma_wait3A_118 : memref<128x128xf32, #tpu.memory_space<vmem_shared>>)
      tpu.yield
    }) : () -> ()
    %mul3A_11 = arith.constant 640 : i32
    %mul3A_12 = arith.muli %arg1, %mul3A_11 : i32
    %add3A_13 = arith.constant 128 : i32
    %add3A_14 = arith.addi %mul3A_12, %add3A_13 : i32
    %run_scoped3A_15 = arith.constant 0 : i32
    "tpu.region"() ({
      %run_scoped3A_100 = tpu.sem_alloc : memref<!tpu.dma_semaphore, #tpu.memory_space<semaphore_mem>>
      %dma_start3A = arith.constant 0 : i32
      %dma_start3A_101 = arith.constant 0 : i32
      %dma_start3A_102 = tpu.memref_slice %arg11[%run_scoped3A_15, %dma_start3A, %dma_start3A_101] : memref<2x128x128xf32, #tpu.memory_space<vmem>> -> memref<1x128x128xf32, #tpu.memory_space<vmem>>
      %dma_start3A_103 = tpu.memref_squeeze %dma_start3A_102 : memref<1x128x128xf32, #tpu.memory_space<vmem>> -> memref<128x128xf32, #tpu.memory_space<vmem>>
      %dma_start3A_104 = arith.constant 0 : i32
      %dma_start3A_105 = tpu.memref_slice %arg7[%add3A_14, %dma_start3A_104] : memref<10240x128xf32, #tpu.memory_space<vmem_shared>> -> memref<128x128xf32, #tpu.memory_space<vmem_shared>>
      %dma_start3A_106 = arith.constant 0 : i32
      %dma_start3A_107 = tpu.memref_slice %arg7[%add3A_14, %dma_start3A_106] : memref<10240x128xf32, #tpu.memory_space<vmem_shared>> -> memref<128x128xf32, #tpu.memory_space<vmem_shared>>
      %dma_start3A_108 = arith.constant 0 : i32
      %dma_start3A_109 = arith.constant 0 : i32
      %dma_start3A_110 = tpu.memref_slice %arg11[%run_scoped3A_15, %dma_start3A_108, %dma_start3A_109] : memref<2x128x128xf32, #tpu.memory_space<vmem>> -> memref<1x128x128xf32, #tpu.memory_space<vmem>>
      %dma_start3A_111 = tpu.memref_squeeze %dma_start3A_110 : memref<1x128x128xf32, #tpu.memory_space<vmem>> -> memref<128x128xf32, #tpu.memory_space<vmem>>
      tpu.enqueue_dma source(%dma_start3A_111 : memref<128x128xf32, #tpu.memory_space<vmem>>) target(%dma_start3A_107 : memref<128x128xf32, #tpu.memory_space<vmem_shared>>) target_semaphore(%run_scoped3A_100 : memref<!tpu.dma_semaphore, #tpu.memory_space<semaphore_mem>>)
      %dma_wait3A = arith.constant 0 : i32
      %dma_wait3A_112 = arith.constant 0 : i32
      %dma_wait3A_113 = tpu.memref_slice %arg11[%run_scoped3A_15, %dma_wait3A, %dma_wait3A_112] : memref<2x128x128xf32, #tpu.memory_space<vmem>> -> memref<1x128x128xf32, #tpu.memory_space<vmem>>
      %dma_wait3A_114 = tpu.memref_squeeze %dma_wait3A_113 : memref<1x128x128xf32, #tpu.memory_space<vmem>> -> memref<128x128xf32, #tpu.memory_space<vmem>>
      %dma_wait3A_115 = arith.constant 0 : i32
      %dma_wait3A_116 = tpu.memref_slice %arg7[%add3A_14, %dma_wait3A_115] : memref<10240x128xf32, #tpu.memory_space<vmem_shared>> -> memref<128x128xf32, #tpu.memory_space<vmem_shared>>
      %dma_wait3A_117 = arith.constant 0 : i32
      %dma_wait3A_118 = tpu.memref_slice %arg7[%add3A_14, %dma_wait3A_117] : memref<10240x128xf32, #tpu.memory_space<vmem_shared>> -> memref<128x128xf32, #tpu.memory_space<vmem_shared>>
      %dma_wait3A_119 = arith.constant 0 : i32
      %dma_wait3A_120 = arith.constant 0 : i32
      %dma_wait3A_121 = tpu.memref_slice %arg11[%run_scoped3A_15, %dma_wait3A_119, %dma_wait3A_120] : memref<2x128x128xf32, #tpu.memory_space<vmem>> -> memref<1x128x128xf32, #tpu.memory_space<vmem>>
      %dma_wait3A_122 = tpu.memref_squeeze %dma_wait3A_121 : memref<1x128x128xf32, #tpu.memory_space<vmem>> -> memref<128x128xf32, #tpu.memory_space<vmem>>
      tpu.wait_dma2 semaphore(%run_scoped3A_100 : memref<!tpu.dma_semaphore, #tpu.memory_space<semaphore_mem>>) src(%dma_wait3A_122 : memref<128x128xf32, #tpu.memory_space<vmem>>) dst(%dma_wait3A_118 : memref<128x128xf32, #tpu.memory_space<vmem_shared>>)
      tpu.yield
    }) : () -> ()
    %mul3A_16 = arith.constant 640 : i32
    %mul3A_17 = arith.muli %arg1, %mul3A_16 : i32
    %add3A_18 = arith.constant 256 : i32
    %add3A_19 = arith.addi %mul3A_17, %add3A_18 : i32
    %run_scoped3A_20 = arith.constant 0 : i32
    "tpu.region"() ({
      %run_scoped3A_100 = tpu.sem_alloc : memref<!tpu.dma_semaphore, #tpu.memory_space<semaphore_mem>>
      %dma_start3A = arith.constant 0 : i32
      %dma_start3A_101 = arith.constant 0 : i32
      %dma_start3A_102 = tpu.memref_slice %arg11[%run_scoped3A_20, %dma_start3A, %dma_start3A_101] : memref<2x128x128xf32, #tpu.memory_space<vmem>> -> memref<1x128x128xf32, #tpu.memory_space<vmem>>
      %dma_start3A_103 = tpu.memref_squeeze %dma_start3A_102 : memref<1x128x128xf32, #tpu.memory_space<vmem>> -> memref<128x128xf32, #tpu.memory_space<vmem>>
      %dma_start3A_104 = arith.constant 0 : i32
      %dma_start3A_105 = tpu.memref_slice %arg7[%add3A_19, %dma_start3A_104] : memref<10240x128xf32, #tpu.memory_space<vmem_shared>> -> memref<128x128xf32, #tpu.memory_space<vmem_shared>>
      %dma_start3A_106 = arith.constant 0 : i32
      %dma_start3A_107 = tpu.memref_slice %arg7[%add3A_19, %dma_start3A_106] : memref<10240x128xf32, #tpu.memory_space<vmem_shared>> -> memref<128x128xf32, #tpu.memory_space<vmem_shared>>
      %dma_start3A_108 = arith.constant 0 : i32
      %dma_start3A_109 = arith.constant 0 : i32
      %dma_start3A_110 = tpu.memref_slice %arg11[%run_scoped3A_20, %dma_start3A_108, %dma_start3A_109] : memref<2x128x128xf32, #tpu.memory_space<vmem>> -> memref<1x128x128xf32, #tpu.memory_space<vmem>>
      %dma_start3A_111 = tpu.memref_squeeze %dma_start3A_110 : memref<1x128x128xf32, #tpu.memory_space<vmem>> -> memref<128x128xf32, #tpu.memory_space<vmem>>
      tpu.enqueue_dma source(%dma_start3A_111 : memref<128x128xf32, #tpu.memory_space<vmem>>) target(%dma_start3A_107 : memref<128x128xf32, #tpu.memory_space<vmem_shared>>) target_semaphore(%run_scoped3A_100 : memref<!tpu.dma_semaphore, #tpu.memory_space<semaphore_mem>>)
      %dma_wait3A = arith.constant 0 : i32
      %dma_wait3A_112 = arith.constant 0 : i32
      %dma_wait3A_113 = tpu.memref_slice %arg11[%run_scoped3A_20, %dma_wait3A, %dma_wait3A_112] : memref<2x128x128xf32, #tpu.memory_space<vmem>> -> memref<1x128x128xf32, #tpu.memory_space<vmem>>
      %dma_wait3A_114 = tpu.memref_squeeze %dma_wait3A_113 : memref<1x128x128xf32, #tpu.memory_space<vmem>> -> memref<128x128xf32, #tpu.memory_space<vmem>>
      %dma_wait3A_115 = arith.constant 0 : i32
      %dma_wait3A_116 = tpu.memref_slice %arg7[%add3A_19, %dma_wait3A_115] : memref<10240x128xf32, #tpu.memory_space<vmem_shared>> -> memref<128x128xf32, #tpu.memory_space<vmem_shared>>
      %dma_wait3A_117 = arith.constant 0 : i32
      %dma_wait3A_118 = tpu.memref_slice %arg7[%add3A_19, %dma_wait3A_117] : memref<10240x128xf32, #tpu.memory_space<vmem_shared>> -> memref<128x128xf32, #tpu.memory_space<vmem_shared>>
      %dma_wait3A_119 = arith.constant 0 : i32
      %dma_wait3A_120 = arith.constant 0 : i32
      %dma_wait3A_121 = tpu.memref_slice %arg11[%run_scoped3A_20, %dma_wait3A_119, %dma_wait3A_120] : memref<2x128x128xf32, #tpu.memory_space<vmem>> -> memref<1x128x128xf32, #tpu.memory_space<vmem>>
      %dma_wait3A_122 = tpu.memref_squeeze %dma_wait3A_121 : memref<1x128x128xf32, #tpu.memory_space<vmem>> -> memref<128x128xf32, #tpu.memory_space<vmem>>
      tpu.wait_dma2 semaphore(%run_scoped3A_100 : memref<!tpu.dma_semaphore, #tpu.memory_space<semaphore_mem>>) src(%dma_wait3A_122 : memref<128x128xf32, #tpu.memory_space<vmem>>) dst(%dma_wait3A_118 : memref<128x128xf32, #tpu.memory_space<vmem_shared>>)
      tpu.yield
    }) : () -> ()
    %mul3A_21 = arith.constant 640 : i32
    %mul3A_22 = arith.muli %arg1, %mul3A_21 : i32
    %add3A_23 = arith.constant 384 : i32
    %add3A_24 = arith.addi %mul3A_22, %add3A_23 : i32
    %run_scoped3A_25 = arith.constant 0 : i32
    "tpu.region"() ({
      %run_scoped3A_100 = tpu.sem_alloc : memref<!tpu.dma_semaphore, #tpu.memory_space<semaphore_mem>>
      %dma_start3A = arith.constant 0 : i32
      %dma_start3A_101 = arith.constant 0 : i32
      %dma_start3A_102 = tpu.memref_slice %arg11[%run_scoped3A_25, %dma_start3A, %dma_start3A_101] : memref<2x128x128xf32, #tpu.memory_space<vmem>> -> memref<1x128x128xf32, #tpu.memory_space<vmem>>
      %dma_start3A_103 = tpu.memref_squeeze %dma_start3A_102 : memref<1x128x128xf32, #tpu.memory_space<vmem>> -> memref<128x128xf32, #tpu.memory_space<vmem>>
      %dma_start3A_104 = arith.constant 0 : i32
      %dma_start3A_105 = tpu.memref_slice %arg7[%add3A_24, %dma_start3A_104] : memref<10240x128xf32, #tpu.memory_space<vmem_shared>> -> memref<128x128xf32, #tpu.memory_space<vmem_shared>>
      %dma_start3A_106 = arith.constant 0 : i32
      %dma_start3A_107 = tpu.memref_slice %arg7[%add3A_24, %dma_start3A_106] : memref<10240x128xf32, #tpu.memory_space<vmem_shared>> -> memref<128x128xf32, #tpu.memory_space<vmem_shared>>
      %dma_start3A_108 = arith.constant 0 : i32
      %dma_start3A_109 = arith.constant 0 : i32
      %dma_start3A_110 = tpu.memref_slice %arg11[%run_scoped3A_25, %dma_start3A_108, %dma_start3A_109] : memref<2x128x128xf32, #tpu.memory_space<vmem>> -> memref<1x128x128xf32, #tpu.memory_space<vmem>>
      %dma_start3A_111 = tpu.memref_squeeze %dma_start3A_110 : memref<1x128x128xf32, #tpu.memory_space<vmem>> -> memref<128x128xf32, #tpu.memory_space<vmem>>
      tpu.enqueue_dma source(%dma_start3A_111 : memref<128x128xf32, #tpu.memory_space<vmem>>) target(%dma_start3A_107 : memref<128x128xf32, #tpu.memory_space<vmem_shared>>) target_semaphore(%run_scoped3A_100 : memref<!tpu.dma_semaphore, #tpu.memory_space<semaphore_mem>>)
      %dma_wait3A = arith.constant 0 : i32
      %dma_wait3A_112 = arith.constant 0 : i32
      %dma_wait3A_113 = tpu.memref_slice %arg11[%run_scoped3A_25, %dma_wait3A, %dma_wait3A_112] : memref<2x128x128xf32, #tpu.memory_space<vmem>> -> memref<1x128x128xf32, #tpu.memory_space<vmem>>
      %dma_wait3A_114 = tpu.memref_squeeze %dma_wait3A_113 : memref<1x128x128xf32, #tpu.memory_space<vmem>> -> memref<128x128xf32, #tpu.memory_space<vmem>>
      %dma_wait3A_115 = arith.constant 0 : i32
      %dma_wait3A_116 = tpu.memref_slice %arg7[%add3A_24, %dma_wait3A_115] : memref<10240x128xf32, #tpu.memory_space<vmem_shared>> -> memref<128x128xf32, #tpu.memory_space<vmem_shared>>
      %dma_wait3A_117 = arith.constant 0 : i32
      %dma_wait3A_118 = tpu.memref_slice %arg7[%add3A_24, %dma_wait3A_117] : memref<10240x128xf32, #tpu.memory_space<vmem_shared>> -> memref<128x128xf32, #tpu.memory_space<vmem_shared>>
      %dma_wait3A_119 = arith.constant 0 : i32
      %dma_wait3A_120 = arith.constant 0 : i32
      %dma_wait3A_121 = tpu.memref_slice %arg11[%run_scoped3A_25, %dma_wait3A_119, %dma_wait3A_120] : memref<2x128x128xf32, #tpu.memory_space<vmem>> -> memref<1x128x128xf32, #tpu.memory_space<vmem>>
      %dma_wait3A_122 = tpu.memref_squeeze %dma_wait3A_121 : memref<1x128x128xf32, #tpu.memory_space<vmem>> -> memref<128x128xf32, #tpu.memory_space<vmem>>
      tpu.wait_dma2 semaphore(%run_scoped3A_100 : memref<!tpu.dma_semaphore, #tpu.memory_space<semaphore_mem>>) src(%dma_wait3A_122 : memref<128x128xf32, #tpu.memory_space<vmem>>) dst(%dma_wait3A_118 : memref<128x128xf32, #tpu.memory_space<vmem_shared>>)
      tpu.yield
    }) : () -> ()
    %mul3A_26 = arith.constant 640 : i32
    %mul3A_27 = arith.muli %arg1, %mul3A_26 : i32
    %add3A_28 = arith.constant 512 : i32
    %add3A_29 = arith.addi %mul3A_27, %add3A_28 : i32
    %run_scoped3A_30 = arith.constant 0 : i32
    "tpu.region"() ({
      %run_scoped3A_100 = tpu.sem_alloc : memref<!tpu.dma_semaphore, #tpu.memory_space<semaphore_mem>>
      %dma_start3A = arith.constant 0 : i32
      %dma_start3A_101 = arith.constant 0 : i32
      %dma_start3A_102 = tpu.memref_slice %arg11[%run_scoped3A_30, %dma_start3A, %dma_start3A_101] : memref<2x128x128xf32, #tpu.memory_space<vmem>> -> memref<1x128x128xf32, #tpu.memory_space<vmem>>
      %dma_start3A_103 = tpu.memref_squeeze %dma_start3A_102 : memref<1x128x128xf32, #tpu.memory_space<vmem>> -> memref<128x128xf32, #tpu.memory_space<vmem>>
      %dma_start3A_104 = arith.constant 0 : i32
      %dma_start3A_105 = tpu.memref_slice %arg7[%add3A_29, %dma_start3A_104] : memref<10240x128xf32, #tpu.memory_space<vmem_shared>> -> memref<128x128xf32, #tpu.memory_space<vmem_shared>>
      %dma_start3A_106 = arith.constant 0 : i32
      %dma_start3A_107 = tpu.memref_slice %arg7[%add3A_29, %dma_start3A_106] : memref<10240x128xf32, #tpu.memory_space<vmem_shared>> -> memref<128x128xf32, #tpu.memory_space<vmem_shared>>
      %dma_start3A_108 = arith.constant 0 : i32
      %dma_start3A_109 = arith.constant 0 : i32
      %dma_start3A_110 = tpu.memref_slice %arg11[%run_scoped3A_30, %dma_start3A_108, %dma_start3A_109] : memref<2x128x128xf32, #tpu.memory_space<vmem>> -> memref<1x128x128xf32, #tpu.memory_space<vmem>>
      %dma_start3A_111 = tpu.memref_squeeze %dma_start3A_110 : memref<1x128x128xf32, #tpu.memory_space<vmem>> -> memref<128x128xf32, #tpu.memory_space<vmem>>
      tpu.enqueue_dma source(%dma_start3A_111 : memref<128x128xf32, #tpu.memory_space<vmem>>) target(%dma_start3A_107 : memref<128x128xf32, #tpu.memory_space<vmem_shared>>) target_semaphore(%run_scoped3A_100 : memref<!tpu.dma_semaphore, #tpu.memory_space<semaphore_mem>>)
      %dma_wait3A = arith.constant 0 : i32
      %dma_wait3A_112 = arith.constant 0 : i32
      %dma_wait3A_113 = tpu.memref_slice %arg11[%run_scoped3A_30, %dma_wait3A, %dma_wait3A_112] : memref<2x128x128xf32, #tpu.memory_space<vmem>> -> memref<1x128x128xf32, #tpu.memory_space<vmem>>
      %dma_wait3A_114 = tpu.memref_squeeze %dma_wait3A_113 : memref<1x128x128xf32, #tpu.memory_space<vmem>> -> memref<128x128xf32, #tpu.memory_space<vmem>>
      %dma_wait3A_115 = arith.constant 0 : i32
      %dma_wait3A_116 = tpu.memref_slice %arg7[%add3A_29, %dma_wait3A_115] : memref<10240x128xf32, #tpu.memory_space<vmem_shared>> -> memref<128x128xf32, #tpu.memory_space<vmem_shared>>
      %dma_wait3A_117 = arith.constant 0 : i32
      %dma_wait3A_118 = tpu.memref_slice %arg7[%add3A_29, %dma_wait3A_117] : memref<10240x128xf32, #tpu.memory_space<vmem_shared>> -> memref<128x128xf32, #tpu.memory_space<vmem_shared>>
      %dma_wait3A_119 = arith.constant 0 : i32
      %dma_wait3A_120 = arith.constant 0 : i32
      %dma_wait3A_121 = tpu.memref_slice %arg11[%run_scoped3A_30, %dma_wait3A_119, %dma_wait3A_120] : memref<2x128x128xf32, #tpu.memory_space<vmem>> -> memref<1x128x128xf32, #tpu.memory_space<vmem>>
      %dma_wait3A_122 = tpu.memref_squeeze %dma_wait3A_121 : memref<1x128x128xf32, #tpu.memory_space<vmem>> -> memref<128x128xf32, #tpu.memory_space<vmem>>
      tpu.wait_dma2 semaphore(%run_scoped3A_100 : memref<!tpu.dma_semaphore, #tpu.memory_space<semaphore_mem>>) src(%dma_wait3A_122 : memref<128x128xf32, #tpu.memory_space<vmem>>) dst(%dma_wait3A_118 : memref<128x128xf32, #tpu.memory_space<vmem_shared>>)
      tpu.yield
    }) : () -> ()
    %scan3A_31 = arith.constant 0 : i32
    %scan3A_32 = arith.constant 0 : i32
    %scan3A_33 = arith.constant 8 : i32
    %scan3A_34 = arith.addi %scan3A_32, %scan3A_33 : i32
    %scan3A_35 = arith.constant 1 : i32
    %scan3A_36 = scf.for %scan3A_100 = %scan3A_32 to %scan3A_34 step %scan3A_35 iter_args(%scan3A_101 = %scan3A_31) -> (i32)  : i32 {
      %broadcast_in_dim3A_102 = arith.constant 1.000000e+00 : f32
      %broadcast_in_dim3A_103 = vector.broadcast %broadcast_in_dim3A_102 : f32 to vector<16xf32>
      %mul3A_104 = arith.constant 16 : i32
      %mul3A_105 = arith.muli %scan3A_100, %mul3A_104 : i32
      %swap3A = arith.index_cast %mul3A_105 : i32 to index
      %swap3A_106 = tpu.vector_load %arg12[%swap3A] {strides = array<i32>} : memref<128xf32, #tpu.memory_space<vmem>>, vector<16xf32>,
      %swap3A_107 = vector.shape_cast %swap3A_106 : vector<16xf32> to vector<16xf32>
      %swap3A_108 = vector.shape_cast %broadcast_in_dim3A_103 : vector<16xf32> to vector<16xf32>
      tpu.vector_store %arg12[%swap3A], %swap3A_108 {strides = array<i32>} : memref<128xf32, #tpu.memory_space<vmem>>, vector<16xf32>,
      %scan3A_109 = arith.constant 0 : i32
      scf.yield %scan3A_109 : i32
    }
    %scan3A_37 = arith.constant 8 : i32
    %scan3A_38 = arith.constant 0 : i32
    %scan3A_39 = arith.constant 0 : i32
    %scan3A_40 = arith.constant 40 : i32
    %scan3A_41 = arith.addi %scan3A_39, %scan3A_40 : i32
    %scan3A_42 = arith.constant 1 : i32
    %scan3A_43 = scf.for %scan3A_100 = %scan3A_39 to %scan3A_41 step %scan3A_42 iter_args(%scan3A_101 = %scan3A_38) -> (i32)  : i32 {
      %mul3A_102 = arith.constant 16 : i32
      %mul3A_103 = arith.muli %scan3A_100, %mul3A_102 : i32
      %swap3A = arith.index_cast %mul3A_103 : i32 to index
      %swap3A_104 = tpu.vector_load %arg13[%swap3A] {strides = array<i32>} : memref<640xf32, #tpu.memory_space<vmem>>, vector<16xf32>,
      %swap3A_105 = vector.shape_cast %swap3A_104 : vector<16xf32> to vector<16xf32>
      %swap3A_106 = vector.shape_cast %broadcast_in_dim3A_1 : vector<16xf32> to vector<16xf32>
      tpu.vector_store %arg13[%swap3A], %swap3A_106 {strides = array<i32>} : memref<640xf32, #tpu.memory_space<vmem>>, vector<16xf32>,
      %scan3A_107 = arith.constant 0 : i32
      scf.yield %scan3A_107 : i32
    }
    %scan3A_44 = arith.constant 40 : i32
    "tpu.region"() ({
      %run_scoped3A_100 = tpu.sem_alloc : memref<!tpu.dma_semaphore, #tpu.memory_space<semaphore_mem>>
      %dma_start3A = tpu.memref_slice %arg8[%mul3A_0] : memref<10240xf32, #tpu.memory_space<vmem_shared>> -> memref<640xf32, #tpu.memory_space<vmem_shared>>
      %dma_start3A_101 = tpu.memref_slice %arg8[%mul3A_0] : memref<10240xf32, #tpu.memory_space<vmem_shared>> -> memref<640xf32, #tpu.memory_space<vmem_shared>>
      tpu.enqueue_dma source(%arg13 : memref<640xf32, #tpu.memory_space<vmem>>) target(%dma_start3A_101 : memref<640xf32, #tpu.memory_space<vmem_shared>>) target_semaphore(%run_scoped3A_100 : memref<!tpu.dma_semaphore, #tpu.memory_space<semaphore_mem>>)
      %dma_wait3A = tpu.memref_slice %arg8[%mul3A_0] : memref<10240xf32, #tpu.memory_space<vmem_shared>> -> memref<640xf32, #tpu.memory_space<vmem_shared>>
      %dma_wait3A_102 = tpu.memref_slice %arg8[%mul3A_0] : memref<10240xf32, #tpu.memory_space<vmem_shared>> -> memref<640xf32, #tpu.memory_space<vmem_shared>>
      tpu.wait_dma2 semaphore(%run_scoped3A_100 : memref<!tpu.dma_semaphore, #tpu.memory_space<semaphore_mem>>) src(%arg13 : memref<640xf32, #tpu.memory_space<vmem>>) dst(%dma_wait3A_102 : memref<640xf32, #tpu.memory_space<vmem_shared>>)
      tpu.yield
    }) : () -> ()
    %barrier3A = arith.constant 0 : index
    tpu.barrier barrier_id(%barrier3A)
    %eq3A = arith.constant 0 : i32
    %eq3A_45 = arith.cmpi eq, %arg0, %eq3A : i32
    %jit3A = arith.constant 113 : i32
    %jit3A_46 = arith.constant 47 : i32
    %select_n3A = arith.select %eq3A_45, %jit3A, %jit3A_46 : i32
    %mul3A_47 = arith.constant 160 : i32
    %mul3A_48 = arith.muli %arg1, %mul3A_47 : i32
    %eq3A_49 = arith.constant 0 : i32
    %eq3A_50 = arith.cmpi eq, %arg0, %eq3A_49 : i32
    %jit3A_51 = arith.constant 0 : i32
    %jit3A_52 = arith.constant 113 : i32
    %select_n3A_53 = arith.select %eq3A_50, %jit3A_51, %jit3A_52 : i32
    %add3A_54 = arith.addi %mul3A_48, %select_n3A_53 : i32
    %mul3A_55 = arith.constant 128 : i32
    %mul3A_56 = arith.muli %add3A_54, %mul3A_55 : i32
    %gt3A = arith.constant 0 : i32
    %gt3A_57 = arith.cmpi sgt, %select_n3A, %gt3A : i32
    %convert_element_type3A = arith.extui %gt3A_57 : i1 to i32
    %cond3A = arith.constant 0 : i32
    %cond3A_58 = arith.cmpi ne, %convert_element_type3A, %cond3A : i32
    scf.if %cond3A_58 {
      %rem3A = arith.constant 0 : i32
      %rem3A_100 = arith.constant 4 : i32
      %rem3A_101 = arith.remsi %rem3A, %rem3A_100 : i32
      %add3A_102 = arith.constant 0 : i32
      %add3A_103 = arith.addi %mul3A_56, %add3A_102 : i32
      %dma_start3A = arith.constant 0 : i32
      %dma_start3A_104 = tpu.memref_slice %arg9[%rem3A_101, %dma_start3A] : memref<4x128xi32, #tpu.memory_space<vmem>> -> memref<1x128xi32, #tpu.memory_space<vmem>>
      %dma_start3A_105 = tpu.memref_squeeze %dma_start3A_104 : memref<1x128xi32, #tpu.memory_space<vmem>> -> memref<128xi32, #tpu.memory_space<vmem>>
      %dma_start3A_106 = tpu.memref_slice %arg3[%add3A_103] : memref<327680xi32, #tpu.memory_space<hbm>> -> memref<128xi32, #tpu.memory_space<hbm>>
      %dma_start3A_107 = tpu.memref_slice %arg16[%rem3A_101] : memref<4x!tpu.dma_semaphore, #tpu.memory_space<semaphore_mem>> -> memref<1x!tpu.dma_semaphore, #tpu.memory_space<semaphore_mem>>
      %dma_start3A_108 = tpu.memref_squeeze %dma_start3A_107 : memref<1x!tpu.dma_semaphore, #tpu.memory_space<semaphore_mem>> -> memref<!tpu.dma_semaphore, #tpu.memory_space<semaphore_mem>>
      %dma_start3A_109 = arith.constant 0 : i32
      %dma_start3A_110 = tpu.memref_slice %arg9[%rem3A_101, %dma_start3A_109] : memref<4x128xi32, #tpu.memory_space<vmem>> -> memref<1x128xi32, #tpu.memory_space<vmem>>
      %dma_start3A_111 = tpu.memref_squeeze %dma_start3A_110 : memref<1x128xi32, #tpu.memory_space<vmem>> -> memref<128xi32, #tpu.memory_space<vmem>>
      %dma_start3A_112 = tpu.memref_slice %arg3[%add3A_103] : memref<327680xi32, #tpu.memory_space<hbm>> -> memref<128xi32, #tpu.memory_space<hbm>>
      tpu.enqueue_dma source(%dma_start3A_112 : memref<128xi32, #tpu.memory_space<hbm>>) target(%dma_start3A_111 : memref<128xi32, #tpu.memory_space<vmem>>) target_semaphore(%dma_start3A_108 : memref<!tpu.dma_semaphore, #tpu.memory_space<semaphore_mem>>)
      %dma_start3A_113 = arith.constant 0 : i32
      %dma_start3A_114 = tpu.memref_slice %arg10[%rem3A_101, %dma_start3A_113] : memref<4x128xi32, #tpu.memory_space<vmem>> -> memref<1x128xi32, #tpu.memory_space<vmem>>
      %dma_start3A_115 = tpu.memref_squeeze %dma_start3A_114 : memref<1x128xi32, #tpu.memory_space<vmem>> -> memref<128xi32, #tpu.memory_space<vmem>>
      %dma_start3A_116 = tpu.memref_slice %arg4[%add3A_103] : memref<327680xi32, #tpu.memory_space<hbm>> -> memref<128xi32, #tpu.memory_space<hbm>>
      %dma_start3A_117 = tpu.memref_slice %arg16[%rem3A_101] : memref<4x!tpu.dma_semaphore, #tpu.memory_space<semaphore_mem>> -> memref<1x!tpu.dma_semaphore, #tpu.memory_space<semaphore_mem>>
      %dma_start3A_118 = tpu.memref_squeeze %dma_start3A_117 : memref<1x!tpu.dma_semaphore, #tpu.memory_space<semaphore_mem>> -> memref<!tpu.dma_semaphore, #tpu.memory_space<semaphore_mem>>
      %dma_start3A_119 = arith.constant 0 : i32
      %dma_start3A_120 = tpu.memref_slice %arg10[%rem3A_101, %dma_start3A_119] : memref<4x128xi32, #tpu.memory_space<vmem>> -> memref<1x128xi32, #tpu.memory_space<vmem>>
      %dma_start3A_121 = tpu.memref_squeeze %dma_start3A_120 : memref<1x128xi32, #tpu.memory_space<vmem>> -> memref<128xi32, #tpu.memory_space<vmem>>
      %dma_start3A_122 = tpu.memref_slice %arg4[%add3A_103] : memref<327680xi32, #tpu.memory_space<hbm>> -> memref<128xi32, #tpu.memory_space<hbm>>
      tpu.enqueue_dma source(%dma_start3A_122 : memref<128xi32, #tpu.memory_space<hbm>>) target(%dma_start3A_121 : memref<128xi32, #tpu.memory_space<vmem>>) target_semaphore(%dma_start3A_118 : memref<!tpu.dma_semaphore, #tpu.memory_space<semaphore_mem>>)
    } else {
    }
    %gt3A_59 = arith.constant 1 : i32
    %gt3A_60 = arith.cmpi sgt, %select_n3A, %gt3A_59 : i32
    %convert_element_type3A_61 = arith.extui %gt3A_60 : i1 to i32
    %cond3A_62 = arith.constant 0 : i32
    %cond3A_63 = arith.cmpi ne, %convert_element_type3A_61, %cond3A_62 : i32
    scf.if %cond3A_63 {
      %rem3A = arith.constant 1 : i32
      %rem3A_100 = arith.constant 4 : i32
      %rem3A_101 = arith.remsi %rem3A, %rem3A_100 : i32
      %add3A_102 = arith.constant 128 : i32
      %add3A_103 = arith.addi %mul3A_56, %add3A_102 : i32
      %dma_start3A = arith.constant 0 : i32
      %dma_start3A_104 = tpu.memref_slice %arg9[%rem3A_101, %dma_start3A] : memref<4x128xi32, #tpu.memory_space<vmem>> -> memref<1x128xi32, #tpu.memory_space<vmem>>
      %dma_start3A_105 = tpu.memref_squeeze %dma_start3A_104 : memref<1x128xi32, #tpu.memory_space<vmem>> -> memref<128xi32, #tpu.memory_space<vmem>>
      %dma_start3A_106 = tpu.memref_slice %arg3[%add3A_103] : memref<327680xi32, #tpu.memory_space<hbm>> -> memref<128xi32, #tpu.memory_space<hbm>>
      %dma_start3A_107 = tpu.memref_slice %arg16[%rem3A_101] : memref<4x!tpu.dma_semaphore, #tpu.memory_space<semaphore_mem>> -> memref<1x!tpu.dma_semaphore, #tpu.memory_space<semaphore_mem>>
      %dma_start3A_108 = tpu.memref_squeeze %dma_start3A_107 : memref<1x!tpu.dma_semaphore, #tpu.memory_space<semaphore_mem>> -> memref<!tpu.dma_semaphore, #tpu.memory_space<semaphore_mem>>
      %dma_start3A_109 = arith.constant 0 : i32
      %dma_start3A_110 = tpu.memref_slice %arg9[%rem3A_101, %dma_start3A_109] : memref<4x128xi32, #tpu.memory_space<vmem>> -> memref<1x128xi32, #tpu.memory_space<vmem>>
      %dma_start3A_111 = tpu.memref_squeeze %dma_start3A_110 : memref<1x128xi32, #tpu.memory_space<vmem>> -> memref<128xi32, #tpu.memory_space<vmem>>
      %dma_start3A_112 = tpu.memref_slice %arg3[%add3A_103] : memref<327680xi32, #tpu.memory_space<hbm>> -> memref<128xi32, #tpu.memory_space<hbm>>
      tpu.enqueue_dma source(%dma_start3A_112 : memref<128xi32, #tpu.memory_space<hbm>>) target(%dma_start3A_111 : memref<128xi32, #tpu.memory_space<vmem>>) target_semaphore(%dma_start3A_108 : memref<!tpu.dma_semaphore, #tpu.memory_space<semaphore_mem>>)
      %dma_start3A_113 = arith.constant 0 : i32
      %dma_start3A_114 = tpu.memref_slice %arg10[%rem3A_101, %dma_start3A_113] : memref<4x128xi32, #tpu.memory_space<vmem>> -> memref<1x128xi32, #tpu.memory_space<vmem>>
      %dma_start3A_115 = tpu.memref_squeeze %dma_start3A_114 : memref<1x128xi32, #tpu.memory_space<vmem>> -> memref<128xi32, #tpu.memory_space<vmem>>
      %dma_start3A_116 = tpu.memref_slice %arg4[%add3A_103] : memref<327680xi32, #tpu.memory_space<hbm>> -> memref<128xi32, #tpu.memory_space<hbm>>
      %dma_start3A_117 = tpu.memref_slice %arg16[%rem3A_101] : memref<4x!tpu.dma_semaphore, #tpu.memory_space<semaphore_mem>> -> memref<1x!tpu.dma_semaphore, #tpu.memory_space<semaphore_mem>>
      %dma_start3A_118 = tpu.memref_squeeze %dma_start3A_117 : memref<1x!tpu.dma_semaphore, #tpu.memory_space<semaphore_mem>> -> memref<!tpu.dma_semaphore, #tpu.memory_space<semaphore_mem>>
      %dma_start3A_119 = arith.constant 0 : i32
      %dma_start3A_120 = tpu.memref_slice %arg10[%rem3A_101, %dma_start3A_119] : memref<4x128xi32, #tpu.memory_space<vmem>> -> memref<1x128xi32, #tpu.memory_space<vmem>>
      %dma_start3A_121 = tpu.memref_squeeze %dma_start3A_120 : memref<1x128xi32, #tpu.memory_space<vmem>> -> memref<128xi32, #tpu.memory_space<vmem>>
      %dma_start3A_122 = tpu.memref_slice %arg4[%add3A_103] : memref<327680xi32, #tpu.memory_space<hbm>> -> memref<128xi32, #tpu.memory_space<hbm>>
      tpu.enqueue_dma source(%dma_start3A_122 : memref<128xi32, #tpu.memory_space<hbm>>) target(%dma_start3A_121 : memref<128xi32, #tpu.memory_space<vmem>>) target_semaphore(%dma_start3A_118 : memref<!tpu.dma_semaphore, #tpu.memory_space<semaphore_mem>>)
    } else {
    }
    %gt3A_64 = arith.constant 2 : i32
    %gt3A_65 = arith.cmpi sgt, %select_n3A, %gt3A_64 : i32
    %convert_element_type3A_66 = arith.extui %gt3A_65 : i1 to i32
    %cond3A_67 = arith.constant 0 : i32
    %cond3A_68 = arith.cmpi ne, %convert_element_type3A_66, %cond3A_67 : i32
    scf.if %cond3A_68 {
      %rem3A = arith.constant 2 : i32
      %rem3A_100 = arith.constant 4 : i32
      %rem3A_101 = arith.remsi %rem3A, %rem3A_100 : i32
      %add3A_102 = arith.constant 256 : i32
      %add3A_103 = arith.addi %mul3A_56, %add3A_102 : i32
      %dma_start3A = arith.constant 0 : i32
      %dma_start3A_104 = tpu.memref_slice %arg9[%rem3A_101, %dma_start3A] : memref<4x128xi32, #tpu.memory_space<vmem>> -> memref<1x128xi32, #tpu.memory_space<vmem>>
      %dma_start3A_105 = tpu.memref_squeeze %dma_start3A_104 : memref<1x128xi32, #tpu.memory_space<vmem>> -> memref<128xi32, #tpu.memory_space<vmem>>
      %dma_start3A_106 = tpu.memref_slice %arg3[%add3A_103] : memref<327680xi32, #tpu.memory_space<hbm>> -> memref<128xi32, #tpu.memory_space<hbm>>
      %dma_start3A_107 = tpu.memref_slice %arg16[%rem3A_101] : memref<4x!tpu.dma_semaphore, #tpu.memory_space<semaphore_mem>> -> memref<1x!tpu.dma_semaphore, #tpu.memory_space<semaphore_mem>>
      %dma_start3A_108 = tpu.memref_squeeze %dma_start3A_107 : memref<1x!tpu.dma_semaphore, #tpu.memory_space<semaphore_mem>> -> memref<!tpu.dma_semaphore, #tpu.memory_space<semaphore_mem>>
      %dma_start3A_109 = arith.constant 0 : i32
      %dma_start3A_110 = tpu.memref_slice %arg9[%rem3A_101, %dma_start3A_109] : memref<4x128xi32, #tpu.memory_space<vmem>> -> memref<1x128xi32, #tpu.memory_space<vmem>>
      %dma_start3A_111 = tpu.memref_squeeze %dma_start3A_110 : memref<1x128xi32, #tpu.memory_space<vmem>> -> memref<128xi32, #tpu.memory_space<vmem>>
      %dma_start3A_112 = tpu.memref_slice %arg3[%add3A_103] : memref<327680xi32, #tpu.memory_space<hbm>> -> memref<128xi32, #tpu.memory_space<hbm>>
      tpu.enqueue_dma source(%dma_start3A_112 : memref<128xi32, #tpu.memory_space<hbm>>) target(%dma_start3A_111 : memref<128xi32, #tpu.memory_space<vmem>>) target_semaphore(%dma_start3A_108 : memref<!tpu.dma_semaphore, #tpu.memory_space<semaphore_mem>>)
      %dma_start3A_113 = arith.constant 0 : i32
      %dma_start3A_114 = tpu.memref_slice %arg10[%rem3A_101, %dma_start3A_113] : memref<4x128xi32, #tpu.memory_space<vmem>> -> memref<1x128xi32, #tpu.memory_space<vmem>>
      %dma_start3A_115 = tpu.memref_squeeze %dma_start3A_114 : memref<1x128xi32, #tpu.memory_space<vmem>> -> memref<128xi32, #tpu.memory_space<vmem>>
      %dma_start3A_116 = tpu.memref_slice %arg4[%add3A_103] : memref<327680xi32, #tpu.memory_space<hbm>> -> memref<128xi32, #tpu.memory_space<hbm>>
      %dma_start3A_117 = tpu.memref_slice %arg16[%rem3A_101] : memref<4x!tpu.dma_semaphore, #tpu.memory_space<semaphore_mem>> -> memref<1x!tpu.dma_semaphore, #tpu.memory_space<semaphore_mem>>
      %dma_start3A_118 = tpu.memref_squeeze %dma_start3A_117 : memref<1x!tpu.dma_semaphore, #tpu.memory_space<semaphore_mem>> -> memref<!tpu.dma_semaphore, #tpu.memory_space<semaphore_mem>>
      %dma_start3A_119 = arith.constant 0 : i32
      %dma_start3A_120 = tpu.memref_slice %arg10[%rem3A_101, %dma_start3A_119] : memref<4x128xi32, #tpu.memory_space<vmem>> -> memref<1x128xi32, #tpu.memory_space<vmem>>
      %dma_start3A_121 = tpu.memref_squeeze %dma_start3A_120 : memref<1x128xi32, #tpu.memory_space<vmem>> -> memref<128xi32, #tpu.memory_space<vmem>>
      %dma_start3A_122 = tpu.memref_slice %arg4[%add3A_103] : memref<327680xi32, #tpu.memory_space<hbm>> -> memref<128xi32, #tpu.memory_space<hbm>>
      tpu.enqueue_dma source(%dma_start3A_122 : memref<128xi32, #tpu.memory_space<hbm>>) target(%dma_start3A_121 : memref<128xi32, #tpu.memory_space<vmem>>) target_semaphore(%dma_start3A_118 : memref<!tpu.dma_semaphore, #tpu.memory_space<semaphore_mem>>)
    } else {
    }
    %gt3A_69 = arith.constant 0 : i32
    %gt3A_70 = arith.cmpi sgt, %select_n3A, %gt3A_69 : i32
    %convert_element_type3A_71 = arith.extui %gt3A_70 : i1 to i32
    %cond3A_72 = arith.constant 0 : i32
    %cond3A_73 = arith.cmpi ne, %convert_element_type3A_71, %cond3A_72 : i32
    scf.if %cond3A_73 {
      %rem3A = arith.constant 0 : i32
      %rem3A_100 = arith.constant 4 : i32
      %rem3A_101 = arith.remsi %rem3A, %rem3A_100 : i32
      %add3A_102 = arith.constant 0 : i32
      %add3A_103 = arith.addi %mul3A_56, %add3A_102 : i32
      %dma_wait3A = arith.constant 0 : i32
      %dma_wait3A_104 = tpu.memref_slice %arg9[%rem3A_101, %dma_wait3A] : memref<4x128xi32, #tpu.memory_space<vmem>> -> memref<1x128xi32, #tpu.memory_space<vmem>>
      %dma_wait3A_105 = tpu.memref_squeeze %dma_wait3A_104 : memref<1x128xi32, #tpu.memory_space<vmem>> -> memref<128xi32, #tpu.memory_space<vmem>>
      %dma_wait3A_106 = tpu.memref_slice %arg3[%add3A_103] : memref<327680xi32, #tpu.memory_space<hbm>> -> memref<128xi32, #tpu.memory_space<hbm>>
      %dma_wait3A_107 = tpu.memref_slice %arg16[%rem3A_101] : memref<4x!tpu.dma_semaphore, #tpu.memory_space<semaphore_mem>> -> memref<1x!tpu.dma_semaphore, #tpu.memory_space<semaphore_mem>>
      %dma_wait3A_108 = tpu.memref_squeeze %dma_wait3A_107 : memref<1x!tpu.dma_semaphore, #tpu.memory_space<semaphore_mem>> -> memref<!tpu.dma_semaphore, #tpu.memory_space<semaphore_mem>>
      %dma_wait3A_109 = arith.constant 0 : i32
      %dma_wait3A_110 = tpu.memref_slice %arg9[%rem3A_101, %dma_wait3A_109] : memref<4x128xi32, #tpu.memory_space<vmem>> -> memref<1x128xi32, #tpu.memory_space<vmem>>
      %dma_wait3A_111 = tpu.memref_squeeze %dma_wait3A_110 : memref<1x128xi32, #tpu.memory_space<vmem>> -> memref<128xi32, #tpu.memory_space<vmem>>
      %dma_wait3A_112 = tpu.memref_slice %arg3[%add3A_103] : memref<327680xi32, #tpu.memory_space<hbm>> -> memref<128xi32, #tpu.memory_space<hbm>>
      tpu.wait_dma2 semaphore(%dma_wait3A_108 : memref<!tpu.dma_semaphore, #tpu.memory_space<semaphore_mem>>) src(%dma_wait3A_112 : memref<128xi32, #tpu.memory_space<hbm>>) dst(%dma_wait3A_111 : memref<128xi32, #tpu.memory_space<vmem>>)
      %dma_wait3A_113 = arith.constant 0 : i32
      %dma_wait3A_114 = tpu.memref_slice %arg10[%rem3A_101, %dma_wait3A_113] : memref<4x128xi32, #tpu.memory_space<vmem>> -> memref<1x128xi32, #tpu.memory_space<vmem>>
      %dma_wait3A_115 = tpu.memref_squeeze %dma_wait3A_114 : memref<1x128xi32, #tpu.memory_space<vmem>> -> memref<128xi32, #tpu.memory_space<vmem>>
      %dma_wait3A_116 = tpu.memref_slice %arg4[%add3A_103] : memref<327680xi32, #tpu.memory_space<hbm>> -> memref<128xi32, #tpu.memory_space<hbm>>
      %dma_wait3A_117 = tpu.memref_slice %arg16[%rem3A_101] : memref<4x!tpu.dma_semaphore, #tpu.memory_space<semaphore_mem>> -> memref<1x!tpu.dma_semaphore, #tpu.memory_space<semaphore_mem>>
      %dma_wait3A_118 = tpu.memref_squeeze %dma_wait3A_117 : memref<1x!tpu.dma_semaphore, #tpu.memory_space<semaphore_mem>> -> memref<!tpu.dma_semaphore, #tpu.memory_space<semaphore_mem>>
      %dma_wait3A_119 = arith.constant 0 : i32
      %dma_wait3A_120 = tpu.memref_slice %arg10[%rem3A_101, %dma_wait3A_119] : memref<4x128xi32, #tpu.memory_space<vmem>> -> memref<1x128xi32, #tpu.memory_space<vmem>>
      %dma_wait3A_121 = tpu.memref_squeeze %dma_wait3A_120 : memref<1x128xi32, #tpu.memory_space<vmem>> -> memref<128xi32, #tpu.memory_space<vmem>>
      %dma_wait3A_122 = tpu.memref_slice %arg4[%add3A_103] : memref<327680xi32, #tpu.memory_space<hbm>> -> memref<128xi32, #tpu.memory_space<hbm>>
      tpu.wait_dma2 semaphore(%dma_wait3A_118 : memref<!tpu.dma_semaphore, #tpu.memory_space<semaphore_mem>>) src(%dma_wait3A_122 : memref<128xi32, #tpu.memory_space<hbm>>) dst(%dma_wait3A_121 : memref<128xi32, #tpu.memory_space<vmem>>)
      %rem3A_123 = arith.constant 0 : i32
      %rem3A_124 = arith.constant 4 : i32
      %rem3A_125 = arith.remsi %rem3A_123, %rem3A_124 : i32
      %rem3A_126 = arith.constant 0 : i32
      %rem3A_127 = arith.constant 2 : i32
      %rem3A_128 = arith.remsi %rem3A_126, %rem3A_127 : i32
      %rem3A_129 = arith.constant 0 : i32
      %rem3A_130 = arith.constant 2 : i32
      %rem3A_131 = arith.remsi %rem3A_129, %rem3A_130 : i32
      %dma_start3A = arith.constant 0 : i32
      %dma_start3A_132 = arith.constant 0 : i32
      %dma_start3A_133 = tpu.memref_slice %arg11[%rem3A_128, %dma_start3A, %dma_start3A_132] : memref<2x128x128xf32, #tpu.memory_space<vmem>> -> memref<1x128x128xf32, #tpu.memory_space<vmem>>
      %dma_start3A_134 = tpu.memref_squeeze %dma_start3A_133 : memref<1x128x128xf32, #tpu.memory_space<vmem>> -> memref<128x128xf32, #tpu.memory_space<vmem>>
      %dma_start3A_135 = arith.constant 0 : i32
      %dma_start3A_136 = tpu.memref_slice %arg9[%rem3A_125, %dma_start3A_135] : memref<4x128xi32, #tpu.memory_space<vmem>> -> memref<1x128xi32, #tpu.memory_space<vmem>>
      %dma_start3A_137 = tpu.memref_squeeze %dma_start3A_136 : memref<1x128xi32, #tpu.memory_space<vmem>> -> memref<128xi32, #tpu.memory_space<vmem>>
      %dma_start3A_138 = arith.constant 0 : i32
      %dma_start3A_139 = arith.constant 0 : i32
      %dma_start3A_140 = tpu.memref_slice %arg2[%dma_start3A_138, %dma_start3A_139] : memref<10240x128xf32, #tpu.memory_space<hbm>> -> memref<10240x128xf32, #tpu.memory_space<hbm>>
      %dma_start3A_141 = tpu.memref_slice %arg14[%rem3A_131] : memref<2x!tpu.dma_semaphore, #tpu.memory_space<semaphore_mem>> -> memref<1x!tpu.dma_semaphore, #tpu.memory_space<semaphore_mem>>
      %dma_start3A_142 = tpu.memref_squeeze %dma_start3A_141 : memref<1x!tpu.dma_semaphore, #tpu.memory_space<semaphore_mem>> -> memref<!tpu.dma_semaphore, #tpu.memory_space<semaphore_mem>>
      tpu.enqueue_indirect_dma source(%dma_start3A_140 : memref<10240x128xf32, #tpu.memory_space<hbm>>) target(%dma_start3A_134 : memref<128x128xf32, #tpu.memory_space<vmem>>) offsets(%dma_start3A_137 : memref<128xi32, #tpu.memory_space<vmem>>) semaphore(%dma_start3A_142 : memref<!tpu.dma_semaphore, #tpu.memory_space<semaphore_mem>>)
    } else {
    }
    %while3A = arith.constant 0 : i32
    %while3A_74 = arith.constant 0 : i32
    %while3A_75 = arith.subi %select_n3A, %while3A : i32
    %while3A_76 = arith.addi %while3A, %while3A_75 : i32
    %while3A_77 = arith.constant 1 : i32
    %while3A_78 = arith.divsi %while3A_75, %while3A_77 : i32
    %while3A_79 = arith.muli %while3A_78, %while3A_77 : i32
    %while3A_80 = arith.addi %while3A, %while3A_79 : i32
    %while3A_81 = arith.constant 1 : i32
    %while3A_82 = scf.for %while3A_100 = %while3A to %while3A_80 step %while3A_81 iter_args(%while3A_101 = %while3A_74) -> (i32)  : i32 {
      %ge3A_102 = arith.constant 1 : i32
      %ge3A_103 = arith.cmpi sge, %while3A_100, %ge3A_102 : i32
      %convert_element_type3A_104 = arith.extui %ge3A_103 : i1 to i32
      %cond3A_105 = arith.constant 0 : i32
      %cond3A_106 = arith.cmpi ne, %convert_element_type3A_104, %cond3A_105 : i32
      scf.if %cond3A_106 {
        %sub3A = arith.constant 1 : i32
        %sub3A_157 = arith.subi %while3A_100, %sub3A : i32
        %rem3A_158 = arith.constant 2 : i32
        %rem3A_159 = arith.remsi %sub3A_157, %rem3A_158 : i32
        %rem3A_160 = arith.constant 4 : i32
        %rem3A_161 = arith.remsi %sub3A_157, %rem3A_160 : i32
        %dma_wait3A_162 = arith.constant 0 : i32
        %dma_wait3A_163 = arith.constant 0 : i32
        %dma_wait3A_164 = tpu.memref_slice %arg11[%rem3A_159, %dma_wait3A_162, %dma_wait3A_163] : memref<2x128x128xf32, #tpu.memory_space<vmem>> -> memref<1x128x128xf32, #tpu.memory_space<vmem>>
        %dma_wait3A_165 = tpu.memref_squeeze %dma_wait3A_164 : memref<1x128x128xf32, #tpu.memory_space<vmem>> -> memref<128x128xf32, #tpu.memory_space<vmem>>
        %dma_wait3A_166 = arith.constant 0 : i32
        %dma_wait3A_167 = tpu.memref_slice %arg10[%rem3A_161, %dma_wait3A_166] : memref<4x128xi32, #tpu.memory_space<vmem>> -> memref<1x128xi32, #tpu.memory_space<vmem>>
        %dma_wait3A_168 = tpu.memref_squeeze %dma_wait3A_167 : memref<1x128xi32, #tpu.memory_space<vmem>> -> memref<128xi32, #tpu.memory_space<vmem>>
        %dma_wait3A_169 = arith.constant 0 : i32
        %dma_wait3A_170 = arith.constant 0 : i32
        %dma_wait3A_171 = tpu.memref_slice %arg7[%dma_wait3A_169, %dma_wait3A_170] : memref<10240x128xf32, #tpu.memory_space<vmem_shared>> -> memref<10240x128xf32, #tpu.memory_space<vmem_shared>>
        %dma_wait3A_172 = tpu.memref_slice %arg15[%rem3A_159] : memref<2x!tpu.dma_semaphore, #tpu.memory_space<semaphore_mem>> -> memref<1x!tpu.dma_semaphore, #tpu.memory_space<semaphore_mem>>
        %dma_wait3A_173 = tpu.memref_squeeze %dma_wait3A_172 : memref<1x!tpu.dma_semaphore, #tpu.memory_space<semaphore_mem>> -> memref<!tpu.dma_semaphore, #tpu.memory_space<semaphore_mem>>
        tpu.wait_indirect_dma semaphore(%dma_wait3A_173 : memref<!tpu.dma_semaphore, #tpu.memory_space<semaphore_mem>>) src(%dma_wait3A_165 : memref<128x128xf32, #tpu.memory_space<vmem>>) dst(%dma_wait3A_171 : memref<10240x128xf32, #tpu.memory_space<vmem_shared>>)
        %dma_wait3A_174 = arith.constant 0 : i32
        %dma_wait3A_175 = tpu.memref_slice %arg10[%rem3A_161, %dma_wait3A_174] : memref<4x128xi32, #tpu.memory_space<vmem>> -> memref<1x128xi32, #tpu.memory_space<vmem>>
        %dma_wait3A_176 = tpu.memref_squeeze %dma_wait3A_175 : memref<1x128xi32, #tpu.memory_space<vmem>> -> memref<128xi32, #tpu.memory_space<vmem>>
        %dma_wait3A_177 = arith.constant 0 : i32
        %dma_wait3A_178 = tpu.memref_slice %arg8[%dma_wait3A_177] : memref<10240xf32, #tpu.memory_space<vmem_shared>> -> memref<10240xf32, #tpu.memory_space<vmem_shared>>
        %dma_wait3A_179 = tpu.memref_slice %arg15[%rem3A_159] : memref<2x!tpu.dma_semaphore, #tpu.memory_space<semaphore_mem>> -> memref<1x!tpu.dma_semaphore, #tpu.memory_space<semaphore_mem>>
        %dma_wait3A_180 = tpu.memref_squeeze %dma_wait3A_179 : memref<1x!tpu.dma_semaphore, #tpu.memory_space<semaphore_mem>> -> memref<!tpu.dma_semaphore, #tpu.memory_space<semaphore_mem>>
        tpu.wait_indirect_dma semaphore(%dma_wait3A_180 : memref<!tpu.dma_semaphore, #tpu.memory_space<semaphore_mem>>) src(%arg12 : memref<128xf32, #tpu.memory_space<vmem>>) dst(%dma_wait3A_178 : memref<10240xf32, #tpu.memory_space<vmem_shared>>)
      } else {
      }
      %add3A_107 = arith.constant 3 : i32
      %add3A_108 = arith.addi %while3A_100, %add3A_107 : i32
      %lt3A = arith.cmpi slt, %add3A_108, %select_n3A : i32
      %convert_element_type3A_109 = arith.extui %lt3A : i1 to i32
      %cond3A_110 = arith.constant 0 : i32
      %cond3A_111 = arith.cmpi ne, %convert_element_type3A_109, %cond3A_110 : i32
      scf.if %cond3A_111 {
        %add3A_157 = arith.constant 3 : i32
        %add3A_158 = arith.addi %while3A_100, %add3A_157 : i32
        %rem3A_159 = arith.constant 4 : i32
        %rem3A_160 = arith.remsi %add3A_158, %rem3A_159 : i32
        %mul3A_161 = arith.constant 128 : i32
        %mul3A_162 = arith.muli %add3A_158, %mul3A_161 : i32
        %add3A_163 = arith.addi %mul3A_56, %mul3A_162 : i32
        %dma_start3A_164 = arith.constant 0 : i32
        %dma_start3A_165 = tpu.memref_slice %arg9[%rem3A_160, %dma_start3A_164] : memref<4x128xi32, #tpu.memory_space<vmem>> -> memref<1x128xi32, #tpu.memory_space<vmem>>
        %dma_start3A_166 = tpu.memref_squeeze %dma_start3A_165 : memref<1x128xi32, #tpu.memory_space<vmem>> -> memref<128xi32, #tpu.memory_space<vmem>>
        %dma_start3A_167 = tpu.memref_slice %arg3[%add3A_163] : memref<327680xi32, #tpu.memory_space<hbm>> -> memref<128xi32, #tpu.memory_space<hbm>>
        %dma_start3A_168 = tpu.memref_slice %arg16[%rem3A_160] : memref<4x!tpu.dma_semaphore, #tpu.memory_space<semaphore_mem>> -> memref<1x!tpu.dma_semaphore, #tpu.memory_space<semaphore_mem>>
        %dma_start3A_169 = tpu.memref_squeeze %dma_start3A_168 : memref<1x!tpu.dma_semaphore, #tpu.memory_space<semaphore_mem>> -> memref<!tpu.dma_semaphore, #tpu.memory_space<semaphore_mem>>
        %dma_start3A_170 = arith.constant 0 : i32
        %dma_start3A_171 = tpu.memref_slice %arg9[%rem3A_160, %dma_start3A_170] : memref<4x128xi32, #tpu.memory_space<vmem>> -> memref<1x128xi32, #tpu.memory_space<vmem>>
        %dma_start3A_172 = tpu.memref_squeeze %dma_start3A_171 : memref<1x128xi32, #tpu.memory_space<vmem>> -> memref<128xi32, #tpu.memory_space<vmem>>
        %dma_start3A_173 = tpu.memref_slice %arg3[%add3A_163] : memref<327680xi32, #tpu.memory_space<hbm>> -> memref<128xi32, #tpu.memory_space<hbm>>
        tpu.enqueue_dma source(%dma_start3A_173 : memref<128xi32, #tpu.memory_space<hbm>>) target(%dma_start3A_172 : memref<128xi32, #tpu.memory_space<vmem>>) target_semaphore(%dma_start3A_169 : memref<!tpu.dma_semaphore, #tpu.memory_space<semaphore_mem>>)
        %dma_start3A_174 = arith.constant 0 : i32
        %dma_start3A_175 = tpu.memref_slice %arg10[%rem3A_160, %dma_start3A_174] : memref<4x128xi32, #tpu.memory_space<vmem>> -> memref<1x128xi32, #tpu.memory_space<vmem>>
        %dma_start3A_176 = tpu.memref_squeeze %dma_start3A_175 : memref<1x128xi32, #tpu.memory_space<vmem>> -> memref<128xi32, #tpu.memory_space<vmem>>
        %dma_start3A_177 = tpu.memref_slice %arg4[%add3A_163] : memref<327680xi32, #tpu.memory_space<hbm>> -> memref<128xi32, #tpu.memory_space<hbm>>
        %dma_start3A_178 = tpu.memref_slice %arg16[%rem3A_160] : memref<4x!tpu.dma_semaphore, #tpu.memory_space<semaphore_mem>> -> memref<1x!tpu.dma_semaphore, #tpu.memory_space<semaphore_mem>>
        %dma_start3A_179 = tpu.memref_squeeze %dma_start3A_178 : memref<1x!tpu.dma_semaphore, #tpu.memory_space<semaphore_mem>> -> memref<!tpu.dma_semaphore, #tpu.memory_space<semaphore_mem>>
        %dma_start3A_180 = arith.constant 0 : i32
        %dma_start3A_181 = tpu.memref_slice %arg10[%rem3A_160, %dma_start3A_180] : memref<4x128xi32, #tpu.memory_space<vmem>> -> memref<1x128xi32, #tpu.memory_space<vmem>>
        %dma_start3A_182 = tpu.memref_squeeze %dma_start3A_181 : memref<1x128xi32, #tpu.memory_space<vmem>> -> memref<128xi32, #tpu.memory_space<vmem>>
        %dma_start3A_183 = tpu.memref_slice %arg4[%add3A_163] : memref<327680xi32, #tpu.memory_space<hbm>> -> memref<128xi32, #tpu.memory_space<hbm>>
        tpu.enqueue_dma source(%dma_start3A_183 : memref<128xi32, #tpu.memory_space<hbm>>) target(%dma_start3A_182 : memref<128xi32, #tpu.memory_space<vmem>>) target_semaphore(%dma_start3A_179 : memref<!tpu.dma_semaphore, #tpu.memory_space<semaphore_mem>>)
      } else {
      }
      %add3A_112 = arith.constant 1 : i32
      %add3A_113 = arith.addi %while3A_100, %add3A_112 : i32
      %lt3A_114 = arith.cmpi slt, %add3A_113, %select_n3A : i32
      %convert_element_type3A_115 = arith.extui %lt3A_114 : i1 to i32
      %cond3A_116 = arith.constant 0 : i32
      %cond3A_117 = arith.cmpi ne, %convert_element_type3A_115, %cond3A_116 : i32
      scf.if %cond3A_117 {
        %add3A_157 = arith.constant 1 : i32
        %add3A_158 = arith.addi %while3A_100, %add3A_157 : i32
        %rem3A_159 = arith.constant 4 : i32
        %rem3A_160 = arith.remsi %add3A_158, %rem3A_159 : i32
        %mul3A_161 = arith.constant 128 : i32
        %mul3A_162 = arith.muli %add3A_158, %mul3A_161 : i32
        %add3A_163 = arith.addi %mul3A_56, %mul3A_162 : i32
        %dma_wait3A_164 = arith.constant 0 : i32
        %dma_wait3A_165 = tpu.memref_slice %arg9[%rem3A_160, %dma_wait3A_164] : memref<4x128xi32, #tpu.memory_space<vmem>> -> memref<1x128xi32, #tpu.memory_space<vmem>>
        %dma_wait3A_166 = tpu.memref_squeeze %dma_wait3A_165 : memref<1x128xi32, #tpu.memory_space<vmem>> -> memref<128xi32, #tpu.memory_space<vmem>>
        %dma_wait3A_167 = tpu.memref_slice %arg3[%add3A_163] : memref<327680xi32, #tpu.memory_space<hbm>> -> memref<128xi32, #tpu.memory_space<hbm>>
        %dma_wait3A_168 = tpu.memref_slice %arg16[%rem3A_160] : memref<4x!tpu.dma_semaphore, #tpu.memory_space<semaphore_mem>> -> memref<1x!tpu.dma_semaphore, #tpu.memory_space<semaphore_mem>>
        %dma_wait3A_169 = tpu.memref_squeeze %dma_wait3A_168 : memref<1x!tpu.dma_semaphore, #tpu.memory_space<semaphore_mem>> -> memref<!tpu.dma_semaphore, #tpu.memory_space<semaphore_mem>>
        %dma_wait3A_170 = arith.constant 0 : i32
        %dma_wait3A_171 = tpu.memref_slice %arg9[%rem3A_160, %dma_wait3A_170] : memref<4x128xi32, #tpu.memory_space<vmem>> -> memref<1x128xi32, #tpu.memory_space<vmem>>
        %dma_wait3A_172 = tpu.memref_squeeze %dma_wait3A_171 : memref<1x128xi32, #tpu.memory_space<vmem>> -> memref<128xi32, #tpu.memory_space<vmem>>
        %dma_wait3A_173 = tpu.memref_slice %arg3[%add3A_163] : memref<327680xi32, #tpu.memory_space<hbm>> -> memref<128xi32, #tpu.memory_space<hbm>>
        tpu.wait_dma2 semaphore(%dma_wait3A_169 : memref<!tpu.dma_semaphore, #tpu.memory_space<semaphore_mem>>) src(%dma_wait3A_173 : memref<128xi32, #tpu.memory_space<hbm>>) dst(%dma_wait3A_172 : memref<128xi32, #tpu.memory_space<vmem>>)
        %dma_wait3A_174 = arith.constant 0 : i32
        %dma_wait3A_175 = tpu.memref_slice %arg10[%rem3A_160, %dma_wait3A_174] : memref<4x128xi32, #tpu.memory_space<vmem>> -> memref<1x128xi32, #tpu.memory_space<vmem>>
        %dma_wait3A_176 = tpu.memref_squeeze %dma_wait3A_175 : memref<1x128xi32, #tpu.memory_space<vmem>> -> memref<128xi32, #tpu.memory_space<vmem>>
        %dma_wait3A_177 = tpu.memref_slice %arg4[%add3A_163] : memref<327680xi32, #tpu.memory_space<hbm>> -> memref<128xi32, #tpu.memory_space<hbm>>
        %dma_wait3A_178 = tpu.memref_slice %arg16[%rem3A_160] : memref<4x!tpu.dma_semaphore, #tpu.memory_space<semaphore_mem>> -> memref<1x!tpu.dma_semaphore, #tpu.memory_space<semaphore_mem>>
        %dma_wait3A_179 = tpu.memref_squeeze %dma_wait3A_178 : memref<1x!tpu.dma_semaphore, #tpu.memory_space<semaphore_mem>> -> memref<!tpu.dma_semaphore, #tpu.memory_space<semaphore_mem>>
        %dma_wait3A_180 = arith.constant 0 : i32
        %dma_wait3A_181 = tpu.memref_slice %arg10[%rem3A_160, %dma_wait3A_180] : memref<4x128xi32, #tpu.memory_space<vmem>> -> memref<1x128xi32, #tpu.memory_space<vmem>>
        %dma_wait3A_182 = tpu.memref_squeeze %dma_wait3A_181 : memref<1x128xi32, #tpu.memory_space<vmem>> -> memref<128xi32, #tpu.memory_space<vmem>>
        %dma_wait3A_183 = tpu.memref_slice %arg4[%add3A_163] : memref<327680xi32, #tpu.memory_space<hbm>> -> memref<128xi32, #tpu.memory_space<hbm>>
        tpu.wait_dma2 semaphore(%dma_wait3A_179 : memref<!tpu.dma_semaphore, #tpu.memory_space<semaphore_mem>>) src(%dma_wait3A_183 : memref<128xi32, #tpu.memory_space<hbm>>) dst(%dma_wait3A_182 : memref<128xi32, #tpu.memory_space<vmem>>)
        %add3A_184 = arith.constant 1 : i32
        %add3A_185 = arith.addi %while3A_100, %add3A_184 : i32
        %rem3A_186 = arith.constant 4 : i32
        %rem3A_187 = arith.remsi %add3A_185, %rem3A_186 : i32
        %rem3A_188 = arith.constant 2 : i32
        %rem3A_189 = arith.remsi %add3A_185, %rem3A_188 : i32
        %rem3A_190 = arith.constant 2 : i32
        %rem3A_191 = arith.remsi %add3A_185, %rem3A_190 : i32
        %dma_start3A_192 = arith.constant 0 : i32
        %dma_start3A_193 = arith.constant 0 : i32
        %dma_start3A_194 = tpu.memref_slice %arg11[%rem3A_189, %dma_start3A_192, %dma_start3A_193] : memref<2x128x128xf32, #tpu.memory_space<vmem>> -> memref<1x128x128xf32, #tpu.memory_space<vmem>>
        %dma_start3A_195 = tpu.memref_squeeze %dma_start3A_194 : memref<1x128x128xf32, #tpu.memory_space<vmem>> -> memref<128x128xf32, #tpu.memory_space<vmem>>
        %dma_start3A_196 = arith.constant 0 : i32
        %dma_start3A_197 = tpu.memref_slice %arg9[%rem3A_187, %dma_start3A_196] : memref<4x128xi32, #tpu.memory_space<vmem>> -> memref<1x128xi32, #tpu.memory_space<vmem>>
        %dma_start3A_198 = tpu.memref_squeeze %dma_start3A_197 : memref<1x128xi32, #tpu.memory_space<vmem>> -> memref<128xi32, #tpu.memory_space<vmem>>
        %dma_start3A_199 = arith.constant 0 : i32
        %dma_start3A_200 = arith.constant 0 : i32
        %dma_start3A_201 = tpu.memref_slice %arg2[%dma_start3A_199, %dma_start3A_200] : memref<10240x128xf32, #tpu.memory_space<hbm>> -> memref<10240x128xf32, #tpu.memory_space<hbm>>
        %dma_start3A_202 = tpu.memref_slice %arg14[%rem3A_191] : memref<2x!tpu.dma_semaphore, #tpu.memory_space<semaphore_mem>> -> memref<1x!tpu.dma_semaphore, #tpu.memory_space<semaphore_mem>>
        %dma_start3A_203 = tpu.memref_squeeze %dma_start3A_202 : memref<1x!tpu.dma_semaphore, #tpu.memory_space<semaphore_mem>> -> memref<!tpu.dma_semaphore, #tpu.memory_space<semaphore_mem>>
        tpu.enqueue_indirect_dma source(%dma_start3A_201 : memref<10240x128xf32, #tpu.memory_space<hbm>>) target(%dma_start3A_195 : memref<128x128xf32, #tpu.memory_space<vmem>>) offsets(%dma_start3A_198 : memref<128xi32, #tpu.memory_space<vmem>>) semaphore(%dma_start3A_203 : memref<!tpu.dma_semaphore, #tpu.memory_space<semaphore_mem>>)
      } else {
      }
      %rem3A = arith.constant 4 : i32
      %rem3A_118 = arith.remsi %while3A_100, %rem3A : i32
      %rem3A_119 = arith.constant 2 : i32
      %rem3A_120 = arith.remsi %while3A_100, %rem3A_119 : i32
      %rem3A_121 = arith.constant 2 : i32
      %rem3A_122 = arith.remsi %while3A_100, %rem3A_121 : i32
      %dma_wait3A = arith.constant 0 : i32
      %dma_wait3A_123 = arith.constant 0 : i32
      %dma_wait3A_124 = tpu.memref_slice %arg11[%rem3A_120, %dma_wait3A, %dma_wait3A_123] : memref<2x128x128xf32, #tpu.memory_space<vmem>> -> memref<1x128x128xf32, #tpu.memory_space<vmem>>
      %dma_wait3A_125 = tpu.memref_squeeze %dma_wait3A_124 : memref<1x128x128xf32, #tpu.memory_space<vmem>> -> memref<128x128xf32, #tpu.memory_space<vmem>>
      %dma_wait3A_126 = arith.constant 0 : i32
      %dma_wait3A_127 = tpu.memref_slice %arg9[%rem3A_118, %dma_wait3A_126] : memref<4x128xi32, #tpu.memory_space<vmem>> -> memref<1x128xi32, #tpu.memory_space<vmem>>
      %dma_wait3A_128 = tpu.memref_squeeze %dma_wait3A_127 : memref<1x128xi32, #tpu.memory_space<vmem>> -> memref<128xi32, #tpu.memory_space<vmem>>
      %dma_wait3A_129 = arith.constant 0 : i32
      %dma_wait3A_130 = arith.constant 0 : i32
      %dma_wait3A_131 = tpu.memref_slice %arg2[%dma_wait3A_129, %dma_wait3A_130] : memref<10240x128xf32, #tpu.memory_space<hbm>> -> memref<10240x128xf32, #tpu.memory_space<hbm>>
      %dma_wait3A_132 = tpu.memref_slice %arg14[%rem3A_122] : memref<2x!tpu.dma_semaphore, #tpu.memory_space<semaphore_mem>> -> memref<1x!tpu.dma_semaphore, #tpu.memory_space<semaphore_mem>>
      %dma_wait3A_133 = tpu.memref_squeeze %dma_wait3A_132 : memref<1x!tpu.dma_semaphore, #tpu.memory_space<semaphore_mem>> -> memref<!tpu.dma_semaphore, #tpu.memory_space<semaphore_mem>>
      tpu.wait_indirect_dma semaphore(%dma_wait3A_133 : memref<!tpu.dma_semaphore, #tpu.memory_space<semaphore_mem>>) src(%dma_wait3A_131 : memref<10240x128xf32, #tpu.memory_space<hbm>>) dst(%dma_wait3A_125 : memref<128x128xf32, #tpu.memory_space<vmem>>)
      %rem3A_134 = arith.constant 2 : i32
      %rem3A_135 = arith.remsi %while3A_100, %rem3A_134 : i32
      %rem3A_136 = arith.constant 4 : i32
      %rem3A_137 = arith.remsi %while3A_100, %rem3A_136 : i32
      %dma_start3A = arith.constant 0 : i32
      %dma_start3A_138 = arith.constant 0 : i32
      %dma_start3A_139 = tpu.memref_slice %arg11[%rem3A_135, %dma_start3A, %dma_start3A_138] : memref<2x128x128xf32, #tpu.memory_space<vmem>> -> memref<1x128x128xf32, #tpu.memory_space<vmem>>
      %dma_start3A_140 = tpu.memref_squeeze %dma_start3A_139 : memref<1x128x128xf32, #tpu.memory_space<vmem>> -> memref<128x128xf32, #tpu.memory_space<vmem>>
      %dma_start3A_141 = arith.constant 0 : i32
      %dma_start3A_142 = tpu.memref_slice %arg10[%rem3A_137, %dma_start3A_141] : memref<4x128xi32, #tpu.memory_space<vmem>> -> memref<1x128xi32, #tpu.memory_space<vmem>>
      %dma_start3A_143 = tpu.memref_squeeze %dma_start3A_142 : memref<1x128xi32, #tpu.memory_space<vmem>> -> memref<128xi32, #tpu.memory_space<vmem>>
      %dma_start3A_144 = arith.constant 0 : i32
      %dma_start3A_145 = arith.constant 0 : i32
      %dma_start3A_146 = tpu.memref_slice %arg7[%dma_start3A_144, %dma_start3A_145] : memref<10240x128xf32, #tpu.memory_space<vmem_shared>> -> memref<10240x128xf32, #tpu.memory_space<vmem_shared>>
      %dma_start3A_147 = tpu.memref_slice %arg15[%rem3A_135] : memref<2x!tpu.dma_semaphore, #tpu.memory_space<semaphore_mem>> -> memref<1x!tpu.dma_semaphore, #tpu.memory_space<semaphore_mem>>
      %dma_start3A_148 = tpu.memref_squeeze %dma_start3A_147 : memref<1x!tpu.dma_semaphore, #tpu.memory_space<semaphore_mem>> -> memref<!tpu.dma_semaphore, #tpu.memory_space<semaphore_mem>>
      tpu.enqueue_indirect_dma source(%dma_start3A_140 : memref<128x128xf32, #tpu.memory_space<vmem>>) target(%dma_start3A_146 : memref<10240x128xf32, #tpu.memory_space<vmem_shared>>) offsets(%dma_start3A_143 : memref<128xi32, #tpu.memory_space<vmem>>) semaphore(%dma_start3A_148 : memref<!tpu.dma_semaphore, #tpu.memory_space<semaphore_mem>>) {add = true}
      %dma_start3A_149 = arith.constant 0 : i32
      %dma_start3A_150 = tpu.memref_slice %arg10[%rem3A_137, %dma_start3A_149] : memref<4x128xi32, #tpu.memory_space<vmem>> -> memref<1x128xi32, #tpu.memory_space<vmem>>
      %dma_start3A_151 = tpu.memref_squeeze %dma_start3A_150 : memref<1x128xi32, #tpu.memory_space<vmem>> -> memref<128xi32, #tpu.memory_space<vmem>>
      %dma_start3A_152 = arith.constant 0 : i32
      %dma_start3A_153 = tpu.memref_slice %arg8[%dma_start3A_152] : memref<10240xf32, #tpu.memory_space<vmem_shared>> -> memref<10240xf32, #tpu.memory_space<vmem_shared>>
      %dma_start3A_154 = tpu.memref_slice %arg15[%rem3A_135] : memref<2x!tpu.dma_semaphore, #tpu.memory_space<semaphore_mem>> -> memref<1x!tpu.dma_semaphore, #tpu.memory_space<semaphore_mem>>
      %dma_start3A_155 = tpu.memref_squeeze %dma_start3A_154 : memref<1x!tpu.dma_semaphore, #tpu.memory_space<semaphore_mem>> -> memref<!tpu.dma_semaphore, #tpu.memory_space<semaphore_mem>>
      tpu.enqueue_indirect_dma source(%arg12 : memref<128xf32, #tpu.memory_space<vmem>>) target(%dma_start3A_153 : memref<10240xf32, #tpu.memory_space<vmem_shared>>) offsets(%dma_start3A_151 : memref<128xi32, #tpu.memory_space<vmem>>) semaphore(%dma_start3A_155 : memref<!tpu.dma_semaphore, #tpu.memory_space<semaphore_mem>>) {add = true}
      %while3A_156 = arith.constant 0 : i32
      scf.yield %while3A_156 : i32
    }
    %while3A_83 = arith.constant 1 : i32
    %while3A_84 = scf.for %while3A_100 = %while3A_80 to %while3A_76 step %while3A_83 iter_args(%while3A_101 = %while3A_82) -> (i32)  : i32 {
      %ge3A_102 = arith.constant 1 : i32
      %ge3A_103 = arith.cmpi sge, %while3A_100, %ge3A_102 : i32
      %convert_element_type3A_104 = arith.extui %ge3A_103 : i1 to i32
      %cond3A_105 = arith.constant 0 : i32
      %cond3A_106 = arith.cmpi ne, %convert_element_type3A_104, %cond3A_105 : i32
      scf.if %cond3A_106 {
        %sub3A = arith.constant 1 : i32
        %sub3A_157 = arith.subi %while3A_100, %sub3A : i32
        %rem3A_158 = arith.constant 2 : i32
        %rem3A_159 = arith.remsi %sub3A_157, %rem3A_158 : i32
        %rem3A_160 = arith.constant 4 : i32
        %rem3A_161 = arith.remsi %sub3A_157, %rem3A_160 : i32
        %dma_wait3A_162 = arith.constant 0 : i32
        %dma_wait3A_163 = arith.constant 0 : i32
        %dma_wait3A_164 = tpu.memref_slice %arg11[%rem3A_159, %dma_wait3A_162, %dma_wait3A_163] : memref<2x128x128xf32, #tpu.memory_space<vmem>> -> memref<1x128x128xf32, #tpu.memory_space<vmem>>
        %dma_wait3A_165 = tpu.memref_squeeze %dma_wait3A_164 : memref<1x128x128xf32, #tpu.memory_space<vmem>> -> memref<128x128xf32, #tpu.memory_space<vmem>>
        %dma_wait3A_166 = arith.constant 0 : i32
        %dma_wait3A_167 = tpu.memref_slice %arg10[%rem3A_161, %dma_wait3A_166] : memref<4x128xi32, #tpu.memory_space<vmem>> -> memref<1x128xi32, #tpu.memory_space<vmem>>
        %dma_wait3A_168 = tpu.memref_squeeze %dma_wait3A_167 : memref<1x128xi32, #tpu.memory_space<vmem>> -> memref<128xi32, #tpu.memory_space<vmem>>
        %dma_wait3A_169 = arith.constant 0 : i32
        %dma_wait3A_170 = arith.constant 0 : i32
        %dma_wait3A_171 = tpu.memref_slice %arg7[%dma_wait3A_169, %dma_wait3A_170] : memref<10240x128xf32, #tpu.memory_space<vmem_shared>> -> memref<10240x128xf32, #tpu.memory_space<vmem_shared>>
        %dma_wait3A_172 = tpu.memref_slice %arg15[%rem3A_159] : memref<2x!tpu.dma_semaphore, #tpu.memory_space<semaphore_mem>> -> memref<1x!tpu.dma_semaphore, #tpu.memory_space<semaphore_mem>>
        %dma_wait3A_173 = tpu.memref_squeeze %dma_wait3A_172 : memref<1x!tpu.dma_semaphore, #tpu.memory_space<semaphore_mem>> -> memref<!tpu.dma_semaphore, #tpu.memory_space<semaphore_mem>>
        tpu.wait_indirect_dma semaphore(%dma_wait3A_173 : memref<!tpu.dma_semaphore, #tpu.memory_space<semaphore_mem>>) src(%dma_wait3A_165 : memref<128x128xf32, #tpu.memory_space<vmem>>) dst(%dma_wait3A_171 : memref<10240x128xf32, #tpu.memory_space<vmem_shared>>)
        %dma_wait3A_174 = arith.constant 0 : i32
        %dma_wait3A_175 = tpu.memref_slice %arg10[%rem3A_161, %dma_wait3A_174] : memref<4x128xi32, #tpu.memory_space<vmem>> -> memref<1x128xi32, #tpu.memory_space<vmem>>
        %dma_wait3A_176 = tpu.memref_squeeze %dma_wait3A_175 : memref<1x128xi32, #tpu.memory_space<vmem>> -> memref<128xi32, #tpu.memory_space<vmem>>
        %dma_wait3A_177 = arith.constant 0 : i32
        %dma_wait3A_178 = tpu.memref_slice %arg8[%dma_wait3A_177] : memref<10240xf32, #tpu.memory_space<vmem_shared>> -> memref<10240xf32, #tpu.memory_space<vmem_shared>>
        %dma_wait3A_179 = tpu.memref_slice %arg15[%rem3A_159] : memref<2x!tpu.dma_semaphore, #tpu.memory_space<semaphore_mem>> -> memref<1x!tpu.dma_semaphore, #tpu.memory_space<semaphore_mem>>
        %dma_wait3A_180 = tpu.memref_squeeze %dma_wait3A_179 : memref<1x!tpu.dma_semaphore, #tpu.memory_space<semaphore_mem>> -> memref<!tpu.dma_semaphore, #tpu.memory_space<semaphore_mem>>
        tpu.wait_indirect_dma semaphore(%dma_wait3A_180 : memref<!tpu.dma_semaphore, #tpu.memory_space<semaphore_mem>>) src(%arg12 : memref<128xf32, #tpu.memory_space<vmem>>) dst(%dma_wait3A_178 : memref<10240xf32, #tpu.memory_space<vmem_shared>>)
      } else {
      }
      %add3A_107 = arith.constant 3 : i32
      %add3A_108 = arith.addi %while3A_100, %add3A_107 : i32
      %lt3A = arith.cmpi slt, %add3A_108, %select_n3A : i32
      %convert_element_type3A_109 = arith.extui %lt3A : i1 to i32
      %cond3A_110 = arith.constant 0 : i32
      %cond3A_111 = arith.cmpi ne, %convert_element_type3A_109, %cond3A_110 : i32
      scf.if %cond3A_111 {
        %add3A_157 = arith.constant 3 : i32
        %add3A_158 = arith.addi %while3A_100, %add3A_157 : i32
        %rem3A_159 = arith.constant 4 : i32
        %rem3A_160 = arith.remsi %add3A_158, %rem3A_159 : i32
        %mul3A_161 = arith.constant 128 : i32
        %mul3A_162 = arith.muli %add3A_158, %mul3A_161 : i32
        %add3A_163 = arith.addi %mul3A_56, %mul3A_162 : i32
        %dma_start3A_164 = arith.constant 0 : i32
        %dma_start3A_165 = tpu.memref_slice %arg9[%rem3A_160, %dma_start3A_164] : memref<4x128xi32, #tpu.memory_space<vmem>> -> memref<1x128xi32, #tpu.memory_space<vmem>>
        %dma_start3A_166 = tpu.memref_squeeze %dma_start3A_165 : memref<1x128xi32, #tpu.memory_space<vmem>> -> memref<128xi32, #tpu.memory_space<vmem>>
        %dma_start3A_167 = tpu.memref_slice %arg3[%add3A_163] : memref<327680xi32, #tpu.memory_space<hbm>> -> memref<128xi32, #tpu.memory_space<hbm>>
        %dma_start3A_168 = tpu.memref_slice %arg16[%rem3A_160] : memref<4x!tpu.dma_semaphore, #tpu.memory_space<semaphore_mem>> -> memref<1x!tpu.dma_semaphore, #tpu.memory_space<semaphore_mem>>
        %dma_start3A_169 = tpu.memref_squeeze %dma_start3A_168 : memref<1x!tpu.dma_semaphore, #tpu.memory_space<semaphore_mem>> -> memref<!tpu.dma_semaphore, #tpu.memory_space<semaphore_mem>>
        %dma_start3A_170 = arith.constant 0 : i32
        %dma_start3A_171 = tpu.memref_slice %arg9[%rem3A_160, %dma_start3A_170] : memref<4x128xi32, #tpu.memory_space<vmem>> -> memref<1x128xi32, #tpu.memory_space<vmem>>
        %dma_start3A_172 = tpu.memref_squeeze %dma_start3A_171 : memref<1x128xi32, #tpu.memory_space<vmem>> -> memref<128xi32, #tpu.memory_space<vmem>>
        %dma_start3A_173 = tpu.memref_slice %arg3[%add3A_163] : memref<327680xi32, #tpu.memory_space<hbm>> -> memref<128xi32, #tpu.memory_space<hbm>>
        tpu.enqueue_dma source(%dma_start3A_173 : memref<128xi32, #tpu.memory_space<hbm>>) target(%dma_start3A_172 : memref<128xi32, #tpu.memory_space<vmem>>) target_semaphore(%dma_start3A_169 : memref<!tpu.dma_semaphore, #tpu.memory_space<semaphore_mem>>)
        %dma_start3A_174 = arith.constant 0 : i32
        %dma_start3A_175 = tpu.memref_slice %arg10[%rem3A_160, %dma_start3A_174] : memref<4x128xi32, #tpu.memory_space<vmem>> -> memref<1x128xi32, #tpu.memory_space<vmem>>
        %dma_start3A_176 = tpu.memref_squeeze %dma_start3A_175 : memref<1x128xi32, #tpu.memory_space<vmem>> -> memref<128xi32, #tpu.memory_space<vmem>>
        %dma_start3A_177 = tpu.memref_slice %arg4[%add3A_163] : memref<327680xi32, #tpu.memory_space<hbm>> -> memref<128xi32, #tpu.memory_space<hbm>>
        %dma_start3A_178 = tpu.memref_slice %arg16[%rem3A_160] : memref<4x!tpu.dma_semaphore, #tpu.memory_space<semaphore_mem>> -> memref<1x!tpu.dma_semaphore, #tpu.memory_space<semaphore_mem>>
        %dma_start3A_179 = tpu.memref_squeeze %dma_start3A_178 : memref<1x!tpu.dma_semaphore, #tpu.memory_space<semaphore_mem>> -> memref<!tpu.dma_semaphore, #tpu.memory_space<semaphore_mem>>
        %dma_start3A_180 = arith.constant 0 : i32
        %dma_start3A_181 = tpu.memref_slice %arg10[%rem3A_160, %dma_start3A_180] : memref<4x128xi32, #tpu.memory_space<vmem>> -> memref<1x128xi32, #tpu.memory_space<vmem>>
        %dma_start3A_182 = tpu.memref_squeeze %dma_start3A_181 : memref<1x128xi32, #tpu.memory_space<vmem>> -> memref<128xi32, #tpu.memory_space<vmem>>
        %dma_start3A_183 = tpu.memref_slice %arg4[%add3A_163] : memref<327680xi32, #tpu.memory_space<hbm>> -> memref<128xi32, #tpu.memory_space<hbm>>
        tpu.enqueue_dma source(%dma_start3A_183 : memref<128xi32, #tpu.memory_space<hbm>>) target(%dma_start3A_182 : memref<128xi32, #tpu.memory_space<vmem>>) target_semaphore(%dma_start3A_179 : memref<!tpu.dma_semaphore, #tpu.memory_space<semaphore_mem>>)
      } else {
      }
      %add3A_112 = arith.constant 1 : i32
      %add3A_113 = arith.addi %while3A_100, %add3A_112 : i32
      %lt3A_114 = arith.cmpi slt, %add3A_113, %select_n3A : i32
      %convert_element_type3A_115 = arith.extui %lt3A_114 : i1 to i32
      %cond3A_116 = arith.constant 0 : i32
      %cond3A_117 = arith.cmpi ne, %convert_element_type3A_115, %cond3A_116 : i32
      scf.if %cond3A_117 {
        %add3A_157 = arith.constant 1 : i32
        %add3A_158 = arith.addi %while3A_100, %add3A_157 : i32
        %rem3A_159 = arith.constant 4 : i32
        %rem3A_160 = arith.remsi %add3A_158, %rem3A_159 : i32
        %mul3A_161 = arith.constant 128 : i32
        %mul3A_162 = arith.muli %add3A_158, %mul3A_161 : i32
        %add3A_163 = arith.addi %mul3A_56, %mul3A_162 : i32
        %dma_wait3A_164 = arith.constant 0 : i32
        %dma_wait3A_165 = tpu.memref_slice %arg9[%rem3A_160, %dma_wait3A_164] : memref<4x128xi32, #tpu.memory_space<vmem>> -> memref<1x128xi32, #tpu.memory_space<vmem>>
        %dma_wait3A_166 = tpu.memref_squeeze %dma_wait3A_165 : memref<1x128xi32, #tpu.memory_space<vmem>> -> memref<128xi32, #tpu.memory_space<vmem>>
        %dma_wait3A_167 = tpu.memref_slice %arg3[%add3A_163] : memref<327680xi32, #tpu.memory_space<hbm>> -> memref<128xi32, #tpu.memory_space<hbm>>
        %dma_wait3A_168 = tpu.memref_slice %arg16[%rem3A_160] : memref<4x!tpu.dma_semaphore, #tpu.memory_space<semaphore_mem>> -> memref<1x!tpu.dma_semaphore, #tpu.memory_space<semaphore_mem>>
        %dma_wait3A_169 = tpu.memref_squeeze %dma_wait3A_168 : memref<1x!tpu.dma_semaphore, #tpu.memory_space<semaphore_mem>> -> memref<!tpu.dma_semaphore, #tpu.memory_space<semaphore_mem>>
        %dma_wait3A_170 = arith.constant 0 : i32
        %dma_wait3A_171 = tpu.memref_slice %arg9[%rem3A_160, %dma_wait3A_170] : memref<4x128xi32, #tpu.memory_space<vmem>> -> memref<1x128xi32, #tpu.memory_space<vmem>>
        %dma_wait3A_172 = tpu.memref_squeeze %dma_wait3A_171 : memref<1x128xi32, #tpu.memory_space<vmem>> -> memref<128xi32, #tpu.memory_space<vmem>>
        %dma_wait3A_173 = tpu.memref_slice %arg3[%add3A_163] : memref<327680xi32, #tpu.memory_space<hbm>> -> memref<128xi32, #tpu.memory_space<hbm>>
        tpu.wait_dma2 semaphore(%dma_wait3A_169 : memref<!tpu.dma_semaphore, #tpu.memory_space<semaphore_mem>>) src(%dma_wait3A_173 : memref<128xi32, #tpu.memory_space<hbm>>) dst(%dma_wait3A_172 : memref<128xi32, #tpu.memory_space<vmem>>)
        %dma_wait3A_174 = arith.constant 0 : i32
        %dma_wait3A_175 = tpu.memref_slice %arg10[%rem3A_160, %dma_wait3A_174] : memref<4x128xi32, #tpu.memory_space<vmem>> -> memref<1x128xi32, #tpu.memory_space<vmem>>
        %dma_wait3A_176 = tpu.memref_squeeze %dma_wait3A_175 : memref<1x128xi32, #tpu.memory_space<vmem>> -> memref<128xi32, #tpu.memory_space<vmem>>
        %dma_wait3A_177 = tpu.memref_slice %arg4[%add3A_163] : memref<327680xi32, #tpu.memory_space<hbm>> -> memref<128xi32, #tpu.memory_space<hbm>>
        %dma_wait3A_178 = tpu.memref_slice %arg16[%rem3A_160] : memref<4x!tpu.dma_semaphore, #tpu.memory_space<semaphore_mem>> -> memref<1x!tpu.dma_semaphore, #tpu.memory_space<semaphore_mem>>
        %dma_wait3A_179 = tpu.memref_squeeze %dma_wait3A_178 : memref<1x!tpu.dma_semaphore, #tpu.memory_space<semaphore_mem>> -> memref<!tpu.dma_semaphore, #tpu.memory_space<semaphore_mem>>
        %dma_wait3A_180 = arith.constant 0 : i32
        %dma_wait3A_181 = tpu.memref_slice %arg10[%rem3A_160, %dma_wait3A_180] : memref<4x128xi32, #tpu.memory_space<vmem>> -> memref<1x128xi32, #tpu.memory_space<vmem>>
        %dma_wait3A_182 = tpu.memref_squeeze %dma_wait3A_181 : memref<1x128xi32, #tpu.memory_space<vmem>> -> memref<128xi32, #tpu.memory_space<vmem>>
        %dma_wait3A_183 = tpu.memref_slice %arg4[%add3A_163] : memref<327680xi32, #tpu.memory_space<hbm>> -> memref<128xi32, #tpu.memory_space<hbm>>
        tpu.wait_dma2 semaphore(%dma_wait3A_179 : memref<!tpu.dma_semaphore, #tpu.memory_space<semaphore_mem>>) src(%dma_wait3A_183 : memref<128xi32, #tpu.memory_space<hbm>>) dst(%dma_wait3A_182 : memref<128xi32, #tpu.memory_space<vmem>>)
        %add3A_184 = arith.constant 1 : i32
        %add3A_185 = arith.addi %while3A_100, %add3A_184 : i32
        %rem3A_186 = arith.constant 4 : i32
        %rem3A_187 = arith.remsi %add3A_185, %rem3A_186 : i32
        %rem3A_188 = arith.constant 2 : i32
        %rem3A_189 = arith.remsi %add3A_185, %rem3A_188 : i32
        %rem3A_190 = arith.constant 2 : i32
        %rem3A_191 = arith.remsi %add3A_185, %rem3A_190 : i32
        %dma_start3A_192 = arith.constant 0 : i32
        %dma_start3A_193 = arith.constant 0 : i32
        %dma_start3A_194 = tpu.memref_slice %arg11[%rem3A_189, %dma_start3A_192, %dma_start3A_193] : memref<2x128x128xf32, #tpu.memory_space<vmem>> -> memref<1x128x128xf32, #tpu.memory_space<vmem>>
        %dma_start3A_195 = tpu.memref_squeeze %dma_start3A_194 : memref<1x128x128xf32, #tpu.memory_space<vmem>> -> memref<128x128xf32, #tpu.memory_space<vmem>>
        %dma_start3A_196 = arith.constant 0 : i32
        %dma_start3A_197 = tpu.memref_slice %arg9[%rem3A_187, %dma_start3A_196] : memref<4x128xi32, #tpu.memory_space<vmem>> -> memref<1x128xi32, #tpu.memory_space<vmem>>
        %dma_start3A_198 = tpu.memref_squeeze %dma_start3A_197 : memref<1x128xi32, #tpu.memory_space<vmem>> -> memref<128xi32, #tpu.memory_space<vmem>>
        %dma_start3A_199 = arith.constant 0 : i32
        %dma_start3A_200 = arith.constant 0 : i32
        %dma_start3A_201 = tpu.memref_slice %arg2[%dma_start3A_199, %dma_start3A_200] : memref<10240x128xf32, #tpu.memory_space<hbm>> -> memref<10240x128xf32, #tpu.memory_space<hbm>>
        %dma_start3A_202 = tpu.memref_slice %arg14[%rem3A_191] : memref<2x!tpu.dma_semaphore, #tpu.memory_space<semaphore_mem>> -> memref<1x!tpu.dma_semaphore, #tpu.memory_space<semaphore_mem>>
        %dma_start3A_203 = tpu.memref_squeeze %dma_start3A_202 : memref<1x!tpu.dma_semaphore, #tpu.memory_space<semaphore_mem>> -> memref<!tpu.dma_semaphore, #tpu.memory_space<semaphore_mem>>
        tpu.enqueue_indirect_dma source(%dma_start3A_201 : memref<10240x128xf32, #tpu.memory_space<hbm>>) target(%dma_start3A_195 : memref<128x128xf32, #tpu.memory_space<vmem>>) offsets(%dma_start3A_198 : memref<128xi32, #tpu.memory_space<vmem>>) semaphore(%dma_start3A_203 : memref<!tpu.dma_semaphore, #tpu.memory_space<semaphore_mem>>)
      } else {
      }
      %rem3A = arith.constant 4 : i32
      %rem3A_118 = arith.remsi %while3A_100, %rem3A : i32
      %rem3A_119 = arith.constant 2 : i32
      %rem3A_120 = arith.remsi %while3A_100, %rem3A_119 : i32
      %rem3A_121 = arith.constant 2 : i32
      %rem3A_122 = arith.remsi %while3A_100, %rem3A_121 : i32
      %dma_wait3A = arith.constant 0 : i32
      %dma_wait3A_123 = arith.constant 0 : i32
      %dma_wait3A_124 = tpu.memref_slice %arg11[%rem3A_120, %dma_wait3A, %dma_wait3A_123] : memref<2x128x128xf32, #tpu.memory_space<vmem>> -> memref<1x128x128xf32, #tpu.memory_space<vmem>>
      %dma_wait3A_125 = tpu.memref_squeeze %dma_wait3A_124 : memref<1x128x128xf32, #tpu.memory_space<vmem>> -> memref<128x128xf32, #tpu.memory_space<vmem>>
      %dma_wait3A_126 = arith.constant 0 : i32
      %dma_wait3A_127 = tpu.memref_slice %arg9[%rem3A_118, %dma_wait3A_126] : memref<4x128xi32, #tpu.memory_space<vmem>> -> memref<1x128xi32, #tpu.memory_space<vmem>>
      %dma_wait3A_128 = tpu.memref_squeeze %dma_wait3A_127 : memref<1x128xi32, #tpu.memory_space<vmem>> -> memref<128xi32, #tpu.memory_space<vmem>>
      %dma_wait3A_129 = arith.constant 0 : i32
      %dma_wait3A_130 = arith.constant 0 : i32
      %dma_wait3A_131 = tpu.memref_slice %arg2[%dma_wait3A_129, %dma_wait3A_130] : memref<10240x128xf32, #tpu.memory_space<hbm>> -> memref<10240x128xf32, #tpu.memory_space<hbm>>
      %dma_wait3A_132 = tpu.memref_slice %arg14[%rem3A_122] : memref<2x!tpu.dma_semaphore, #tpu.memory_space<semaphore_mem>> -> memref<1x!tpu.dma_semaphore, #tpu.memory_space<semaphore_mem>>
      %dma_wait3A_133 = tpu.memref_squeeze %dma_wait3A_132 : memref<1x!tpu.dma_semaphore, #tpu.memory_space<semaphore_mem>> -> memref<!tpu.dma_semaphore, #tpu.memory_space<semaphore_mem>>
      tpu.wait_indirect_dma semaphore(%dma_wait3A_133 : memref<!tpu.dma_semaphore, #tpu.memory_space<semaphore_mem>>) src(%dma_wait3A_131 : memref<10240x128xf32, #tpu.memory_space<hbm>>) dst(%dma_wait3A_125 : memref<128x128xf32, #tpu.memory_space<vmem>>)
      %rem3A_134 = arith.constant 2 : i32
      %rem3A_135 = arith.remsi %while3A_100, %rem3A_134 : i32
      %rem3A_136 = arith.constant 4 : i32
      %rem3A_137 = arith.remsi %while3A_100, %rem3A_136 : i32
      %dma_start3A = arith.constant 0 : i32
      %dma_start3A_138 = arith.constant 0 : i32
      %dma_start3A_139 = tpu.memref_slice %arg11[%rem3A_135, %dma_start3A, %dma_start3A_138] : memref<2x128x128xf32, #tpu.memory_space<vmem>> -> memref<1x128x128xf32, #tpu.memory_space<vmem>>
      %dma_start3A_140 = tpu.memref_squeeze %dma_start3A_139 : memref<1x128x128xf32, #tpu.memory_space<vmem>> -> memref<128x128xf32, #tpu.memory_space<vmem>>
      %dma_start3A_141 = arith.constant 0 : i32
      %dma_start3A_142 = tpu.memref_slice %arg10[%rem3A_137, %dma_start3A_141] : memref<4x128xi32, #tpu.memory_space<vmem>> -> memref<1x128xi32, #tpu.memory_space<vmem>>
      %dma_start3A_143 = tpu.memref_squeeze %dma_start3A_142 : memref<1x128xi32, #tpu.memory_space<vmem>> -> memref<128xi32, #tpu.memory_space<vmem>>
      %dma_start3A_144 = arith.constant 0 : i32
      %dma_start3A_145 = arith.constant 0 : i32
      %dma_start3A_146 = tpu.memref_slice %arg7[%dma_start3A_144, %dma_start3A_145] : memref<10240x128xf32, #tpu.memory_space<vmem_shared>> -> memref<10240x128xf32, #tpu.memory_space<vmem_shared>>
      %dma_start3A_147 = tpu.memref_slice %arg15[%rem3A_135] : memref<2x!tpu.dma_semaphore, #tpu.memory_space<semaphore_mem>> -> memref<1x!tpu.dma_semaphore, #tpu.memory_space<semaphore_mem>>
      %dma_start3A_148 = tpu.memref_squeeze %dma_start3A_147 : memref<1x!tpu.dma_semaphore, #tpu.memory_space<semaphore_mem>> -> memref<!tpu.dma_semaphore, #tpu.memory_space<semaphore_mem>>
      tpu.enqueue_indirect_dma source(%dma_start3A_140 : memref<128x128xf32, #tpu.memory_space<vmem>>) target(%dma_start3A_146 : memref<10240x128xf32, #tpu.memory_space<vmem_shared>>) offsets(%dma_start3A_143 : memref<128xi32, #tpu.memory_space<vmem>>) semaphore(%dma_start3A_148 : memref<!tpu.dma_semaphore, #tpu.memory_space<semaphore_mem>>) {add = true}
      %dma_start3A_149 = arith.constant 0 : i32
      %dma_start3A_150 = tpu.memref_slice %arg10[%rem3A_137, %dma_start3A_149] : memref<4x128xi32, #tpu.memory_space<vmem>> -> memref<1x128xi32, #tpu.memory_space<vmem>>
      %dma_start3A_151 = tpu.memref_squeeze %dma_start3A_150 : memref<1x128xi32, #tpu.memory_space<vmem>> -> memref<128xi32, #tpu.memory_space<vmem>>
      %dma_start3A_152 = arith.constant 0 : i32
      %dma_start3A_153 = tpu.memref_slice %arg8[%dma_start3A_152] : memref<10240xf32, #tpu.memory_space<vmem_shared>> -> memref<10240xf32, #tpu.memory_space<vmem_shared>>
      %dma_start3A_154 = tpu.memref_slice %arg15[%rem3A_135] : memref<2x!tpu.dma_semaphore, #tpu.memory_space<semaphore_mem>> -> memref<1x!tpu.dma_semaphore, #tpu.memory_space<semaphore_mem>>
      %dma_start3A_155 = tpu.memref_squeeze %dma_start3A_154 : memref<1x!tpu.dma_semaphore, #tpu.memory_space<semaphore_mem>> -> memref<!tpu.dma_semaphore, #tpu.memory_space<semaphore_mem>>
      tpu.enqueue_indirect_dma source(%arg12 : memref<128xf32, #tpu.memory_space<vmem>>) target(%dma_start3A_153 : memref<10240xf32, #tpu.memory_space<vmem_shared>>) offsets(%dma_start3A_151 : memref<128xi32, #tpu.memory_space<vmem>>) semaphore(%dma_start3A_155 : memref<!tpu.dma_semaphore, #tpu.memory_space<semaphore_mem>>) {add = true}
      %while3A_156 = arith.constant 0 : i32
      scf.yield %while3A_156 : i32
    }
    %ge3A = arith.constant 1 : i32
    %ge3A_85 = arith.cmpi sge, %select_n3A, %ge3A : i32
    %convert_element_type3A_86 = arith.extui %ge3A_85 : i1 to i32
    %cond3A_87 = arith.constant 0 : i32
    %cond3A_88 = arith.cmpi ne, %convert_element_type3A_86, %cond3A_87 : i32
    scf.if %cond3A_88 {
      %sub3A = arith.constant 1 : i32
      %sub3A_100 = arith.subi %select_n3A, %sub3A : i32
      %rem3A = arith.constant 2 : i32
      %rem3A_101 = arith.remsi %sub3A_100, %rem3A : i32
      %rem3A_102 = arith.constant 4 : i32
      %rem3A_103 = arith.remsi %sub3A_100, %rem3A_102 : i32
      %dma_wait3A = arith.constant 0 : i32
      %dma_wait3A_104 = arith.constant 0 : i32
      %dma_wait3A_105 = tpu.memref_slice %arg11[%rem3A_101, %dma_wait3A, %dma_wait3A_104] : memref<2x128x128xf32, #tpu.memory_space<vmem>> -> memref<1x128x128xf32, #tpu.memory_space<vmem>>
      %dma_wait3A_106 = tpu.memref_squeeze %dma_wait3A_105 : memref<1x128x128xf32, #tpu.memory_space<vmem>> -> memref<128x128xf32, #tpu.memory_space<vmem>>
      %dma_wait3A_107 = arith.constant 0 : i32
      %dma_wait3A_108 = tpu.memref_slice %arg10[%rem3A_103, %dma_wait3A_107] : memref<4x128xi32, #tpu.memory_space<vmem>> -> memref<1x128xi32, #tpu.memory_space<vmem>>
      %dma_wait3A_109 = tpu.memref_squeeze %dma_wait3A_108 : memref<1x128xi32, #tpu.memory_space<vmem>> -> memref<128xi32, #tpu.memory_space<vmem>>
      %dma_wait3A_110 = arith.constant 0 : i32
      %dma_wait3A_111 = arith.constant 0 : i32
      %dma_wait3A_112 = tpu.memref_slice %arg7[%dma_wait3A_110, %dma_wait3A_111] : memref<10240x128xf32, #tpu.memory_space<vmem_shared>> -> memref<10240x128xf32, #tpu.memory_space<vmem_shared>>
      %dma_wait3A_113 = tpu.memref_slice %arg15[%rem3A_101] : memref<2x!tpu.dma_semaphore, #tpu.memory_space<semaphore_mem>> -> memref<1x!tpu.dma_semaphore, #tpu.memory_space<semaphore_mem>>
      %dma_wait3A_114 = tpu.memref_squeeze %dma_wait3A_113 : memref<1x!tpu.dma_semaphore, #tpu.memory_space<semaphore_mem>> -> memref<!tpu.dma_semaphore, #tpu.memory_space<semaphore_mem>>
      tpu.wait_indirect_dma semaphore(%dma_wait3A_114 : memref<!tpu.dma_semaphore, #tpu.memory_space<semaphore_mem>>) src(%dma_wait3A_106 : memref<128x128xf32, #tpu.memory_space<vmem>>) dst(%dma_wait3A_112 : memref<10240x128xf32, #tpu.memory_space<vmem_shared>>)
      %dma_wait3A_115 = arith.constant 0 : i32
      %dma_wait3A_116 = tpu.memref_slice %arg10[%rem3A_103, %dma_wait3A_115] : memref<4x128xi32, #tpu.memory_space<vmem>> -> memref<1x128xi32, #tpu.memory_space<vmem>>
      %dma_wait3A_117 = tpu.memref_squeeze %dma_wait3A_116 : memref<1x128xi32, #tpu.memory_space<vmem>> -> memref<128xi32, #tpu.memory_space<vmem>>
      %dma_wait3A_118 = arith.constant 0 : i32
      %dma_wait3A_119 = tpu.memref_slice %arg8[%dma_wait3A_118] : memref<10240xf32, #tpu.memory_space<vmem_shared>> -> memref<10240xf32, #tpu.memory_space<vmem_shared>>
      %dma_wait3A_120 = tpu.memref_slice %arg15[%rem3A_101] : memref<2x!tpu.dma_semaphore, #tpu.memory_space<semaphore_mem>> -> memref<1x!tpu.dma_semaphore, #tpu.memory_space<semaphore_mem>>
      %dma_wait3A_121 = tpu.memref_squeeze %dma_wait3A_120 : memref<1x!tpu.dma_semaphore, #tpu.memory_space<semaphore_mem>> -> memref<!tpu.dma_semaphore, #tpu.memory_space<semaphore_mem>>
      tpu.wait_indirect_dma semaphore(%dma_wait3A_121 : memref<!tpu.dma_semaphore, #tpu.memory_space<semaphore_mem>>) src(%arg12 : memref<128xf32, #tpu.memory_space<vmem>>) dst(%dma_wait3A_119 : memref<10240xf32, #tpu.memory_space<vmem_shared>>)
    } else {
    }
    %barrier3A_89 = arith.constant 0 : index
    tpu.barrier barrier_id(%barrier3A_89)
    %mul3A_90 = arith.constant 10240 : i32
    %mul3A_91 = arith.muli %arg0, %mul3A_90 : i32
    %mul3A_92 = arith.constant 640 : i32
    %mul3A_93 = arith.muli %arg1, %mul3A_92 : i32
    %add3A_94 = arith.addi %mul3A_91, %mul3A_93 : i32
    "tpu.region"() ({
      %run_scoped3A_100 = tpu.sem_alloc : memref<!tpu.dma_semaphore, #tpu.memory_space<semaphore_mem>>
      %dma_start3A = arith.constant 0 : i32
      %dma_start3A_101 = tpu.memref_slice %arg5[%add3A_94, %dma_start3A] : memref<20480x128xf32, #tpu.memory_space<hbm>> -> memref<640x128xf32, #tpu.memory_space<hbm>>
      %dma_start3A_102 = arith.constant 0 : i32
      %dma_start3A_103 = tpu.memref_slice %arg7[%mul3A_0, %dma_start3A_102] : memref<10240x128xf32, #tpu.memory_space<vmem_shared>> -> memref<640x128xf32, #tpu.memory_space<vmem_shared>>
      tpu.enqueue_dma source(%dma_start3A_103 : memref<640x128xf32, #tpu.memory_space<vmem_shared>>) target(%dma_start3A_101 : memref<640x128xf32, #tpu.memory_space<hbm>>) target_semaphore(%run_scoped3A_100 : memref<!tpu.dma_semaphore, #tpu.memory_space<semaphore_mem>>)
      %dma_wait3A = arith.constant 0 : i32
      %dma_wait3A_104 = tpu.memref_slice %arg5[%add3A_94, %dma_wait3A] : memref<20480x128xf32, #tpu.memory_space<hbm>> -> memref<640x128xf32, #tpu.memory_space<hbm>>
      %dma_wait3A_105 = arith.constant 0 : i32
      %dma_wait3A_106 = tpu.memref_slice %arg7[%mul3A_0, %dma_wait3A_105] : memref<10240x128xf32, #tpu.memory_space<vmem_shared>> -> memref<640x128xf32, #tpu.memory_space<vmem_shared>>
      tpu.wait_dma2 semaphore(%run_scoped3A_100 : memref<!tpu.dma_semaphore, #tpu.memory_space<semaphore_mem>>) src(%dma_wait3A_106 : memref<640x128xf32, #tpu.memory_space<vmem_shared>>) dst(%dma_wait3A_104 : memref<640x128xf32, #tpu.memory_space<hbm>>)
      tpu.yield
    }) : () -> ()
    %mul3A_95 = arith.constant 10240 : i32
    %mul3A_96 = arith.muli %arg0, %mul3A_95 : i32
    %mul3A_97 = arith.constant 640 : i32
    %mul3A_98 = arith.muli %arg1, %mul3A_97 : i32
    %add3A_99 = arith.addi %mul3A_96, %mul3A_98 : i32
    "tpu.region"() ({
      %run_scoped3A_100 = tpu.sem_alloc : memref<!tpu.dma_semaphore, #tpu.memory_space<semaphore_mem>>
      %dma_start3A = tpu.memref_slice %arg6[%add3A_99] : memref<20480xf32, #tpu.memory_space<hbm>> -> memref<640xf32, #tpu.memory_space<hbm>>
      %dma_start3A_101 = tpu.memref_slice %arg8[%mul3A_0] : memref<10240xf32, #tpu.memory_space<vmem_shared>> -> memref<640xf32, #tpu.memory_space<vmem_shared>>
      tpu.enqueue_dma source(%dma_start3A_101 : memref<640xf32, #tpu.memory_space<vmem_shared>>) target(%dma_start3A : memref<640xf32, #tpu.memory_space<hbm>>) target_semaphore(%run_scoped3A_100 : memref<!tpu.dma_semaphore, #tpu.memory_space<semaphore_mem>>)
      %dma_wait3A = tpu.memref_slice %arg6[%add3A_99] : memref<20480xf32, #tpu.memory_space<hbm>> -> memref<640xf32, #tpu.memory_space<hbm>>
      %dma_wait3A_102 = tpu.memref_slice %arg8[%mul3A_0] : memref<10240xf32, #tpu.memory_space<vmem_shared>> -> memref<640xf32, #tpu.memory_space<vmem_shared>>
      tpu.wait_dma2 semaphore(%run_scoped3A_100 : memref<!tpu.dma_semaphore, #tpu.memory_space<semaphore_mem>>) src(%dma_wait3A_102 : memref<640xf32, #tpu.memory_space<vmem_shared>>) dst(%dma_wait3A : memref<640xf32, #tpu.memory_space<hbm>>)
      tpu.yield
    }) : () -> ()
    return
  }
}

#map = affine_map<(d0, d1) -> (0, 0)>
#map1 = affine_map<(d0, d1) -> (0)>
module attributes {stable_mosaic.version = 14 : i64} {
  func.func @_sc_segment_body(%arg0: i32, %arg1: i32, %arg2: memref<10240x128xf32, #tpu.memory_space<hbm>>, %arg3: memref<327680xi32, #tpu.memory_space<hbm>>, %arg4: memref<327680xi32, #tpu.memory_space<hbm>>, %arg5: memref<20480x128xf32, #tpu.memory_space<hbm>>, %arg6: memref<10240x128xf32, #tpu.memory_space<vmem_shared>>, %arg7: memref<4x128xi32, #tpu.memory_space<vmem>>, %arg8: memref<4x128xi32, #tpu.memory_space<vmem>>, %arg9: memref<2x128x128xf32, #tpu.memory_space<vmem>>, %arg10: memref<2x!tpu.dma_semaphore, #tpu.memory_space<semaphore_mem>>, %arg11: memref<2x!tpu.dma_semaphore, #tpu.memory_space<semaphore_mem>>, %arg12: memref<4x!tpu.dma_semaphore, #tpu.memory_space<semaphore_mem>>) attributes {dimension_semantics = [#tpu.dimension_semantics<core_parallel>, #tpu.dimension_semantics<subcore_parallel>], iteration_bounds = array<i64: 2, 16>, scalar_prefetch = 0 : i64, scratch_operands = 7 : i64, tpu.core_type = #tpu.core_type<sc_vector_subcore>, window_params = [{transform_indices = #map}, {transform_indices = #map1}, {transform_indices = #map1}, {transform_indices = #map}]} {
    %mul3A = arith.constant 640 : i32
    %mul3A_0 = arith.muli %arg1, %mul3A : i32
    %broadcast_in_dim3A = arith.constant 0.000000e+00 : f32
    %broadcast_in_dim3A_1 = vector.broadcast %broadcast_in_dim3A : f32 to vector<16xf32>
    %scan3A = arith.constant 0 : i32
    %scan3A_2 = arith.constant 0 : i32
    %scan3A_3 = arith.constant 1024 : i32
    %scan3A_4 = arith.addi %scan3A_2, %scan3A_3 : i32
    %scan3A_5 = arith.constant 1 : i32
    %scan3A_6 = scf.for %scan3A_81 = %scan3A_2 to %scan3A_4 step %scan3A_5 iter_args(%scan3A_82 = %scan3A) -> (i32)  : i32 {
      %jit3A_83 = arith.constant 8 : i32
      %div3A = arith.divsi %scan3A_81, %jit3A_83 : i32
      %sign3A = arith.constant 0 : i32
      %sign3A_84 = arith.cmpi sgt, %scan3A_81, %sign3A : i32
      %sign3A_85 = arith.extui %sign3A_84 : i1 to i32
      %sign3A_86 = arith.constant 0 : i32
      %sign3A_87 = arith.cmpi slt, %scan3A_81, %sign3A_86 : i32
      %sign3A_88 = arith.extui %sign3A_87 : i1 to i32
      %sign3A_89 = arith.subi %sign3A_85, %sign3A_88 : i32
      %sign3A_90 = arith.constant 0 : i32
      %sign3A_91 = arith.cmpi sgt, %jit3A_83, %sign3A_90 : i32
      %sign3A_92 = arith.extui %sign3A_91 : i1 to i32
      %sign3A_93 = arith.constant 0 : i32
      %sign3A_94 = arith.cmpi slt, %jit3A_83, %sign3A_93 : i32
      %sign3A_95 = arith.extui %sign3A_94 : i1 to i32
      %sign3A_96 = arith.subi %sign3A_92, %sign3A_95 : i32
      %ne3A = arith.cmpi ne, %sign3A_89, %sign3A_96 : i32
      %rem3A = arith.remsi %scan3A_81, %jit3A_83 : i32
      %ne3A_97 = arith.constant 0 : i32
      %ne3A_98 = arith.cmpi ne, %rem3A, %ne3A_97 : i32
      %and3A = arith.andi %ne3A, %ne3A_98 : i1
      %sub3A = arith.constant 1 : i32
      %sub3A_99 = arith.subi %div3A, %sub3A : i32
      %select_n3A_100 = arith.select %and3A, %sub3A_99, %div3A : i32
      %rem3A_101 = arith.constant 8 : i32
      %rem3A_102 = arith.remsi %scan3A_81, %rem3A_101 : i32
      %mul3A_103 = arith.constant 16 : i32
      %mul3A_104 = arith.muli %rem3A_102, %mul3A_103 : i32
      %swap3A = arith.constant 0 : i32
      %swap3A_105 = arith.index_cast %swap3A : i32 to index
      %swap3A_106 = arith.index_cast %select_n3A_100 : i32 to index
      %swap3A_107 = arith.index_cast %mul3A_104 : i32 to index
      %swap3A_108 = tpu.vector_load %arg9[%swap3A_105, %swap3A_106, %swap3A_107] {strides = array<i32>} : memref<2x128x128xf32, #tpu.memory_space<vmem>>, vector<1x1x16xf32>,
      %swap3A_109 = vector.shape_cast %swap3A_108 : vector<1x1x16xf32> to vector<16xf32>
      %swap3A_110 = vector.shape_cast %broadcast_in_dim3A_1 : vector<16xf32> to vector<1x1x16xf32>
      tpu.vector_store %arg9[%swap3A_105, %swap3A_106, %swap3A_107], %swap3A_110 {strides = array<i32>} : memref<2x128x128xf32, #tpu.memory_space<vmem>>, vector<1x1x16xf32>,
      %scan3A_111 = arith.constant 0 : i32
      scf.yield %scan3A_111 : i32
    }
    %scan3A_7 = arith.constant 1024 : i32
    %mul3A_8 = arith.constant 640 : i32
    %mul3A_9 = arith.muli %arg1, %mul3A_8 : i32
    %add3A = arith.constant 0 : i32
    %add3A_10 = arith.addi %mul3A_9, %add3A : i32
    %run_scoped3A = arith.constant 0 : i32
    "tpu.region"() ({
      %run_scoped3A_81 = tpu.sem_alloc : memref<!tpu.dma_semaphore, #tpu.memory_space<semaphore_mem>>
      %dma_start3A = arith.constant 0 : i32
      %dma_start3A_82 = arith.constant 0 : i32
      %dma_start3A_83 = tpu.memref_slice %arg9[%run_scoped3A, %dma_start3A, %dma_start3A_82] : memref<2x128x128xf32, #tpu.memory_space<vmem>> -> memref<1x128x128xf32, #tpu.memory_space<vmem>>
      %dma_start3A_84 = tpu.memref_squeeze %dma_start3A_83 : memref<1x128x128xf32, #tpu.memory_space<vmem>> -> memref<128x128xf32, #tpu.memory_space<vmem>>
      %dma_start3A_85 = arith.constant 0 : i32
      %dma_start3A_86 = tpu.memref_slice %arg6[%add3A_10, %dma_start3A_85] : memref<10240x128xf32, #tpu.memory_space<vmem_shared>> -> memref<128x128xf32, #tpu.memory_space<vmem_shared>>
      %dma_start3A_87 = arith.constant 0 : i32
      %dma_start3A_88 = tpu.memref_slice %arg6[%add3A_10, %dma_start3A_87] : memref<10240x128xf32, #tpu.memory_space<vmem_shared>> -> memref<128x128xf32, #tpu.memory_space<vmem_shared>>
      %dma_start3A_89 = arith.constant 0 : i32
      %dma_start3A_90 = arith.constant 0 : i32
      %dma_start3A_91 = tpu.memref_slice %arg9[%run_scoped3A, %dma_start3A_89, %dma_start3A_90] : memref<2x128x128xf32, #tpu.memory_space<vmem>> -> memref<1x128x128xf32, #tpu.memory_space<vmem>>
      %dma_start3A_92 = tpu.memref_squeeze %dma_start3A_91 : memref<1x128x128xf32, #tpu.memory_space<vmem>> -> memref<128x128xf32, #tpu.memory_space<vmem>>
      tpu.enqueue_dma source(%dma_start3A_92 : memref<128x128xf32, #tpu.memory_space<vmem>>) target(%dma_start3A_88 : memref<128x128xf32, #tpu.memory_space<vmem_shared>>) target_semaphore(%run_scoped3A_81 : memref<!tpu.dma_semaphore, #tpu.memory_space<semaphore_mem>>)
      %dma_wait3A = arith.constant 0 : i32
      %dma_wait3A_93 = arith.constant 0 : i32
      %dma_wait3A_94 = tpu.memref_slice %arg9[%run_scoped3A, %dma_wait3A, %dma_wait3A_93] : memref<2x128x128xf32, #tpu.memory_space<vmem>> -> memref<1x128x128xf32, #tpu.memory_space<vmem>>
      %dma_wait3A_95 = tpu.memref_squeeze %dma_wait3A_94 : memref<1x128x128xf32, #tpu.memory_space<vmem>> -> memref<128x128xf32, #tpu.memory_space<vmem>>
      %dma_wait3A_96 = arith.constant 0 : i32
      %dma_wait3A_97 = tpu.memref_slice %arg6[%add3A_10, %dma_wait3A_96] : memref<10240x128xf32, #tpu.memory_space<vmem_shared>> -> memref<128x128xf32, #tpu.memory_space<vmem_shared>>
      %dma_wait3A_98 = arith.constant 0 : i32
      %dma_wait3A_99 = tpu.memref_slice %arg6[%add3A_10, %dma_wait3A_98] : memref<10240x128xf32, #tpu.memory_space<vmem_shared>> -> memref<128x128xf32, #tpu.memory_space<vmem_shared>>
      %dma_wait3A_100 = arith.constant 0 : i32
      %dma_wait3A_101 = arith.constant 0 : i32
      %dma_wait3A_102 = tpu.memref_slice %arg9[%run_scoped3A, %dma_wait3A_100, %dma_wait3A_101] : memref<2x128x128xf32, #tpu.memory_space<vmem>> -> memref<1x128x128xf32, #tpu.memory_space<vmem>>
      %dma_wait3A_103 = tpu.memref_squeeze %dma_wait3A_102 : memref<1x128x128xf32, #tpu.memory_space<vmem>> -> memref<128x128xf32, #tpu.memory_space<vmem>>
      tpu.wait_dma2 semaphore(%run_scoped3A_81 : memref<!tpu.dma_semaphore, #tpu.memory_space<semaphore_mem>>) src(%dma_wait3A_103 : memref<128x128xf32, #tpu.memory_space<vmem>>) dst(%dma_wait3A_99 : memref<128x128xf32, #tpu.memory_space<vmem_shared>>)
      tpu.yield
    }) : () -> ()
    %mul3A_11 = arith.constant 640 : i32
    %mul3A_12 = arith.muli %arg1, %mul3A_11 : i32
    %add3A_13 = arith.constant 128 : i32
    %add3A_14 = arith.addi %mul3A_12, %add3A_13 : i32
    %run_scoped3A_15 = arith.constant 0 : i32
    "tpu.region"() ({
      %run_scoped3A_81 = tpu.sem_alloc : memref<!tpu.dma_semaphore, #tpu.memory_space<semaphore_mem>>
      %dma_start3A = arith.constant 0 : i32
      %dma_start3A_82 = arith.constant 0 : i32
      %dma_start3A_83 = tpu.memref_slice %arg9[%run_scoped3A_15, %dma_start3A, %dma_start3A_82] : memref<2x128x128xf32, #tpu.memory_space<vmem>> -> memref<1x128x128xf32, #tpu.memory_space<vmem>>
      %dma_start3A_84 = tpu.memref_squeeze %dma_start3A_83 : memref<1x128x128xf32, #tpu.memory_space<vmem>> -> memref<128x128xf32, #tpu.memory_space<vmem>>
      %dma_start3A_85 = arith.constant 0 : i32
      %dma_start3A_86 = tpu.memref_slice %arg6[%add3A_14, %dma_start3A_85] : memref<10240x128xf32, #tpu.memory_space<vmem_shared>> -> memref<128x128xf32, #tpu.memory_space<vmem_shared>>
      %dma_start3A_87 = arith.constant 0 : i32
      %dma_start3A_88 = tpu.memref_slice %arg6[%add3A_14, %dma_start3A_87] : memref<10240x128xf32, #tpu.memory_space<vmem_shared>> -> memref<128x128xf32, #tpu.memory_space<vmem_shared>>
      %dma_start3A_89 = arith.constant 0 : i32
      %dma_start3A_90 = arith.constant 0 : i32
      %dma_start3A_91 = tpu.memref_slice %arg9[%run_scoped3A_15, %dma_start3A_89, %dma_start3A_90] : memref<2x128x128xf32, #tpu.memory_space<vmem>> -> memref<1x128x128xf32, #tpu.memory_space<vmem>>
      %dma_start3A_92 = tpu.memref_squeeze %dma_start3A_91 : memref<1x128x128xf32, #tpu.memory_space<vmem>> -> memref<128x128xf32, #tpu.memory_space<vmem>>
      tpu.enqueue_dma source(%dma_start3A_92 : memref<128x128xf32, #tpu.memory_space<vmem>>) target(%dma_start3A_88 : memref<128x128xf32, #tpu.memory_space<vmem_shared>>) target_semaphore(%run_scoped3A_81 : memref<!tpu.dma_semaphore, #tpu.memory_space<semaphore_mem>>)
      %dma_wait3A = arith.constant 0 : i32
      %dma_wait3A_93 = arith.constant 0 : i32
      %dma_wait3A_94 = tpu.memref_slice %arg9[%run_scoped3A_15, %dma_wait3A, %dma_wait3A_93] : memref<2x128x128xf32, #tpu.memory_space<vmem>> -> memref<1x128x128xf32, #tpu.memory_space<vmem>>
      %dma_wait3A_95 = tpu.memref_squeeze %dma_wait3A_94 : memref<1x128x128xf32, #tpu.memory_space<vmem>> -> memref<128x128xf32, #tpu.memory_space<vmem>>
      %dma_wait3A_96 = arith.constant 0 : i32
      %dma_wait3A_97 = tpu.memref_slice %arg6[%add3A_14, %dma_wait3A_96] : memref<10240x128xf32, #tpu.memory_space<vmem_shared>> -> memref<128x128xf32, #tpu.memory_space<vmem_shared>>
      %dma_wait3A_98 = arith.constant 0 : i32
      %dma_wait3A_99 = tpu.memref_slice %arg6[%add3A_14, %dma_wait3A_98] : memref<10240x128xf32, #tpu.memory_space<vmem_shared>> -> memref<128x128xf32, #tpu.memory_space<vmem_shared>>
      %dma_wait3A_100 = arith.constant 0 : i32
      %dma_wait3A_101 = arith.constant 0 : i32
      %dma_wait3A_102 = tpu.memref_slice %arg9[%run_scoped3A_15, %dma_wait3A_100, %dma_wait3A_101] : memref<2x128x128xf32, #tpu.memory_space<vmem>> -> memref<1x128x128xf32, #tpu.memory_space<vmem>>
      %dma_wait3A_103 = tpu.memref_squeeze %dma_wait3A_102 : memref<1x128x128xf32, #tpu.memory_space<vmem>> -> memref<128x128xf32, #tpu.memory_space<vmem>>
      tpu.wait_dma2 semaphore(%run_scoped3A_81 : memref<!tpu.dma_semaphore, #tpu.memory_space<semaphore_mem>>) src(%dma_wait3A_103 : memref<128x128xf32, #tpu.memory_space<vmem>>) dst(%dma_wait3A_99 : memref<128x128xf32, #tpu.memory_space<vmem_shared>>)
      tpu.yield
    }) : () -> ()
    %mul3A_16 = arith.constant 640 : i32
    %mul3A_17 = arith.muli %arg1, %mul3A_16 : i32
    %add3A_18 = arith.constant 256 : i32
    %add3A_19 = arith.addi %mul3A_17, %add3A_18 : i32
    %run_scoped3A_20 = arith.constant 0 : i32
    "tpu.region"() ({
      %run_scoped3A_81 = tpu.sem_alloc : memref<!tpu.dma_semaphore, #tpu.memory_space<semaphore_mem>>
      %dma_start3A = arith.constant 0 : i32
      %dma_start3A_82 = arith.constant 0 : i32
      %dma_start3A_83 = tpu.memref_slice %arg9[%run_scoped3A_20, %dma_start3A, %dma_start3A_82] : memref<2x128x128xf32, #tpu.memory_space<vmem>> -> memref<1x128x128xf32, #tpu.memory_space<vmem>>
      %dma_start3A_84 = tpu.memref_squeeze %dma_start3A_83 : memref<1x128x128xf32, #tpu.memory_space<vmem>> -> memref<128x128xf32, #tpu.memory_space<vmem>>
      %dma_start3A_85 = arith.constant 0 : i32
      %dma_start3A_86 = tpu.memref_slice %arg6[%add3A_19, %dma_start3A_85] : memref<10240x128xf32, #tpu.memory_space<vmem_shared>> -> memref<128x128xf32, #tpu.memory_space<vmem_shared>>
      %dma_start3A_87 = arith.constant 0 : i32
      %dma_start3A_88 = tpu.memref_slice %arg6[%add3A_19, %dma_start3A_87] : memref<10240x128xf32, #tpu.memory_space<vmem_shared>> -> memref<128x128xf32, #tpu.memory_space<vmem_shared>>
      %dma_start3A_89 = arith.constant 0 : i32
      %dma_start3A_90 = arith.constant 0 : i32
      %dma_start3A_91 = tpu.memref_slice %arg9[%run_scoped3A_20, %dma_start3A_89, %dma_start3A_90] : memref<2x128x128xf32, #tpu.memory_space<vmem>> -> memref<1x128x128xf32, #tpu.memory_space<vmem>>
      %dma_start3A_92 = tpu.memref_squeeze %dma_start3A_91 : memref<1x128x128xf32, #tpu.memory_space<vmem>> -> memref<128x128xf32, #tpu.memory_space<vmem>>
      tpu.enqueue_dma source(%dma_start3A_92 : memref<128x128xf32, #tpu.memory_space<vmem>>) target(%dma_start3A_88 : memref<128x128xf32, #tpu.memory_space<vmem_shared>>) target_semaphore(%run_scoped3A_81 : memref<!tpu.dma_semaphore, #tpu.memory_space<semaphore_mem>>)
      %dma_wait3A = arith.constant 0 : i32
      %dma_wait3A_93 = arith.constant 0 : i32
      %dma_wait3A_94 = tpu.memref_slice %arg9[%run_scoped3A_20, %dma_wait3A, %dma_wait3A_93] : memref<2x128x128xf32, #tpu.memory_space<vmem>> -> memref<1x128x128xf32, #tpu.memory_space<vmem>>
      %dma_wait3A_95 = tpu.memref_squeeze %dma_wait3A_94 : memref<1x128x128xf32, #tpu.memory_space<vmem>> -> memref<128x128xf32, #tpu.memory_space<vmem>>
      %dma_wait3A_96 = arith.constant 0 : i32
      %dma_wait3A_97 = tpu.memref_slice %arg6[%add3A_19, %dma_wait3A_96] : memref<10240x128xf32, #tpu.memory_space<vmem_shared>> -> memref<128x128xf32, #tpu.memory_space<vmem_shared>>
      %dma_wait3A_98 = arith.constant 0 : i32
      %dma_wait3A_99 = tpu.memref_slice %arg6[%add3A_19, %dma_wait3A_98] : memref<10240x128xf32, #tpu.memory_space<vmem_shared>> -> memref<128x128xf32, #tpu.memory_space<vmem_shared>>
      %dma_wait3A_100 = arith.constant 0 : i32
      %dma_wait3A_101 = arith.constant 0 : i32
      %dma_wait3A_102 = tpu.memref_slice %arg9[%run_scoped3A_20, %dma_wait3A_100, %dma_wait3A_101] : memref<2x128x128xf32, #tpu.memory_space<vmem>> -> memref<1x128x128xf32, #tpu.memory_space<vmem>>
      %dma_wait3A_103 = tpu.memref_squeeze %dma_wait3A_102 : memref<1x128x128xf32, #tpu.memory_space<vmem>> -> memref<128x128xf32, #tpu.memory_space<vmem>>
      tpu.wait_dma2 semaphore(%run_scoped3A_81 : memref<!tpu.dma_semaphore, #tpu.memory_space<semaphore_mem>>) src(%dma_wait3A_103 : memref<128x128xf32, #tpu.memory_space<vmem>>) dst(%dma_wait3A_99 : memref<128x128xf32, #tpu.memory_space<vmem_shared>>)
      tpu.yield
    }) : () -> ()
    %mul3A_21 = arith.constant 640 : i32
    %mul3A_22 = arith.muli %arg1, %mul3A_21 : i32
    %add3A_23 = arith.constant 384 : i32
    %add3A_24 = arith.addi %mul3A_22, %add3A_23 : i32
    %run_scoped3A_25 = arith.constant 0 : i32
    "tpu.region"() ({
      %run_scoped3A_81 = tpu.sem_alloc : memref<!tpu.dma_semaphore, #tpu.memory_space<semaphore_mem>>
      %dma_start3A = arith.constant 0 : i32
      %dma_start3A_82 = arith.constant 0 : i32
      %dma_start3A_83 = tpu.memref_slice %arg9[%run_scoped3A_25, %dma_start3A, %dma_start3A_82] : memref<2x128x128xf32, #tpu.memory_space<vmem>> -> memref<1x128x128xf32, #tpu.memory_space<vmem>>
      %dma_start3A_84 = tpu.memref_squeeze %dma_start3A_83 : memref<1x128x128xf32, #tpu.memory_space<vmem>> -> memref<128x128xf32, #tpu.memory_space<vmem>>
      %dma_start3A_85 = arith.constant 0 : i32
      %dma_start3A_86 = tpu.memref_slice %arg6[%add3A_24, %dma_start3A_85] : memref<10240x128xf32, #tpu.memory_space<vmem_shared>> -> memref<128x128xf32, #tpu.memory_space<vmem_shared>>
      %dma_start3A_87 = arith.constant 0 : i32
      %dma_start3A_88 = tpu.memref_slice %arg6[%add3A_24, %dma_start3A_87] : memref<10240x128xf32, #tpu.memory_space<vmem_shared>> -> memref<128x128xf32, #tpu.memory_space<vmem_shared>>
      %dma_start3A_89 = arith.constant 0 : i32
      %dma_start3A_90 = arith.constant 0 : i32
      %dma_start3A_91 = tpu.memref_slice %arg9[%run_scoped3A_25, %dma_start3A_89, %dma_start3A_90] : memref<2x128x128xf32, #tpu.memory_space<vmem>> -> memref<1x128x128xf32, #tpu.memory_space<vmem>>
      %dma_start3A_92 = tpu.memref_squeeze %dma_start3A_91 : memref<1x128x128xf32, #tpu.memory_space<vmem>> -> memref<128x128xf32, #tpu.memory_space<vmem>>
      tpu.enqueue_dma source(%dma_start3A_92 : memref<128x128xf32, #tpu.memory_space<vmem>>) target(%dma_start3A_88 : memref<128x128xf32, #tpu.memory_space<vmem_shared>>) target_semaphore(%run_scoped3A_81 : memref<!tpu.dma_semaphore, #tpu.memory_space<semaphore_mem>>)
      %dma_wait3A = arith.constant 0 : i32
      %dma_wait3A_93 = arith.constant 0 : i32
      %dma_wait3A_94 = tpu.memref_slice %arg9[%run_scoped3A_25, %dma_wait3A, %dma_wait3A_93] : memref<2x128x128xf32, #tpu.memory_space<vmem>> -> memref<1x128x128xf32, #tpu.memory_space<vmem>>
      %dma_wait3A_95 = tpu.memref_squeeze %dma_wait3A_94 : memref<1x128x128xf32, #tpu.memory_space<vmem>> -> memref<128x128xf32, #tpu.memory_space<vmem>>
      %dma_wait3A_96 = arith.constant 0 : i32
      %dma_wait3A_97 = tpu.memref_slice %arg6[%add3A_24, %dma_wait3A_96] : memref<10240x128xf32, #tpu.memory_space<vmem_shared>> -> memref<128x128xf32, #tpu.memory_space<vmem_shared>>
      %dma_wait3A_98 = arith.constant 0 : i32
      %dma_wait3A_99 = tpu.memref_slice %arg6[%add3A_24, %dma_wait3A_98] : memref<10240x128xf32, #tpu.memory_space<vmem_shared>> -> memref<128x128xf32, #tpu.memory_space<vmem_shared>>
      %dma_wait3A_100 = arith.constant 0 : i32
      %dma_wait3A_101 = arith.constant 0 : i32
      %dma_wait3A_102 = tpu.memref_slice %arg9[%run_scoped3A_25, %dma_wait3A_100, %dma_wait3A_101] : memref<2x128x128xf32, #tpu.memory_space<vmem>> -> memref<1x128x128xf32, #tpu.memory_space<vmem>>
      %dma_wait3A_103 = tpu.memref_squeeze %dma_wait3A_102 : memref<1x128x128xf32, #tpu.memory_space<vmem>> -> memref<128x128xf32, #tpu.memory_space<vmem>>
      tpu.wait_dma2 semaphore(%run_scoped3A_81 : memref<!tpu.dma_semaphore, #tpu.memory_space<semaphore_mem>>) src(%dma_wait3A_103 : memref<128x128xf32, #tpu.memory_space<vmem>>) dst(%dma_wait3A_99 : memref<128x128xf32, #tpu.memory_space<vmem_shared>>)
      tpu.yield
    }) : () -> ()
    %mul3A_26 = arith.constant 640 : i32
    %mul3A_27 = arith.muli %arg1, %mul3A_26 : i32
    %add3A_28 = arith.constant 512 : i32
    %add3A_29 = arith.addi %mul3A_27, %add3A_28 : i32
    %run_scoped3A_30 = arith.constant 0 : i32
    "tpu.region"() ({
      %run_scoped3A_81 = tpu.sem_alloc : memref<!tpu.dma_semaphore, #tpu.memory_space<semaphore_mem>>
      %dma_start3A = arith.constant 0 : i32
      %dma_start3A_82 = arith.constant 0 : i32
      %dma_start3A_83 = tpu.memref_slice %arg9[%run_scoped3A_30, %dma_start3A, %dma_start3A_82] : memref<2x128x128xf32, #tpu.memory_space<vmem>> -> memref<1x128x128xf32, #tpu.memory_space<vmem>>
      %dma_start3A_84 = tpu.memref_squeeze %dma_start3A_83 : memref<1x128x128xf32, #tpu.memory_space<vmem>> -> memref<128x128xf32, #tpu.memory_space<vmem>>
      %dma_start3A_85 = arith.constant 0 : i32
      %dma_start3A_86 = tpu.memref_slice %arg6[%add3A_29, %dma_start3A_85] : memref<10240x128xf32, #tpu.memory_space<vmem_shared>> -> memref<128x128xf32, #tpu.memory_space<vmem_shared>>
      %dma_start3A_87 = arith.constant 0 : i32
      %dma_start3A_88 = tpu.memref_slice %arg6[%add3A_29, %dma_start3A_87] : memref<10240x128xf32, #tpu.memory_space<vmem_shared>> -> memref<128x128xf32, #tpu.memory_space<vmem_shared>>
      %dma_start3A_89 = arith.constant 0 : i32
      %dma_start3A_90 = arith.constant 0 : i32
      %dma_start3A_91 = tpu.memref_slice %arg9[%run_scoped3A_30, %dma_start3A_89, %dma_start3A_90] : memref<2x128x128xf32, #tpu.memory_space<vmem>> -> memref<1x128x128xf32, #tpu.memory_space<vmem>>
      %dma_start3A_92 = tpu.memref_squeeze %dma_start3A_91 : memref<1x128x128xf32, #tpu.memory_space<vmem>> -> memref<128x128xf32, #tpu.memory_space<vmem>>
      tpu.enqueue_dma source(%dma_start3A_92 : memref<128x128xf32, #tpu.memory_space<vmem>>) target(%dma_start3A_88 : memref<128x128xf32, #tpu.memory_space<vmem_shared>>) target_semaphore(%run_scoped3A_81 : memref<!tpu.dma_semaphore, #tpu.memory_space<semaphore_mem>>)
      %dma_wait3A = arith.constant 0 : i32
      %dma_wait3A_93 = arith.constant 0 : i32
      %dma_wait3A_94 = tpu.memref_slice %arg9[%run_scoped3A_30, %dma_wait3A, %dma_wait3A_93] : memref<2x128x128xf32, #tpu.memory_space<vmem>> -> memref<1x128x128xf32, #tpu.memory_space<vmem>>
      %dma_wait3A_95 = tpu.memref_squeeze %dma_wait3A_94 : memref<1x128x128xf32, #tpu.memory_space<vmem>> -> memref<128x128xf32, #tpu.memory_space<vmem>>
      %dma_wait3A_96 = arith.constant 0 : i32
      %dma_wait3A_97 = tpu.memref_slice %arg6[%add3A_29, %dma_wait3A_96] : memref<10240x128xf32, #tpu.memory_space<vmem_shared>> -> memref<128x128xf32, #tpu.memory_space<vmem_shared>>
      %dma_wait3A_98 = arith.constant 0 : i32
      %dma_wait3A_99 = tpu.memref_slice %arg6[%add3A_29, %dma_wait3A_98] : memref<10240x128xf32, #tpu.memory_space<vmem_shared>> -> memref<128x128xf32, #tpu.memory_space<vmem_shared>>
      %dma_wait3A_100 = arith.constant 0 : i32
      %dma_wait3A_101 = arith.constant 0 : i32
      %dma_wait3A_102 = tpu.memref_slice %arg9[%run_scoped3A_30, %dma_wait3A_100, %dma_wait3A_101] : memref<2x128x128xf32, #tpu.memory_space<vmem>> -> memref<1x128x128xf32, #tpu.memory_space<vmem>>
      %dma_wait3A_103 = tpu.memref_squeeze %dma_wait3A_102 : memref<1x128x128xf32, #tpu.memory_space<vmem>> -> memref<128x128xf32, #tpu.memory_space<vmem>>
      tpu.wait_dma2 semaphore(%run_scoped3A_81 : memref<!tpu.dma_semaphore, #tpu.memory_space<semaphore_mem>>) src(%dma_wait3A_103 : memref<128x128xf32, #tpu.memory_space<vmem>>) dst(%dma_wait3A_99 : memref<128x128xf32, #tpu.memory_space<vmem_shared>>)
      tpu.yield
    }) : () -> ()
    %barrier3A = arith.constant 0 : index
    tpu.barrier barrier_id(%barrier3A)
    %eq3A = arith.constant 0 : i32
    %eq3A_31 = arith.cmpi eq, %arg0, %eq3A : i32
    %jit3A = arith.constant 113 : i32
    %jit3A_32 = arith.constant 47 : i32
    %select_n3A = arith.select %eq3A_31, %jit3A, %jit3A_32 : i32
    %mul3A_33 = arith.constant 160 : i32
    %mul3A_34 = arith.muli %arg1, %mul3A_33 : i32
    %eq3A_35 = arith.constant 0 : i32
    %eq3A_36 = arith.cmpi eq, %arg0, %eq3A_35 : i32
    %jit3A_37 = arith.constant 0 : i32
    %jit3A_38 = arith.constant 113 : i32
    %select_n3A_39 = arith.select %eq3A_36, %jit3A_37, %jit3A_38 : i32
    %add3A_40 = arith.addi %mul3A_34, %select_n3A_39 : i32
    %mul3A_41 = arith.constant 128 : i32
    %mul3A_42 = arith.muli %add3A_40, %mul3A_41 : i32
    %gt3A = arith.constant 0 : i32
    %gt3A_43 = arith.cmpi sgt, %select_n3A, %gt3A : i32
    %convert_element_type3A = arith.extui %gt3A_43 : i1 to i32
    %cond3A = arith.constant 0 : i32
    %cond3A_44 = arith.cmpi ne, %convert_element_type3A, %cond3A : i32
    scf.if %cond3A_44 {
      %rem3A = arith.constant 0 : i32
      %rem3A_81 = arith.constant 4 : i32
      %rem3A_82 = arith.remsi %rem3A, %rem3A_81 : i32
      %add3A_83 = arith.constant 0 : i32
      %add3A_84 = arith.addi %mul3A_42, %add3A_83 : i32
      %dma_start3A = arith.constant 0 : i32
      %dma_start3A_85 = tpu.memref_slice %arg7[%rem3A_82, %dma_start3A] : memref<4x128xi32, #tpu.memory_space<vmem>> -> memref<1x128xi32, #tpu.memory_space<vmem>>
      %dma_start3A_86 = tpu.memref_squeeze %dma_start3A_85 : memref<1x128xi32, #tpu.memory_space<vmem>> -> memref<128xi32, #tpu.memory_space<vmem>>
      %dma_start3A_87 = tpu.memref_slice %arg3[%add3A_84] : memref<327680xi32, #tpu.memory_space<hbm>> -> memref<128xi32, #tpu.memory_space<hbm>>
      %dma_start3A_88 = tpu.memref_slice %arg12[%rem3A_82] : memref<4x!tpu.dma_semaphore, #tpu.memory_space<semaphore_mem>> -> memref<1x!tpu.dma_semaphore, #tpu.memory_space<semaphore_mem>>
      %dma_start3A_89 = tpu.memref_squeeze %dma_start3A_88 : memref<1x!tpu.dma_semaphore, #tpu.memory_space<semaphore_mem>> -> memref<!tpu.dma_semaphore, #tpu.memory_space<semaphore_mem>>
      %dma_start3A_90 = arith.constant 0 : i32
      %dma_start3A_91 = tpu.memref_slice %arg7[%rem3A_82, %dma_start3A_90] : memref<4x128xi32, #tpu.memory_space<vmem>> -> memref<1x128xi32, #tpu.memory_space<vmem>>
      %dma_start3A_92 = tpu.memref_squeeze %dma_start3A_91 : memref<1x128xi32, #tpu.memory_space<vmem>> -> memref<128xi32, #tpu.memory_space<vmem>>
      %dma_start3A_93 = tpu.memref_slice %arg3[%add3A_84] : memref<327680xi32, #tpu.memory_space<hbm>> -> memref<128xi32, #tpu.memory_space<hbm>>
      tpu.enqueue_dma source(%dma_start3A_93 : memref<128xi32, #tpu.memory_space<hbm>>) target(%dma_start3A_92 : memref<128xi32, #tpu.memory_space<vmem>>) target_semaphore(%dma_start3A_89 : memref<!tpu.dma_semaphore, #tpu.memory_space<semaphore_mem>>)
      %dma_start3A_94 = arith.constant 0 : i32
      %dma_start3A_95 = tpu.memref_slice %arg8[%rem3A_82, %dma_start3A_94] : memref<4x128xi32, #tpu.memory_space<vmem>> -> memref<1x128xi32, #tpu.memory_space<vmem>>
      %dma_start3A_96 = tpu.memref_squeeze %dma_start3A_95 : memref<1x128xi32, #tpu.memory_space<vmem>> -> memref<128xi32, #tpu.memory_space<vmem>>
      %dma_start3A_97 = tpu.memref_slice %arg4[%add3A_84] : memref<327680xi32, #tpu.memory_space<hbm>> -> memref<128xi32, #tpu.memory_space<hbm>>
      %dma_start3A_98 = tpu.memref_slice %arg12[%rem3A_82] : memref<4x!tpu.dma_semaphore, #tpu.memory_space<semaphore_mem>> -> memref<1x!tpu.dma_semaphore, #tpu.memory_space<semaphore_mem>>
      %dma_start3A_99 = tpu.memref_squeeze %dma_start3A_98 : memref<1x!tpu.dma_semaphore, #tpu.memory_space<semaphore_mem>> -> memref<!tpu.dma_semaphore, #tpu.memory_space<semaphore_mem>>
      %dma_start3A_100 = arith.constant 0 : i32
      %dma_start3A_101 = tpu.memref_slice %arg8[%rem3A_82, %dma_start3A_100] : memref<4x128xi32, #tpu.memory_space<vmem>> -> memref<1x128xi32, #tpu.memory_space<vmem>>
      %dma_start3A_102 = tpu.memref_squeeze %dma_start3A_101 : memref<1x128xi32, #tpu.memory_space<vmem>> -> memref<128xi32, #tpu.memory_space<vmem>>
      %dma_start3A_103 = tpu.memref_slice %arg4[%add3A_84] : memref<327680xi32, #tpu.memory_space<hbm>> -> memref<128xi32, #tpu.memory_space<hbm>>
      tpu.enqueue_dma source(%dma_start3A_103 : memref<128xi32, #tpu.memory_space<hbm>>) target(%dma_start3A_102 : memref<128xi32, #tpu.memory_space<vmem>>) target_semaphore(%dma_start3A_99 : memref<!tpu.dma_semaphore, #tpu.memory_space<semaphore_mem>>)
    } else {
    }
    %gt3A_45 = arith.constant 1 : i32
    %gt3A_46 = arith.cmpi sgt, %select_n3A, %gt3A_45 : i32
    %convert_element_type3A_47 = arith.extui %gt3A_46 : i1 to i32
    %cond3A_48 = arith.constant 0 : i32
    %cond3A_49 = arith.cmpi ne, %convert_element_type3A_47, %cond3A_48 : i32
    scf.if %cond3A_49 {
      %rem3A = arith.constant 1 : i32
      %rem3A_81 = arith.constant 4 : i32
      %rem3A_82 = arith.remsi %rem3A, %rem3A_81 : i32
      %add3A_83 = arith.constant 128 : i32
      %add3A_84 = arith.addi %mul3A_42, %add3A_83 : i32
      %dma_start3A = arith.constant 0 : i32
      %dma_start3A_85 = tpu.memref_slice %arg7[%rem3A_82, %dma_start3A] : memref<4x128xi32, #tpu.memory_space<vmem>> -> memref<1x128xi32, #tpu.memory_space<vmem>>
      %dma_start3A_86 = tpu.memref_squeeze %dma_start3A_85 : memref<1x128xi32, #tpu.memory_space<vmem>> -> memref<128xi32, #tpu.memory_space<vmem>>
      %dma_start3A_87 = tpu.memref_slice %arg3[%add3A_84] : memref<327680xi32, #tpu.memory_space<hbm>> -> memref<128xi32, #tpu.memory_space<hbm>>
      %dma_start3A_88 = tpu.memref_slice %arg12[%rem3A_82] : memref<4x!tpu.dma_semaphore, #tpu.memory_space<semaphore_mem>> -> memref<1x!tpu.dma_semaphore, #tpu.memory_space<semaphore_mem>>
      %dma_start3A_89 = tpu.memref_squeeze %dma_start3A_88 : memref<1x!tpu.dma_semaphore, #tpu.memory_space<semaphore_mem>> -> memref<!tpu.dma_semaphore, #tpu.memory_space<semaphore_mem>>
      %dma_start3A_90 = arith.constant 0 : i32
      %dma_start3A_91 = tpu.memref_slice %arg7[%rem3A_82, %dma_start3A_90] : memref<4x128xi32, #tpu.memory_space<vmem>> -> memref<1x128xi32, #tpu.memory_space<vmem>>
      %dma_start3A_92 = tpu.memref_squeeze %dma_start3A_91 : memref<1x128xi32, #tpu.memory_space<vmem>> -> memref<128xi32, #tpu.memory_space<vmem>>
      %dma_start3A_93 = tpu.memref_slice %arg3[%add3A_84] : memref<327680xi32, #tpu.memory_space<hbm>> -> memref<128xi32, #tpu.memory_space<hbm>>
      tpu.enqueue_dma source(%dma_start3A_93 : memref<128xi32, #tpu.memory_space<hbm>>) target(%dma_start3A_92 : memref<128xi32, #tpu.memory_space<vmem>>) target_semaphore(%dma_start3A_89 : memref<!tpu.dma_semaphore, #tpu.memory_space<semaphore_mem>>)
      %dma_start3A_94 = arith.constant 0 : i32
      %dma_start3A_95 = tpu.memref_slice %arg8[%rem3A_82, %dma_start3A_94] : memref<4x128xi32, #tpu.memory_space<vmem>> -> memref<1x128xi32, #tpu.memory_space<vmem>>
      %dma_start3A_96 = tpu.memref_squeeze %dma_start3A_95 : memref<1x128xi32, #tpu.memory_space<vmem>> -> memref<128xi32, #tpu.memory_space<vmem>>
      %dma_start3A_97 = tpu.memref_slice %arg4[%add3A_84] : memref<327680xi32, #tpu.memory_space<hbm>> -> memref<128xi32, #tpu.memory_space<hbm>>
      %dma_start3A_98 = tpu.memref_slice %arg12[%rem3A_82] : memref<4x!tpu.dma_semaphore, #tpu.memory_space<semaphore_mem>> -> memref<1x!tpu.dma_semaphore, #tpu.memory_space<semaphore_mem>>
      %dma_start3A_99 = tpu.memref_squeeze %dma_start3A_98 : memref<1x!tpu.dma_semaphore, #tpu.memory_space<semaphore_mem>> -> memref<!tpu.dma_semaphore, #tpu.memory_space<semaphore_mem>>
      %dma_start3A_100 = arith.constant 0 : i32
      %dma_start3A_101 = tpu.memref_slice %arg8[%rem3A_82, %dma_start3A_100] : memref<4x128xi32, #tpu.memory_space<vmem>> -> memref<1x128xi32, #tpu.memory_space<vmem>>
      %dma_start3A_102 = tpu.memref_squeeze %dma_start3A_101 : memref<1x128xi32, #tpu.memory_space<vmem>> -> memref<128xi32, #tpu.memory_space<vmem>>
      %dma_start3A_103 = tpu.memref_slice %arg4[%add3A_84] : memref<327680xi32, #tpu.memory_space<hbm>> -> memref<128xi32, #tpu.memory_space<hbm>>
      tpu.enqueue_dma source(%dma_start3A_103 : memref<128xi32, #tpu.memory_space<hbm>>) target(%dma_start3A_102 : memref<128xi32, #tpu.memory_space<vmem>>) target_semaphore(%dma_start3A_99 : memref<!tpu.dma_semaphore, #tpu.memory_space<semaphore_mem>>)
    } else {
    }
    %gt3A_50 = arith.constant 2 : i32
    %gt3A_51 = arith.cmpi sgt, %select_n3A, %gt3A_50 : i32
    %convert_element_type3A_52 = arith.extui %gt3A_51 : i1 to i32
    %cond3A_53 = arith.constant 0 : i32
    %cond3A_54 = arith.cmpi ne, %convert_element_type3A_52, %cond3A_53 : i32
    scf.if %cond3A_54 {
      %rem3A = arith.constant 2 : i32
      %rem3A_81 = arith.constant 4 : i32
      %rem3A_82 = arith.remsi %rem3A, %rem3A_81 : i32
      %add3A_83 = arith.constant 256 : i32
      %add3A_84 = arith.addi %mul3A_42, %add3A_83 : i32
      %dma_start3A = arith.constant 0 : i32
      %dma_start3A_85 = tpu.memref_slice %arg7[%rem3A_82, %dma_start3A] : memref<4x128xi32, #tpu.memory_space<vmem>> -> memref<1x128xi32, #tpu.memory_space<vmem>>
      %dma_start3A_86 = tpu.memref_squeeze %dma_start3A_85 : memref<1x128xi32, #tpu.memory_space<vmem>> -> memref<128xi32, #tpu.memory_space<vmem>>
      %dma_start3A_87 = tpu.memref_slice %arg3[%add3A_84] : memref<327680xi32, #tpu.memory_space<hbm>> -> memref<128xi32, #tpu.memory_space<hbm>>
      %dma_start3A_88 = tpu.memref_slice %arg12[%rem3A_82] : memref<4x!tpu.dma_semaphore, #tpu.memory_space<semaphore_mem>> -> memref<1x!tpu.dma_semaphore, #tpu.memory_space<semaphore_mem>>
      %dma_start3A_89 = tpu.memref_squeeze %dma_start3A_88 : memref<1x!tpu.dma_semaphore, #tpu.memory_space<semaphore_mem>> -> memref<!tpu.dma_semaphore, #tpu.memory_space<semaphore_mem>>
      %dma_start3A_90 = arith.constant 0 : i32
      %dma_start3A_91 = tpu.memref_slice %arg7[%rem3A_82, %dma_start3A_90] : memref<4x128xi32, #tpu.memory_space<vmem>> -> memref<1x128xi32, #tpu.memory_space<vmem>>
      %dma_start3A_92 = tpu.memref_squeeze %dma_start3A_91 : memref<1x128xi32, #tpu.memory_space<vmem>> -> memref<128xi32, #tpu.memory_space<vmem>>
      %dma_start3A_93 = tpu.memref_slice %arg3[%add3A_84] : memref<327680xi32, #tpu.memory_space<hbm>> -> memref<128xi32, #tpu.memory_space<hbm>>
      tpu.enqueue_dma source(%dma_start3A_93 : memref<128xi32, #tpu.memory_space<hbm>>) target(%dma_start3A_92 : memref<128xi32, #tpu.memory_space<vmem>>) target_semaphore(%dma_start3A_89 : memref<!tpu.dma_semaphore, #tpu.memory_space<semaphore_mem>>)
      %dma_start3A_94 = arith.constant 0 : i32
      %dma_start3A_95 = tpu.memref_slice %arg8[%rem3A_82, %dma_start3A_94] : memref<4x128xi32, #tpu.memory_space<vmem>> -> memref<1x128xi32, #tpu.memory_space<vmem>>
      %dma_start3A_96 = tpu.memref_squeeze %dma_start3A_95 : memref<1x128xi32, #tpu.memory_space<vmem>> -> memref<128xi32, #tpu.memory_space<vmem>>
      %dma_start3A_97 = tpu.memref_slice %arg4[%add3A_84] : memref<327680xi32, #tpu.memory_space<hbm>> -> memref<128xi32, #tpu.memory_space<hbm>>
      %dma_start3A_98 = tpu.memref_slice %arg12[%rem3A_82] : memref<4x!tpu.dma_semaphore, #tpu.memory_space<semaphore_mem>> -> memref<1x!tpu.dma_semaphore, #tpu.memory_space<semaphore_mem>>
      %dma_start3A_99 = tpu.memref_squeeze %dma_start3A_98 : memref<1x!tpu.dma_semaphore, #tpu.memory_space<semaphore_mem>> -> memref<!tpu.dma_semaphore, #tpu.memory_space<semaphore_mem>>
      %dma_start3A_100 = arith.constant 0 : i32
      %dma_start3A_101 = tpu.memref_slice %arg8[%rem3A_82, %dma_start3A_100] : memref<4x128xi32, #tpu.memory_space<vmem>> -> memref<1x128xi32, #tpu.memory_space<vmem>>
      %dma_start3A_102 = tpu.memref_squeeze %dma_start3A_101 : memref<1x128xi32, #tpu.memory_space<vmem>> -> memref<128xi32, #tpu.memory_space<vmem>>
      %dma_start3A_103 = tpu.memref_slice %arg4[%add3A_84] : memref<327680xi32, #tpu.memory_space<hbm>> -> memref<128xi32, #tpu.memory_space<hbm>>
      tpu.enqueue_dma source(%dma_start3A_103 : memref<128xi32, #tpu.memory_space<hbm>>) target(%dma_start3A_102 : memref<128xi32, #tpu.memory_space<vmem>>) target_semaphore(%dma_start3A_99 : memref<!tpu.dma_semaphore, #tpu.memory_space<semaphore_mem>>)
    } else {
    }
    %gt3A_55 = arith.constant 0 : i32
    %gt3A_56 = arith.cmpi sgt, %select_n3A, %gt3A_55 : i32
    %convert_element_type3A_57 = arith.extui %gt3A_56 : i1 to i32
    %cond3A_58 = arith.constant 0 : i32
    %cond3A_59 = arith.cmpi ne, %convert_element_type3A_57, %cond3A_58 : i32
    scf.if %cond3A_59 {
      %rem3A = arith.constant 0 : i32
      %rem3A_81 = arith.constant 4 : i32
      %rem3A_82 = arith.remsi %rem3A, %rem3A_81 : i32
      %add3A_83 = arith.constant 0 : i32
      %add3A_84 = arith.addi %mul3A_42, %add3A_83 : i32
      %dma_wait3A = arith.constant 0 : i32
      %dma_wait3A_85 = tpu.memref_slice %arg7[%rem3A_82, %dma_wait3A] : memref<4x128xi32, #tpu.memory_space<vmem>> -> memref<1x128xi32, #tpu.memory_space<vmem>>
      %dma_wait3A_86 = tpu.memref_squeeze %dma_wait3A_85 : memref<1x128xi32, #tpu.memory_space<vmem>> -> memref<128xi32, #tpu.memory_space<vmem>>
      %dma_wait3A_87 = tpu.memref_slice %arg3[%add3A_84] : memref<327680xi32, #tpu.memory_space<hbm>> -> memref<128xi32, #tpu.memory_space<hbm>>
      %dma_wait3A_88 = tpu.memref_slice %arg12[%rem3A_82] : memref<4x!tpu.dma_semaphore, #tpu.memory_space<semaphore_mem>> -> memref<1x!tpu.dma_semaphore, #tpu.memory_space<semaphore_mem>>
      %dma_wait3A_89 = tpu.memref_squeeze %dma_wait3A_88 : memref<1x!tpu.dma_semaphore, #tpu.memory_space<semaphore_mem>> -> memref<!tpu.dma_semaphore, #tpu.memory_space<semaphore_mem>>
      %dma_wait3A_90 = arith.constant 0 : i32
      %dma_wait3A_91 = tpu.memref_slice %arg7[%rem3A_82, %dma_wait3A_90] : memref<4x128xi32, #tpu.memory_space<vmem>> -> memref<1x128xi32, #tpu.memory_space<vmem>>
      %dma_wait3A_92 = tpu.memref_squeeze %dma_wait3A_91 : memref<1x128xi32, #tpu.memory_space<vmem>> -> memref<128xi32, #tpu.memory_space<vmem>>
      %dma_wait3A_93 = tpu.memref_slice %arg3[%add3A_84] : memref<327680xi32, #tpu.memory_space<hbm>> -> memref<128xi32, #tpu.memory_space<hbm>>
      tpu.wait_dma2 semaphore(%dma_wait3A_89 : memref<!tpu.dma_semaphore, #tpu.memory_space<semaphore_mem>>) src(%dma_wait3A_93 : memref<128xi32, #tpu.memory_space<hbm>>) dst(%dma_wait3A_92 : memref<128xi32, #tpu.memory_space<vmem>>)
      %dma_wait3A_94 = arith.constant 0 : i32
      %dma_wait3A_95 = tpu.memref_slice %arg8[%rem3A_82, %dma_wait3A_94] : memref<4x128xi32, #tpu.memory_space<vmem>> -> memref<1x128xi32, #tpu.memory_space<vmem>>
      %dma_wait3A_96 = tpu.memref_squeeze %dma_wait3A_95 : memref<1x128xi32, #tpu.memory_space<vmem>> -> memref<128xi32, #tpu.memory_space<vmem>>
      %dma_wait3A_97 = tpu.memref_slice %arg4[%add3A_84] : memref<327680xi32, #tpu.memory_space<hbm>> -> memref<128xi32, #tpu.memory_space<hbm>>
      %dma_wait3A_98 = tpu.memref_slice %arg12[%rem3A_82] : memref<4x!tpu.dma_semaphore, #tpu.memory_space<semaphore_mem>> -> memref<1x!tpu.dma_semaphore, #tpu.memory_space<semaphore_mem>>
      %dma_wait3A_99 = tpu.memref_squeeze %dma_wait3A_98 : memref<1x!tpu.dma_semaphore, #tpu.memory_space<semaphore_mem>> -> memref<!tpu.dma_semaphore, #tpu.memory_space<semaphore_mem>>
      %dma_wait3A_100 = arith.constant 0 : i32
      %dma_wait3A_101 = tpu.memref_slice %arg8[%rem3A_82, %dma_wait3A_100] : memref<4x128xi32, #tpu.memory_space<vmem>> -> memref<1x128xi32, #tpu.memory_space<vmem>>
      %dma_wait3A_102 = tpu.memref_squeeze %dma_wait3A_101 : memref<1x128xi32, #tpu.memory_space<vmem>> -> memref<128xi32, #tpu.memory_space<vmem>>
      %dma_wait3A_103 = tpu.memref_slice %arg4[%add3A_84] : memref<327680xi32, #tpu.memory_space<hbm>> -> memref<128xi32, #tpu.memory_space<hbm>>
      tpu.wait_dma2 semaphore(%dma_wait3A_99 : memref<!tpu.dma_semaphore, #tpu.memory_space<semaphore_mem>>) src(%dma_wait3A_103 : memref<128xi32, #tpu.memory_space<hbm>>) dst(%dma_wait3A_102 : memref<128xi32, #tpu.memory_space<vmem>>)
      %rem3A_104 = arith.constant 0 : i32
      %rem3A_105 = arith.constant 4 : i32
      %rem3A_106 = arith.remsi %rem3A_104, %rem3A_105 : i32
      %rem3A_107 = arith.constant 0 : i32
      %rem3A_108 = arith.constant 2 : i32
      %rem3A_109 = arith.remsi %rem3A_107, %rem3A_108 : i32
      %rem3A_110 = arith.constant 0 : i32
      %rem3A_111 = arith.constant 2 : i32
      %rem3A_112 = arith.remsi %rem3A_110, %rem3A_111 : i32
      %dma_start3A = arith.constant 0 : i32
      %dma_start3A_113 = arith.constant 0 : i32
      %dma_start3A_114 = tpu.memref_slice %arg9[%rem3A_109, %dma_start3A, %dma_start3A_113] : memref<2x128x128xf32, #tpu.memory_space<vmem>> -> memref<1x128x128xf32, #tpu.memory_space<vmem>>
      %dma_start3A_115 = tpu.memref_squeeze %dma_start3A_114 : memref<1x128x128xf32, #tpu.memory_space<vmem>> -> memref<128x128xf32, #tpu.memory_space<vmem>>
      %dma_start3A_116 = arith.constant 0 : i32
      %dma_start3A_117 = tpu.memref_slice %arg7[%rem3A_106, %dma_start3A_116] : memref<4x128xi32, #tpu.memory_space<vmem>> -> memref<1x128xi32, #tpu.memory_space<vmem>>
      %dma_start3A_118 = tpu.memref_squeeze %dma_start3A_117 : memref<1x128xi32, #tpu.memory_space<vmem>> -> memref<128xi32, #tpu.memory_space<vmem>>
      %dma_start3A_119 = arith.constant 0 : i32
      %dma_start3A_120 = arith.constant 0 : i32
      %dma_start3A_121 = tpu.memref_slice %arg2[%dma_start3A_119, %dma_start3A_120] : memref<10240x128xf32, #tpu.memory_space<hbm>> -> memref<10240x128xf32, #tpu.memory_space<hbm>>
      %dma_start3A_122 = tpu.memref_slice %arg10[%rem3A_112] : memref<2x!tpu.dma_semaphore, #tpu.memory_space<semaphore_mem>> -> memref<1x!tpu.dma_semaphore, #tpu.memory_space<semaphore_mem>>
      %dma_start3A_123 = tpu.memref_squeeze %dma_start3A_122 : memref<1x!tpu.dma_semaphore, #tpu.memory_space<semaphore_mem>> -> memref<!tpu.dma_semaphore, #tpu.memory_space<semaphore_mem>>
      tpu.enqueue_indirect_dma source(%dma_start3A_121 : memref<10240x128xf32, #tpu.memory_space<hbm>>) target(%dma_start3A_115 : memref<128x128xf32, #tpu.memory_space<vmem>>) offsets(%dma_start3A_118 : memref<128xi32, #tpu.memory_space<vmem>>) semaphore(%dma_start3A_123 : memref<!tpu.dma_semaphore, #tpu.memory_space<semaphore_mem>>)
    } else {
    }
    %while3A = arith.constant 0 : i32
    %while3A_60 = arith.constant 0 : i32
    %while3A_61 = arith.subi %select_n3A, %while3A : i32
    %while3A_62 = arith.addi %while3A, %while3A_61 : i32
    %while3A_63 = arith.constant 1 : i32
    %while3A_64 = arith.divsi %while3A_61, %while3A_63 : i32
    %while3A_65 = arith.muli %while3A_64, %while3A_63 : i32
    %while3A_66 = arith.addi %while3A, %while3A_65 : i32
    %while3A_67 = arith.constant 1 : i32
    %while3A_68 = scf.for %while3A_81 = %while3A to %while3A_66 step %while3A_67 iter_args(%while3A_82 = %while3A_60) -> (i32)  : i32 {
      %ge3A_83 = arith.constant 1 : i32
      %ge3A_84 = arith.cmpi sge, %while3A_81, %ge3A_83 : i32
      %convert_element_type3A_85 = arith.extui %ge3A_84 : i1 to i32
      %cond3A_86 = arith.constant 0 : i32
      %cond3A_87 = arith.cmpi ne, %convert_element_type3A_85, %cond3A_86 : i32
      scf.if %cond3A_87 {
        %sub3A = arith.constant 1 : i32
        %sub3A_131 = arith.subi %while3A_81, %sub3A : i32
        %rem3A_132 = arith.constant 2 : i32
        %rem3A_133 = arith.remsi %sub3A_131, %rem3A_132 : i32
        %rem3A_134 = arith.constant 4 : i32
        %rem3A_135 = arith.remsi %sub3A_131, %rem3A_134 : i32
        %dma_wait3A_136 = arith.constant 0 : i32
        %dma_wait3A_137 = arith.constant 0 : i32
        %dma_wait3A_138 = tpu.memref_slice %arg9[%rem3A_133, %dma_wait3A_136, %dma_wait3A_137] : memref<2x128x128xf32, #tpu.memory_space<vmem>> -> memref<1x128x128xf32, #tpu.memory_space<vmem>>
        %dma_wait3A_139 = tpu.memref_squeeze %dma_wait3A_138 : memref<1x128x128xf32, #tpu.memory_space<vmem>> -> memref<128x128xf32, #tpu.memory_space<vmem>>
        %dma_wait3A_140 = arith.constant 0 : i32
        %dma_wait3A_141 = tpu.memref_slice %arg8[%rem3A_135, %dma_wait3A_140] : memref<4x128xi32, #tpu.memory_space<vmem>> -> memref<1x128xi32, #tpu.memory_space<vmem>>
        %dma_wait3A_142 = tpu.memref_squeeze %dma_wait3A_141 : memref<1x128xi32, #tpu.memory_space<vmem>> -> memref<128xi32, #tpu.memory_space<vmem>>
        %dma_wait3A_143 = arith.constant 0 : i32
        %dma_wait3A_144 = arith.constant 0 : i32
        %dma_wait3A_145 = tpu.memref_slice %arg6[%dma_wait3A_143, %dma_wait3A_144] : memref<10240x128xf32, #tpu.memory_space<vmem_shared>> -> memref<10240x128xf32, #tpu.memory_space<vmem_shared>>
        %dma_wait3A_146 = tpu.memref_slice %arg11[%rem3A_133] : memref<2x!tpu.dma_semaphore, #tpu.memory_space<semaphore_mem>> -> memref<1x!tpu.dma_semaphore, #tpu.memory_space<semaphore_mem>>
        %dma_wait3A_147 = tpu.memref_squeeze %dma_wait3A_146 : memref<1x!tpu.dma_semaphore, #tpu.memory_space<semaphore_mem>> -> memref<!tpu.dma_semaphore, #tpu.memory_space<semaphore_mem>>
        tpu.wait_indirect_dma semaphore(%dma_wait3A_147 : memref<!tpu.dma_semaphore, #tpu.memory_space<semaphore_mem>>) src(%dma_wait3A_139 : memref<128x128xf32, #tpu.memory_space<vmem>>) dst(%dma_wait3A_145 : memref<10240x128xf32, #tpu.memory_space<vmem_shared>>)
      } else {
      }
      %add3A_88 = arith.constant 3 : i32
      %add3A_89 = arith.addi %while3A_81, %add3A_88 : i32
      %lt3A = arith.cmpi slt, %add3A_89, %select_n3A : i32
      %convert_element_type3A_90 = arith.extui %lt3A : i1 to i32
      %cond3A_91 = arith.constant 0 : i32
      %cond3A_92 = arith.cmpi ne, %convert_element_type3A_90, %cond3A_91 : i32
      scf.if %cond3A_92 {
        %add3A_131 = arith.constant 3 : i32
        %add3A_132 = arith.addi %while3A_81, %add3A_131 : i32
        %rem3A_133 = arith.constant 4 : i32
        %rem3A_134 = arith.remsi %add3A_132, %rem3A_133 : i32
        %mul3A_135 = arith.constant 128 : i32
        %mul3A_136 = arith.muli %add3A_132, %mul3A_135 : i32
        %add3A_137 = arith.addi %mul3A_42, %mul3A_136 : i32
        %dma_start3A_138 = arith.constant 0 : i32
        %dma_start3A_139 = tpu.memref_slice %arg7[%rem3A_134, %dma_start3A_138] : memref<4x128xi32, #tpu.memory_space<vmem>> -> memref<1x128xi32, #tpu.memory_space<vmem>>
        %dma_start3A_140 = tpu.memref_squeeze %dma_start3A_139 : memref<1x128xi32, #tpu.memory_space<vmem>> -> memref<128xi32, #tpu.memory_space<vmem>>
        %dma_start3A_141 = tpu.memref_slice %arg3[%add3A_137] : memref<327680xi32, #tpu.memory_space<hbm>> -> memref<128xi32, #tpu.memory_space<hbm>>
        %dma_start3A_142 = tpu.memref_slice %arg12[%rem3A_134] : memref<4x!tpu.dma_semaphore, #tpu.memory_space<semaphore_mem>> -> memref<1x!tpu.dma_semaphore, #tpu.memory_space<semaphore_mem>>
        %dma_start3A_143 = tpu.memref_squeeze %dma_start3A_142 : memref<1x!tpu.dma_semaphore, #tpu.memory_space<semaphore_mem>> -> memref<!tpu.dma_semaphore, #tpu.memory_space<semaphore_mem>>
        %dma_start3A_144 = arith.constant 0 : i32
        %dma_start3A_145 = tpu.memref_slice %arg7[%rem3A_134, %dma_start3A_144] : memref<4x128xi32, #tpu.memory_space<vmem>> -> memref<1x128xi32, #tpu.memory_space<vmem>>
        %dma_start3A_146 = tpu.memref_squeeze %dma_start3A_145 : memref<1x128xi32, #tpu.memory_space<vmem>> -> memref<128xi32, #tpu.memory_space<vmem>>
        %dma_start3A_147 = tpu.memref_slice %arg3[%add3A_137] : memref<327680xi32, #tpu.memory_space<hbm>> -> memref<128xi32, #tpu.memory_space<hbm>>
        tpu.enqueue_dma source(%dma_start3A_147 : memref<128xi32, #tpu.memory_space<hbm>>) target(%dma_start3A_146 : memref<128xi32, #tpu.memory_space<vmem>>) target_semaphore(%dma_start3A_143 : memref<!tpu.dma_semaphore, #tpu.memory_space<semaphore_mem>>)
        %dma_start3A_148 = arith.constant 0 : i32
        %dma_start3A_149 = tpu.memref_slice %arg8[%rem3A_134, %dma_start3A_148] : memref<4x128xi32, #tpu.memory_space<vmem>> -> memref<1x128xi32, #tpu.memory_space<vmem>>
        %dma_start3A_150 = tpu.memref_squeeze %dma_start3A_149 : memref<1x128xi32, #tpu.memory_space<vmem>> -> memref<128xi32, #tpu.memory_space<vmem>>
        %dma_start3A_151 = tpu.memref_slice %arg4[%add3A_137] : memref<327680xi32, #tpu.memory_space<hbm>> -> memref<128xi32, #tpu.memory_space<hbm>>
        %dma_start3A_152 = tpu.memref_slice %arg12[%rem3A_134] : memref<4x!tpu.dma_semaphore, #tpu.memory_space<semaphore_mem>> -> memref<1x!tpu.dma_semaphore, #tpu.memory_space<semaphore_mem>>
        %dma_start3A_153 = tpu.memref_squeeze %dma_start3A_152 : memref<1x!tpu.dma_semaphore, #tpu.memory_space<semaphore_mem>> -> memref<!tpu.dma_semaphore, #tpu.memory_space<semaphore_mem>>
        %dma_start3A_154 = arith.constant 0 : i32
        %dma_start3A_155 = tpu.memref_slice %arg8[%rem3A_134, %dma_start3A_154] : memref<4x128xi32, #tpu.memory_space<vmem>> -> memref<1x128xi32, #tpu.memory_space<vmem>>
        %dma_start3A_156 = tpu.memref_squeeze %dma_start3A_155 : memref<1x128xi32, #tpu.memory_space<vmem>> -> memref<128xi32, #tpu.memory_space<vmem>>
        %dma_start3A_157 = tpu.memref_slice %arg4[%add3A_137] : memref<327680xi32, #tpu.memory_space<hbm>> -> memref<128xi32, #tpu.memory_space<hbm>>
        tpu.enqueue_dma source(%dma_start3A_157 : memref<128xi32, #tpu.memory_space<hbm>>) target(%dma_start3A_156 : memref<128xi32, #tpu.memory_space<vmem>>) target_semaphore(%dma_start3A_153 : memref<!tpu.dma_semaphore, #tpu.memory_space<semaphore_mem>>)
      } else {
      }
      %add3A_93 = arith.constant 1 : i32
      %add3A_94 = arith.addi %while3A_81, %add3A_93 : i32
      %lt3A_95 = arith.cmpi slt, %add3A_94, %select_n3A : i32
      %convert_element_type3A_96 = arith.extui %lt3A_95 : i1 to i32
      %cond3A_97 = arith.constant 0 : i32
      %cond3A_98 = arith.cmpi ne, %convert_element_type3A_96, %cond3A_97 : i32
      scf.if %cond3A_98 {
        %add3A_131 = arith.constant 1 : i32
        %add3A_132 = arith.addi %while3A_81, %add3A_131 : i32
        %rem3A_133 = arith.constant 4 : i32
        %rem3A_134 = arith.remsi %add3A_132, %rem3A_133 : i32
        %mul3A_135 = arith.constant 128 : i32
        %mul3A_136 = arith.muli %add3A_132, %mul3A_135 : i32
        %add3A_137 = arith.addi %mul3A_42, %mul3A_136 : i32
        %dma_wait3A_138 = arith.constant 0 : i32
        %dma_wait3A_139 = tpu.memref_slice %arg7[%rem3A_134, %dma_wait3A_138] : memref<4x128xi32, #tpu.memory_space<vmem>> -> memref<1x128xi32, #tpu.memory_space<vmem>>
        %dma_wait3A_140 = tpu.memref_squeeze %dma_wait3A_139 : memref<1x128xi32, #tpu.memory_space<vmem>> -> memref<128xi32, #tpu.memory_space<vmem>>
        %dma_wait3A_141 = tpu.memref_slice %arg3[%add3A_137] : memref<327680xi32, #tpu.memory_space<hbm>> -> memref<128xi32, #tpu.memory_space<hbm>>
        %dma_wait3A_142 = tpu.memref_slice %arg12[%rem3A_134] : memref<4x!tpu.dma_semaphore, #tpu.memory_space<semaphore_mem>> -> memref<1x!tpu.dma_semaphore, #tpu.memory_space<semaphore_mem>>
        %dma_wait3A_143 = tpu.memref_squeeze %dma_wait3A_142 : memref<1x!tpu.dma_semaphore, #tpu.memory_space<semaphore_mem>> -> memref<!tpu.dma_semaphore, #tpu.memory_space<semaphore_mem>>
        %dma_wait3A_144 = arith.constant 0 : i32
        %dma_wait3A_145 = tpu.memref_slice %arg7[%rem3A_134, %dma_wait3A_144] : memref<4x128xi32, #tpu.memory_space<vmem>> -> memref<1x128xi32, #tpu.memory_space<vmem>>
        %dma_wait3A_146 = tpu.memref_squeeze %dma_wait3A_145 : memref<1x128xi32, #tpu.memory_space<vmem>> -> memref<128xi32, #tpu.memory_space<vmem>>
        %dma_wait3A_147 = tpu.memref_slice %arg3[%add3A_137] : memref<327680xi32, #tpu.memory_space<hbm>> -> memref<128xi32, #tpu.memory_space<hbm>>
        tpu.wait_dma2 semaphore(%dma_wait3A_143 : memref<!tpu.dma_semaphore, #tpu.memory_space<semaphore_mem>>) src(%dma_wait3A_147 : memref<128xi32, #tpu.memory_space<hbm>>) dst(%dma_wait3A_146 : memref<128xi32, #tpu.memory_space<vmem>>)
        %dma_wait3A_148 = arith.constant 0 : i32
        %dma_wait3A_149 = tpu.memref_slice %arg8[%rem3A_134, %dma_wait3A_148] : memref<4x128xi32, #tpu.memory_space<vmem>> -> memref<1x128xi32, #tpu.memory_space<vmem>>
        %dma_wait3A_150 = tpu.memref_squeeze %dma_wait3A_149 : memref<1x128xi32, #tpu.memory_space<vmem>> -> memref<128xi32, #tpu.memory_space<vmem>>
        %dma_wait3A_151 = tpu.memref_slice %arg4[%add3A_137] : memref<327680xi32, #tpu.memory_space<hbm>> -> memref<128xi32, #tpu.memory_space<hbm>>
        %dma_wait3A_152 = tpu.memref_slice %arg12[%rem3A_134] : memref<4x!tpu.dma_semaphore, #tpu.memory_space<semaphore_mem>> -> memref<1x!tpu.dma_semaphore, #tpu.memory_space<semaphore_mem>>
        %dma_wait3A_153 = tpu.memref_squeeze %dma_wait3A_152 : memref<1x!tpu.dma_semaphore, #tpu.memory_space<semaphore_mem>> -> memref<!tpu.dma_semaphore, #tpu.memory_space<semaphore_mem>>
        %dma_wait3A_154 = arith.constant 0 : i32
        %dma_wait3A_155 = tpu.memref_slice %arg8[%rem3A_134, %dma_wait3A_154] : memref<4x128xi32, #tpu.memory_space<vmem>> -> memref<1x128xi32, #tpu.memory_space<vmem>>
        %dma_wait3A_156 = tpu.memref_squeeze %dma_wait3A_155 : memref<1x128xi32, #tpu.memory_space<vmem>> -> memref<128xi32, #tpu.memory_space<vmem>>
        %dma_wait3A_157 = tpu.memref_slice %arg4[%add3A_137] : memref<327680xi32, #tpu.memory_space<hbm>> -> memref<128xi32, #tpu.memory_space<hbm>>
        tpu.wait_dma2 semaphore(%dma_wait3A_153 : memref<!tpu.dma_semaphore, #tpu.memory_space<semaphore_mem>>) src(%dma_wait3A_157 : memref<128xi32, #tpu.memory_space<hbm>>) dst(%dma_wait3A_156 : memref<128xi32, #tpu.memory_space<vmem>>)
        %add3A_158 = arith.constant 1 : i32
        %add3A_159 = arith.addi %while3A_81, %add3A_158 : i32
        %rem3A_160 = arith.constant 4 : i32
        %rem3A_161 = arith.remsi %add3A_159, %rem3A_160 : i32
        %rem3A_162 = arith.constant 2 : i32
        %rem3A_163 = arith.remsi %add3A_159, %rem3A_162 : i32
        %rem3A_164 = arith.constant 2 : i32
        %rem3A_165 = arith.remsi %add3A_159, %rem3A_164 : i32
        %dma_start3A_166 = arith.constant 0 : i32
        %dma_start3A_167 = arith.constant 0 : i32
        %dma_start3A_168 = tpu.memref_slice %arg9[%rem3A_163, %dma_start3A_166, %dma_start3A_167] : memref<2x128x128xf32, #tpu.memory_space<vmem>> -> memref<1x128x128xf32, #tpu.memory_space<vmem>>
        %dma_start3A_169 = tpu.memref_squeeze %dma_start3A_168 : memref<1x128x128xf32, #tpu.memory_space<vmem>> -> memref<128x128xf32, #tpu.memory_space<vmem>>
        %dma_start3A_170 = arith.constant 0 : i32
        %dma_start3A_171 = tpu.memref_slice %arg7[%rem3A_161, %dma_start3A_170] : memref<4x128xi32, #tpu.memory_space<vmem>> -> memref<1x128xi32, #tpu.memory_space<vmem>>
        %dma_start3A_172 = tpu.memref_squeeze %dma_start3A_171 : memref<1x128xi32, #tpu.memory_space<vmem>> -> memref<128xi32, #tpu.memory_space<vmem>>
        %dma_start3A_173 = arith.constant 0 : i32
        %dma_start3A_174 = arith.constant 0 : i32
        %dma_start3A_175 = tpu.memref_slice %arg2[%dma_start3A_173, %dma_start3A_174] : memref<10240x128xf32, #tpu.memory_space<hbm>> -> memref<10240x128xf32, #tpu.memory_space<hbm>>
        %dma_start3A_176 = tpu.memref_slice %arg10[%rem3A_165] : memref<2x!tpu.dma_semaphore, #tpu.memory_space<semaphore_mem>> -> memref<1x!tpu.dma_semaphore, #tpu.memory_space<semaphore_mem>>
        %dma_start3A_177 = tpu.memref_squeeze %dma_start3A_176 : memref<1x!tpu.dma_semaphore, #tpu.memory_space<semaphore_mem>> -> memref<!tpu.dma_semaphore, #tpu.memory_space<semaphore_mem>>
        tpu.enqueue_indirect_dma source(%dma_start3A_175 : memref<10240x128xf32, #tpu.memory_space<hbm>>) target(%dma_start3A_169 : memref<128x128xf32, #tpu.memory_space<vmem>>) offsets(%dma_start3A_172 : memref<128xi32, #tpu.memory_space<vmem>>) semaphore(%dma_start3A_177 : memref<!tpu.dma_semaphore, #tpu.memory_space<semaphore_mem>>)
      } else {
      }
      %rem3A = arith.constant 4 : i32
      %rem3A_99 = arith.remsi %while3A_81, %rem3A : i32
      %rem3A_100 = arith.constant 2 : i32
      %rem3A_101 = arith.remsi %while3A_81, %rem3A_100 : i32
      %rem3A_102 = arith.constant 2 : i32
      %rem3A_103 = arith.remsi %while3A_81, %rem3A_102 : i32
      %dma_wait3A = arith.constant 0 : i32
      %dma_wait3A_104 = arith.constant 0 : i32
      %dma_wait3A_105 = tpu.memref_slice %arg9[%rem3A_101, %dma_wait3A, %dma_wait3A_104] : memref<2x128x128xf32, #tpu.memory_space<vmem>> -> memref<1x128x128xf32, #tpu.memory_space<vmem>>
      %dma_wait3A_106 = tpu.memref_squeeze %dma_wait3A_105 : memref<1x128x128xf32, #tpu.memory_space<vmem>> -> memref<128x128xf32, #tpu.memory_space<vmem>>
      %dma_wait3A_107 = arith.constant 0 : i32
      %dma_wait3A_108 = tpu.memref_slice %arg7[%rem3A_99, %dma_wait3A_107] : memref<4x128xi32, #tpu.memory_space<vmem>> -> memref<1x128xi32, #tpu.memory_space<vmem>>
      %dma_wait3A_109 = tpu.memref_squeeze %dma_wait3A_108 : memref<1x128xi32, #tpu.memory_space<vmem>> -> memref<128xi32, #tpu.memory_space<vmem>>
      %dma_wait3A_110 = arith.constant 0 : i32
      %dma_wait3A_111 = arith.constant 0 : i32
      %dma_wait3A_112 = tpu.memref_slice %arg2[%dma_wait3A_110, %dma_wait3A_111] : memref<10240x128xf32, #tpu.memory_space<hbm>> -> memref<10240x128xf32, #tpu.memory_space<hbm>>
      %dma_wait3A_113 = tpu.memref_slice %arg10[%rem3A_103] : memref<2x!tpu.dma_semaphore, #tpu.memory_space<semaphore_mem>> -> memref<1x!tpu.dma_semaphore, #tpu.memory_space<semaphore_mem>>
      %dma_wait3A_114 = tpu.memref_squeeze %dma_wait3A_113 : memref<1x!tpu.dma_semaphore, #tpu.memory_space<semaphore_mem>> -> memref<!tpu.dma_semaphore, #tpu.memory_space<semaphore_mem>>
      tpu.wait_indirect_dma semaphore(%dma_wait3A_114 : memref<!tpu.dma_semaphore, #tpu.memory_space<semaphore_mem>>) src(%dma_wait3A_112 : memref<10240x128xf32, #tpu.memory_space<hbm>>) dst(%dma_wait3A_106 : memref<128x128xf32, #tpu.memory_space<vmem>>)
      %rem3A_115 = arith.constant 2 : i32
      %rem3A_116 = arith.remsi %while3A_81, %rem3A_115 : i32
      %rem3A_117 = arith.constant 4 : i32
      %rem3A_118 = arith.remsi %while3A_81, %rem3A_117 : i32
      %dma_start3A = arith.constant 0 : i32
      %dma_start3A_119 = arith.constant 0 : i32
      %dma_start3A_120 = tpu.memref_slice %arg9[%rem3A_116, %dma_start3A, %dma_start3A_119] : memref<2x128x128xf32, #tpu.memory_space<vmem>> -> memref<1x128x128xf32, #tpu.memory_space<vmem>>
      %dma_start3A_121 = tpu.memref_squeeze %dma_start3A_120 : memref<1x128x128xf32, #tpu.memory_space<vmem>> -> memref<128x128xf32, #tpu.memory_space<vmem>>
      %dma_start3A_122 = arith.constant 0 : i32
      %dma_start3A_123 = tpu.memref_slice %arg8[%rem3A_118, %dma_start3A_122] : memref<4x128xi32, #tpu.memory_space<vmem>> -> memref<1x128xi32, #tpu.memory_space<vmem>>
      %dma_start3A_124 = tpu.memref_squeeze %dma_start3A_123 : memref<1x128xi32, #tpu.memory_space<vmem>> -> memref<128xi32, #tpu.memory_space<vmem>>
      %dma_start3A_125 = arith.constant 0 : i32
      %dma_start3A_126 = arith.constant 0 : i32
      %dma_start3A_127 = tpu.memref_slice %arg6[%dma_start3A_125, %dma_start3A_126] : memref<10240x128xf32, #tpu.memory_space<vmem_shared>> -> memref<10240x128xf32, #tpu.memory_space<vmem_shared>>
      %dma_start3A_128 = tpu.memref_slice %arg11[%rem3A_116] : memref<2x!tpu.dma_semaphore, #tpu.memory_space<semaphore_mem>> -> memref<1x!tpu.dma_semaphore, #tpu.memory_space<semaphore_mem>>
      %dma_start3A_129 = tpu.memref_squeeze %dma_start3A_128 : memref<1x!tpu.dma_semaphore, #tpu.memory_space<semaphore_mem>> -> memref<!tpu.dma_semaphore, #tpu.memory_space<semaphore_mem>>
      tpu.enqueue_indirect_dma source(%dma_start3A_121 : memref<128x128xf32, #tpu.memory_space<vmem>>) target(%dma_start3A_127 : memref<10240x128xf32, #tpu.memory_space<vmem_shared>>) offsets(%dma_start3A_124 : memref<128xi32, #tpu.memory_space<vmem>>) semaphore(%dma_start3A_129 : memref<!tpu.dma_semaphore, #tpu.memory_space<semaphore_mem>>) {add = true}
      %while3A_130 = arith.constant 0 : i32
      scf.yield %while3A_130 : i32
    }
    %while3A_69 = arith.constant 1 : i32
    %while3A_70 = scf.for %while3A_81 = %while3A_66 to %while3A_62 step %while3A_69 iter_args(%while3A_82 = %while3A_68) -> (i32)  : i32 {
      %ge3A_83 = arith.constant 1 : i32
      %ge3A_84 = arith.cmpi sge, %while3A_81, %ge3A_83 : i32
      %convert_element_type3A_85 = arith.extui %ge3A_84 : i1 to i32
      %cond3A_86 = arith.constant 0 : i32
      %cond3A_87 = arith.cmpi ne, %convert_element_type3A_85, %cond3A_86 : i32
      scf.if %cond3A_87 {
        %sub3A = arith.constant 1 : i32
        %sub3A_131 = arith.subi %while3A_81, %sub3A : i32
        %rem3A_132 = arith.constant 2 : i32
        %rem3A_133 = arith.remsi %sub3A_131, %rem3A_132 : i32
        %rem3A_134 = arith.constant 4 : i32
        %rem3A_135 = arith.remsi %sub3A_131, %rem3A_134 : i32
        %dma_wait3A_136 = arith.constant 0 : i32
        %dma_wait3A_137 = arith.constant 0 : i32
        %dma_wait3A_138 = tpu.memref_slice %arg9[%rem3A_133, %dma_wait3A_136, %dma_wait3A_137] : memref<2x128x128xf32, #tpu.memory_space<vmem>> -> memref<1x128x128xf32, #tpu.memory_space<vmem>>
        %dma_wait3A_139 = tpu.memref_squeeze %dma_wait3A_138 : memref<1x128x128xf32, #tpu.memory_space<vmem>> -> memref<128x128xf32, #tpu.memory_space<vmem>>
        %dma_wait3A_140 = arith.constant 0 : i32
        %dma_wait3A_141 = tpu.memref_slice %arg8[%rem3A_135, %dma_wait3A_140] : memref<4x128xi32, #tpu.memory_space<vmem>> -> memref<1x128xi32, #tpu.memory_space<vmem>>
        %dma_wait3A_142 = tpu.memref_squeeze %dma_wait3A_141 : memref<1x128xi32, #tpu.memory_space<vmem>> -> memref<128xi32, #tpu.memory_space<vmem>>
        %dma_wait3A_143 = arith.constant 0 : i32
        %dma_wait3A_144 = arith.constant 0 : i32
        %dma_wait3A_145 = tpu.memref_slice %arg6[%dma_wait3A_143, %dma_wait3A_144] : memref<10240x128xf32, #tpu.memory_space<vmem_shared>> -> memref<10240x128xf32, #tpu.memory_space<vmem_shared>>
        %dma_wait3A_146 = tpu.memref_slice %arg11[%rem3A_133] : memref<2x!tpu.dma_semaphore, #tpu.memory_space<semaphore_mem>> -> memref<1x!tpu.dma_semaphore, #tpu.memory_space<semaphore_mem>>
        %dma_wait3A_147 = tpu.memref_squeeze %dma_wait3A_146 : memref<1x!tpu.dma_semaphore, #tpu.memory_space<semaphore_mem>> -> memref<!tpu.dma_semaphore, #tpu.memory_space<semaphore_mem>>
        tpu.wait_indirect_dma semaphore(%dma_wait3A_147 : memref<!tpu.dma_semaphore, #tpu.memory_space<semaphore_mem>>) src(%dma_wait3A_139 : memref<128x128xf32, #tpu.memory_space<vmem>>) dst(%dma_wait3A_145 : memref<10240x128xf32, #tpu.memory_space<vmem_shared>>)
      } else {
      }
      %add3A_88 = arith.constant 3 : i32
      %add3A_89 = arith.addi %while3A_81, %add3A_88 : i32
      %lt3A = arith.cmpi slt, %add3A_89, %select_n3A : i32
      %convert_element_type3A_90 = arith.extui %lt3A : i1 to i32
      %cond3A_91 = arith.constant 0 : i32
      %cond3A_92 = arith.cmpi ne, %convert_element_type3A_90, %cond3A_91 : i32
      scf.if %cond3A_92 {
        %add3A_131 = arith.constant 3 : i32
        %add3A_132 = arith.addi %while3A_81, %add3A_131 : i32
        %rem3A_133 = arith.constant 4 : i32
        %rem3A_134 = arith.remsi %add3A_132, %rem3A_133 : i32
        %mul3A_135 = arith.constant 128 : i32
        %mul3A_136 = arith.muli %add3A_132, %mul3A_135 : i32
        %add3A_137 = arith.addi %mul3A_42, %mul3A_136 : i32
        %dma_start3A_138 = arith.constant 0 : i32
        %dma_start3A_139 = tpu.memref_slice %arg7[%rem3A_134, %dma_start3A_138] : memref<4x128xi32, #tpu.memory_space<vmem>> -> memref<1x128xi32, #tpu.memory_space<vmem>>
        %dma_start3A_140 = tpu.memref_squeeze %dma_start3A_139 : memref<1x128xi32, #tpu.memory_space<vmem>> -> memref<128xi32, #tpu.memory_space<vmem>>
        %dma_start3A_141 = tpu.memref_slice %arg3[%add3A_137] : memref<327680xi32, #tpu.memory_space<hbm>> -> memref<128xi32, #tpu.memory_space<hbm>>
        %dma_start3A_142 = tpu.memref_slice %arg12[%rem3A_134] : memref<4x!tpu.dma_semaphore, #tpu.memory_space<semaphore_mem>> -> memref<1x!tpu.dma_semaphore, #tpu.memory_space<semaphore_mem>>
        %dma_start3A_143 = tpu.memref_squeeze %dma_start3A_142 : memref<1x!tpu.dma_semaphore, #tpu.memory_space<semaphore_mem>> -> memref<!tpu.dma_semaphore, #tpu.memory_space<semaphore_mem>>
        %dma_start3A_144 = arith.constant 0 : i32
        %dma_start3A_145 = tpu.memref_slice %arg7[%rem3A_134, %dma_start3A_144] : memref<4x128xi32, #tpu.memory_space<vmem>> -> memref<1x128xi32, #tpu.memory_space<vmem>>
        %dma_start3A_146 = tpu.memref_squeeze %dma_start3A_145 : memref<1x128xi32, #tpu.memory_space<vmem>> -> memref<128xi32, #tpu.memory_space<vmem>>
        %dma_start3A_147 = tpu.memref_slice %arg3[%add3A_137] : memref<327680xi32, #tpu.memory_space<hbm>> -> memref<128xi32, #tpu.memory_space<hbm>>
        tpu.enqueue_dma source(%dma_start3A_147 : memref<128xi32, #tpu.memory_space<hbm>>) target(%dma_start3A_146 : memref<128xi32, #tpu.memory_space<vmem>>) target_semaphore(%dma_start3A_143 : memref<!tpu.dma_semaphore, #tpu.memory_space<semaphore_mem>>)
        %dma_start3A_148 = arith.constant 0 : i32
        %dma_start3A_149 = tpu.memref_slice %arg8[%rem3A_134, %dma_start3A_148] : memref<4x128xi32, #tpu.memory_space<vmem>> -> memref<1x128xi32, #tpu.memory_space<vmem>>
        %dma_start3A_150 = tpu.memref_squeeze %dma_start3A_149 : memref<1x128xi32, #tpu.memory_space<vmem>> -> memref<128xi32, #tpu.memory_space<vmem>>
        %dma_start3A_151 = tpu.memref_slice %arg4[%add3A_137] : memref<327680xi32, #tpu.memory_space<hbm>> -> memref<128xi32, #tpu.memory_space<hbm>>
        %dma_start3A_152 = tpu.memref_slice %arg12[%rem3A_134] : memref<4x!tpu.dma_semaphore, #tpu.memory_space<semaphore_mem>> -> memref<1x!tpu.dma_semaphore, #tpu.memory_space<semaphore_mem>>
        %dma_start3A_153 = tpu.memref_squeeze %dma_start3A_152 : memref<1x!tpu.dma_semaphore, #tpu.memory_space<semaphore_mem>> -> memref<!tpu.dma_semaphore, #tpu.memory_space<semaphore_mem>>
        %dma_start3A_154 = arith.constant 0 : i32
        %dma_start3A_155 = tpu.memref_slice %arg8[%rem3A_134, %dma_start3A_154] : memref<4x128xi32, #tpu.memory_space<vmem>> -> memref<1x128xi32, #tpu.memory_space<vmem>>
        %dma_start3A_156 = tpu.memref_squeeze %dma_start3A_155 : memref<1x128xi32, #tpu.memory_space<vmem>> -> memref<128xi32, #tpu.memory_space<vmem>>
        %dma_start3A_157 = tpu.memref_slice %arg4[%add3A_137] : memref<327680xi32, #tpu.memory_space<hbm>> -> memref<128xi32, #tpu.memory_space<hbm>>
        tpu.enqueue_dma source(%dma_start3A_157 : memref<128xi32, #tpu.memory_space<hbm>>) target(%dma_start3A_156 : memref<128xi32, #tpu.memory_space<vmem>>) target_semaphore(%dma_start3A_153 : memref<!tpu.dma_semaphore, #tpu.memory_space<semaphore_mem>>)
      } else {
      }
      %add3A_93 = arith.constant 1 : i32
      %add3A_94 = arith.addi %while3A_81, %add3A_93 : i32
      %lt3A_95 = arith.cmpi slt, %add3A_94, %select_n3A : i32
      %convert_element_type3A_96 = arith.extui %lt3A_95 : i1 to i32
      %cond3A_97 = arith.constant 0 : i32
      %cond3A_98 = arith.cmpi ne, %convert_element_type3A_96, %cond3A_97 : i32
      scf.if %cond3A_98 {
        %add3A_131 = arith.constant 1 : i32
        %add3A_132 = arith.addi %while3A_81, %add3A_131 : i32
        %rem3A_133 = arith.constant 4 : i32
        %rem3A_134 = arith.remsi %add3A_132, %rem3A_133 : i32
        %mul3A_135 = arith.constant 128 : i32
        %mul3A_136 = arith.muli %add3A_132, %mul3A_135 : i32
        %add3A_137 = arith.addi %mul3A_42, %mul3A_136 : i32
        %dma_wait3A_138 = arith.constant 0 : i32
        %dma_wait3A_139 = tpu.memref_slice %arg7[%rem3A_134, %dma_wait3A_138] : memref<4x128xi32, #tpu.memory_space<vmem>> -> memref<1x128xi32, #tpu.memory_space<vmem>>
        %dma_wait3A_140 = tpu.memref_squeeze %dma_wait3A_139 : memref<1x128xi32, #tpu.memory_space<vmem>> -> memref<128xi32, #tpu.memory_space<vmem>>
        %dma_wait3A_141 = tpu.memref_slice %arg3[%add3A_137] : memref<327680xi32, #tpu.memory_space<hbm>> -> memref<128xi32, #tpu.memory_space<hbm>>
        %dma_wait3A_142 = tpu.memref_slice %arg12[%rem3A_134] : memref<4x!tpu.dma_semaphore, #tpu.memory_space<semaphore_mem>> -> memref<1x!tpu.dma_semaphore, #tpu.memory_space<semaphore_mem>>
        %dma_wait3A_143 = tpu.memref_squeeze %dma_wait3A_142 : memref<1x!tpu.dma_semaphore, #tpu.memory_space<semaphore_mem>> -> memref<!tpu.dma_semaphore, #tpu.memory_space<semaphore_mem>>
        %dma_wait3A_144 = arith.constant 0 : i32
        %dma_wait3A_145 = tpu.memref_slice %arg7[%rem3A_134, %dma_wait3A_144] : memref<4x128xi32, #tpu.memory_space<vmem>> -> memref<1x128xi32, #tpu.memory_space<vmem>>
        %dma_wait3A_146 = tpu.memref_squeeze %dma_wait3A_145 : memref<1x128xi32, #tpu.memory_space<vmem>> -> memref<128xi32, #tpu.memory_space<vmem>>
        %dma_wait3A_147 = tpu.memref_slice %arg3[%add3A_137] : memref<327680xi32, #tpu.memory_space<hbm>> -> memref<128xi32, #tpu.memory_space<hbm>>
        tpu.wait_dma2 semaphore(%dma_wait3A_143 : memref<!tpu.dma_semaphore, #tpu.memory_space<semaphore_mem>>) src(%dma_wait3A_147 : memref<128xi32, #tpu.memory_space<hbm>>) dst(%dma_wait3A_146 : memref<128xi32, #tpu.memory_space<vmem>>)
        %dma_wait3A_148 = arith.constant 0 : i32
        %dma_wait3A_149 = tpu.memref_slice %arg8[%rem3A_134, %dma_wait3A_148] : memref<4x128xi32, #tpu.memory_space<vmem>> -> memref<1x128xi32, #tpu.memory_space<vmem>>
        %dma_wait3A_150 = tpu.memref_squeeze %dma_wait3A_149 : memref<1x128xi32, #tpu.memory_space<vmem>> -> memref<128xi32, #tpu.memory_space<vmem>>
        %dma_wait3A_151 = tpu.memref_slice %arg4[%add3A_137] : memref<327680xi32, #tpu.memory_space<hbm>> -> memref<128xi32, #tpu.memory_space<hbm>>
        %dma_wait3A_152 = tpu.memref_slice %arg12[%rem3A_134] : memref<4x!tpu.dma_semaphore, #tpu.memory_space<semaphore_mem>> -> memref<1x!tpu.dma_semaphore, #tpu.memory_space<semaphore_mem>>
        %dma_wait3A_153 = tpu.memref_squeeze %dma_wait3A_152 : memref<1x!tpu.dma_semaphore, #tpu.memory_space<semaphore_mem>> -> memref<!tpu.dma_semaphore, #tpu.memory_space<semaphore_mem>>
        %dma_wait3A_154 = arith.constant 0 : i32
        %dma_wait3A_155 = tpu.memref_slice %arg8[%rem3A_134, %dma_wait3A_154] : memref<4x128xi32, #tpu.memory_space<vmem>> -> memref<1x128xi32, #tpu.memory_space<vmem>>
        %dma_wait3A_156 = tpu.memref_squeeze %dma_wait3A_155 : memref<1x128xi32, #tpu.memory_space<vmem>> -> memref<128xi32, #tpu.memory_space<vmem>>
        %dma_wait3A_157 = tpu.memref_slice %arg4[%add3A_137] : memref<327680xi32, #tpu.memory_space<hbm>> -> memref<128xi32, #tpu.memory_space<hbm>>
        tpu.wait_dma2 semaphore(%dma_wait3A_153 : memref<!tpu.dma_semaphore, #tpu.memory_space<semaphore_mem>>) src(%dma_wait3A_157 : memref<128xi32, #tpu.memory_space<hbm>>) dst(%dma_wait3A_156 : memref<128xi32, #tpu.memory_space<vmem>>)
        %add3A_158 = arith.constant 1 : i32
        %add3A_159 = arith.addi %while3A_81, %add3A_158 : i32
        %rem3A_160 = arith.constant 4 : i32
        %rem3A_161 = arith.remsi %add3A_159, %rem3A_160 : i32
        %rem3A_162 = arith.constant 2 : i32
        %rem3A_163 = arith.remsi %add3A_159, %rem3A_162 : i32
        %rem3A_164 = arith.constant 2 : i32
        %rem3A_165 = arith.remsi %add3A_159, %rem3A_164 : i32
        %dma_start3A_166 = arith.constant 0 : i32
        %dma_start3A_167 = arith.constant 0 : i32
        %dma_start3A_168 = tpu.memref_slice %arg9[%rem3A_163, %dma_start3A_166, %dma_start3A_167] : memref<2x128x128xf32, #tpu.memory_space<vmem>> -> memref<1x128x128xf32, #tpu.memory_space<vmem>>
        %dma_start3A_169 = tpu.memref_squeeze %dma_start3A_168 : memref<1x128x128xf32, #tpu.memory_space<vmem>> -> memref<128x128xf32, #tpu.memory_space<vmem>>
        %dma_start3A_170 = arith.constant 0 : i32
        %dma_start3A_171 = tpu.memref_slice %arg7[%rem3A_161, %dma_start3A_170] : memref<4x128xi32, #tpu.memory_space<vmem>> -> memref<1x128xi32, #tpu.memory_space<vmem>>
        %dma_start3A_172 = tpu.memref_squeeze %dma_start3A_171 : memref<1x128xi32, #tpu.memory_space<vmem>> -> memref<128xi32, #tpu.memory_space<vmem>>
        %dma_start3A_173 = arith.constant 0 : i32
        %dma_start3A_174 = arith.constant 0 : i32
        %dma_start3A_175 = tpu.memref_slice %arg2[%dma_start3A_173, %dma_start3A_174] : memref<10240x128xf32, #tpu.memory_space<hbm>> -> memref<10240x128xf32, #tpu.memory_space<hbm>>
        %dma_start3A_176 = tpu.memref_slice %arg10[%rem3A_165] : memref<2x!tpu.dma_semaphore, #tpu.memory_space<semaphore_mem>> -> memref<1x!tpu.dma_semaphore, #tpu.memory_space<semaphore_mem>>
        %dma_start3A_177 = tpu.memref_squeeze %dma_start3A_176 : memref<1x!tpu.dma_semaphore, #tpu.memory_space<semaphore_mem>> -> memref<!tpu.dma_semaphore, #tpu.memory_space<semaphore_mem>>
        tpu.enqueue_indirect_dma source(%dma_start3A_175 : memref<10240x128xf32, #tpu.memory_space<hbm>>) target(%dma_start3A_169 : memref<128x128xf32, #tpu.memory_space<vmem>>) offsets(%dma_start3A_172 : memref<128xi32, #tpu.memory_space<vmem>>) semaphore(%dma_start3A_177 : memref<!tpu.dma_semaphore, #tpu.memory_space<semaphore_mem>>)
      } else {
      }
      %rem3A = arith.constant 4 : i32
      %rem3A_99 = arith.remsi %while3A_81, %rem3A : i32
      %rem3A_100 = arith.constant 2 : i32
      %rem3A_101 = arith.remsi %while3A_81, %rem3A_100 : i32
      %rem3A_102 = arith.constant 2 : i32
      %rem3A_103 = arith.remsi %while3A_81, %rem3A_102 : i32
      %dma_wait3A = arith.constant 0 : i32
      %dma_wait3A_104 = arith.constant 0 : i32
      %dma_wait3A_105 = tpu.memref_slice %arg9[%rem3A_101, %dma_wait3A, %dma_wait3A_104] : memref<2x128x128xf32, #tpu.memory_space<vmem>> -> memref<1x128x128xf32, #tpu.memory_space<vmem>>
      %dma_wait3A_106 = tpu.memref_squeeze %dma_wait3A_105 : memref<1x128x128xf32, #tpu.memory_space<vmem>> -> memref<128x128xf32, #tpu.memory_space<vmem>>
      %dma_wait3A_107 = arith.constant 0 : i32
      %dma_wait3A_108 = tpu.memref_slice %arg7[%rem3A_99, %dma_wait3A_107] : memref<4x128xi32, #tpu.memory_space<vmem>> -> memref<1x128xi32, #tpu.memory_space<vmem>>
      %dma_wait3A_109 = tpu.memref_squeeze %dma_wait3A_108 : memref<1x128xi32, #tpu.memory_space<vmem>> -> memref<128xi32, #tpu.memory_space<vmem>>
      %dma_wait3A_110 = arith.constant 0 : i32
      %dma_wait3A_111 = arith.constant 0 : i32
      %dma_wait3A_112 = tpu.memref_slice %arg2[%dma_wait3A_110, %dma_wait3A_111] : memref<10240x128xf32, #tpu.memory_space<hbm>> -> memref<10240x128xf32, #tpu.memory_space<hbm>>
      %dma_wait3A_113 = tpu.memref_slice %arg10[%rem3A_103] : memref<2x!tpu.dma_semaphore, #tpu.memory_space<semaphore_mem>> -> memref<1x!tpu.dma_semaphore, #tpu.memory_space<semaphore_mem>>
      %dma_wait3A_114 = tpu.memref_squeeze %dma_wait3A_113 : memref<1x!tpu.dma_semaphore, #tpu.memory_space<semaphore_mem>> -> memref<!tpu.dma_semaphore, #tpu.memory_space<semaphore_mem>>
      tpu.wait_indirect_dma semaphore(%dma_wait3A_114 : memref<!tpu.dma_semaphore, #tpu.memory_space<semaphore_mem>>) src(%dma_wait3A_112 : memref<10240x128xf32, #tpu.memory_space<hbm>>) dst(%dma_wait3A_106 : memref<128x128xf32, #tpu.memory_space<vmem>>)
      %rem3A_115 = arith.constant 2 : i32
      %rem3A_116 = arith.remsi %while3A_81, %rem3A_115 : i32
      %rem3A_117 = arith.constant 4 : i32
      %rem3A_118 = arith.remsi %while3A_81, %rem3A_117 : i32
      %dma_start3A = arith.constant 0 : i32
      %dma_start3A_119 = arith.constant 0 : i32
      %dma_start3A_120 = tpu.memref_slice %arg9[%rem3A_116, %dma_start3A, %dma_start3A_119] : memref<2x128x128xf32, #tpu.memory_space<vmem>> -> memref<1x128x128xf32, #tpu.memory_space<vmem>>
      %dma_start3A_121 = tpu.memref_squeeze %dma_start3A_120 : memref<1x128x128xf32, #tpu.memory_space<vmem>> -> memref<128x128xf32, #tpu.memory_space<vmem>>
      %dma_start3A_122 = arith.constant 0 : i32
      %dma_start3A_123 = tpu.memref_slice %arg8[%rem3A_118, %dma_start3A_122] : memref<4x128xi32, #tpu.memory_space<vmem>> -> memref<1x128xi32, #tpu.memory_space<vmem>>
      %dma_start3A_124 = tpu.memref_squeeze %dma_start3A_123 : memref<1x128xi32, #tpu.memory_space<vmem>> -> memref<128xi32, #tpu.memory_space<vmem>>
      %dma_start3A_125 = arith.constant 0 : i32
      %dma_start3A_126 = arith.constant 0 : i32
      %dma_start3A_127 = tpu.memref_slice %arg6[%dma_start3A_125, %dma_start3A_126] : memref<10240x128xf32, #tpu.memory_space<vmem_shared>> -> memref<10240x128xf32, #tpu.memory_space<vmem_shared>>
      %dma_start3A_128 = tpu.memref_slice %arg11[%rem3A_116] : memref<2x!tpu.dma_semaphore, #tpu.memory_space<semaphore_mem>> -> memref<1x!tpu.dma_semaphore, #tpu.memory_space<semaphore_mem>>
      %dma_start3A_129 = tpu.memref_squeeze %dma_start3A_128 : memref<1x!tpu.dma_semaphore, #tpu.memory_space<semaphore_mem>> -> memref<!tpu.dma_semaphore, #tpu.memory_space<semaphore_mem>>
      tpu.enqueue_indirect_dma source(%dma_start3A_121 : memref<128x128xf32, #tpu.memory_space<vmem>>) target(%dma_start3A_127 : memref<10240x128xf32, #tpu.memory_space<vmem_shared>>) offsets(%dma_start3A_124 : memref<128xi32, #tpu.memory_space<vmem>>) semaphore(%dma_start3A_129 : memref<!tpu.dma_semaphore, #tpu.memory_space<semaphore_mem>>) {add = true}
      %while3A_130 = arith.constant 0 : i32
      scf.yield %while3A_130 : i32
    }
    %ge3A = arith.constant 1 : i32
    %ge3A_71 = arith.cmpi sge, %select_n3A, %ge3A : i32
    %convert_element_type3A_72 = arith.extui %ge3A_71 : i1 to i32
    %cond3A_73 = arith.constant 0 : i32
    %cond3A_74 = arith.cmpi ne, %convert_element_type3A_72, %cond3A_73 : i32
    scf.if %cond3A_74 {
      %sub3A = arith.constant 1 : i32
      %sub3A_81 = arith.subi %select_n3A, %sub3A : i32
      %rem3A = arith.constant 2 : i32
      %rem3A_82 = arith.remsi %sub3A_81, %rem3A : i32
      %rem3A_83 = arith.constant 4 : i32
      %rem3A_84 = arith.remsi %sub3A_81, %rem3A_83 : i32
      %dma_wait3A = arith.constant 0 : i32
      %dma_wait3A_85 = arith.constant 0 : i32
      %dma_wait3A_86 = tpu.memref_slice %arg9[%rem3A_82, %dma_wait3A, %dma_wait3A_85] : memref<2x128x128xf32, #tpu.memory_space<vmem>> -> memref<1x128x128xf32, #tpu.memory_space<vmem>>
      %dma_wait3A_87 = tpu.memref_squeeze %dma_wait3A_86 : memref<1x128x128xf32, #tpu.memory_space<vmem>> -> memref<128x128xf32, #tpu.memory_space<vmem>>
      %dma_wait3A_88 = arith.constant 0 : i32
      %dma_wait3A_89 = tpu.memref_slice %arg8[%rem3A_84, %dma_wait3A_88] : memref<4x128xi32, #tpu.memory_space<vmem>> -> memref<1x128xi32, #tpu.memory_space<vmem>>
      %dma_wait3A_90 = tpu.memref_squeeze %dma_wait3A_89 : memref<1x128xi32, #tpu.memory_space<vmem>> -> memref<128xi32, #tpu.memory_space<vmem>>
      %dma_wait3A_91 = arith.constant 0 : i32
      %dma_wait3A_92 = arith.constant 0 : i32
      %dma_wait3A_93 = tpu.memref_slice %arg6[%dma_wait3A_91, %dma_wait3A_92] : memref<10240x128xf32, #tpu.memory_space<vmem_shared>> -> memref<10240x128xf32, #tpu.memory_space<vmem_shared>>
      %dma_wait3A_94 = tpu.memref_slice %arg11[%rem3A_82] : memref<2x!tpu.dma_semaphore, #tpu.memory_space<semaphore_mem>> -> memref<1x!tpu.dma_semaphore, #tpu.memory_space<semaphore_mem>>
      %dma_wait3A_95 = tpu.memref_squeeze %dma_wait3A_94 : memref<1x!tpu.dma_semaphore, #tpu.memory_space<semaphore_mem>> -> memref<!tpu.dma_semaphore, #tpu.memory_space<semaphore_mem>>
      tpu.wait_indirect_dma semaphore(%dma_wait3A_95 : memref<!tpu.dma_semaphore, #tpu.memory_space<semaphore_mem>>) src(%dma_wait3A_87 : memref<128x128xf32, #tpu.memory_space<vmem>>) dst(%dma_wait3A_93 : memref<10240x128xf32, #tpu.memory_space<vmem_shared>>)
    } else {
    }
    %barrier3A_75 = arith.constant 0 : index
    tpu.barrier barrier_id(%barrier3A_75)
    %mul3A_76 = arith.constant 10240 : i32
    %mul3A_77 = arith.muli %arg0, %mul3A_76 : i32
    %mul3A_78 = arith.constant 640 : i32
    %mul3A_79 = arith.muli %arg1, %mul3A_78 : i32
    %add3A_80 = arith.addi %mul3A_77, %mul3A_79 : i32
    "tpu.region"() ({
      %run_scoped3A_81 = tpu.sem_alloc : memref<!tpu.dma_semaphore, #tpu.memory_space<semaphore_mem>>
      %dma_start3A = arith.constant 0 : i32
      %dma_start3A_82 = tpu.memref_slice %arg5[%add3A_80, %dma_start3A] : memref<20480x128xf32, #tpu.memory_space<hbm>> -> memref<640x128xf32, #tpu.memory_space<hbm>>
      %dma_start3A_83 = arith.constant 0 : i32
      %dma_start3A_84 = tpu.memref_slice %arg6[%mul3A_0, %dma_start3A_83] : memref<10240x128xf32, #tpu.memory_space<vmem_shared>> -> memref<640x128xf32, #tpu.memory_space<vmem_shared>>
      tpu.enqueue_dma source(%dma_start3A_84 : memref<640x128xf32, #tpu.memory_space<vmem_shared>>) target(%dma_start3A_82 : memref<640x128xf32, #tpu.memory_space<hbm>>) target_semaphore(%run_scoped3A_81 : memref<!tpu.dma_semaphore, #tpu.memory_space<semaphore_mem>>)
      %dma_wait3A = arith.constant 0 : i32
      %dma_wait3A_85 = tpu.memref_slice %arg5[%add3A_80, %dma_wait3A] : memref<20480x128xf32, #tpu.memory_space<hbm>> -> memref<640x128xf32, #tpu.memory_space<hbm>>
      %dma_wait3A_86 = arith.constant 0 : i32
      %dma_wait3A_87 = tpu.memref_slice %arg6[%mul3A_0, %dma_wait3A_86] : memref<10240x128xf32, #tpu.memory_space<vmem_shared>> -> memref<640x128xf32, #tpu.memory_space<vmem_shared>>
      tpu.wait_dma2 semaphore(%run_scoped3A_81 : memref<!tpu.dma_semaphore, #tpu.memory_space<semaphore_mem>>) src(%dma_wait3A_87 : memref<640x128xf32, #tpu.memory_space<vmem_shared>>) dst(%dma_wait3A_85 : memref<640x128xf32, #tpu.memory_space<hbm>>)
      tpu.yield
    }) : () -> ()
    return
  }
}

module attributes {stable_mosaic.version = 14 : i64} {
  func.func @_mm_body(%arg0: memref<10240x128xf32, #tpu.memory_space<vmem>>, %arg1: memref<128x128xf32, #tpu.memory_space<vmem>>, %arg2: memref<10240x128xf32, #tpu.memory_space<vmem>>) attributes {dimension_semantics = [], scalar_prefetch = 0 : i64, scratch_operands = 0 : i64, tpu.core_type = #tpu.core_type<tc>} {
    %get3A = arith.constant 0 : index
    %get3A_0 = arith.constant 0 : index
    %get3A_1 = vector.load %arg0[%get3A, %get3A_0] : memref<10240x128xf32, #tpu.memory_space<vmem>>, vector<10240x128xf32>
    %get3A_2 = arith.constant 0 : index
    %get3A_3 = arith.constant 0 : index
    %get3A_4 = vector.load %arg1[%get3A_2, %get3A_3] : memref<128x128xf32, #tpu.memory_space<vmem>>, vector<128x128xf32>
    %dot_general3A = arith.constant dense<0.000000e+00> : vector<10240x128xf32>
    %dot_general3A_5 = tpu.matmul %get3A_1, %get3A_4, %dot_general3A {dimension_numbers = #tpu.dot_dimension_numbers<[1], [0], [0], [1], [0, 0, 1, 1], [], []>, transpose_lhs_hint = false} : vector<10240x128xf32>, vector<128x128xf32>, vector<10240x128xf32> -> vector<10240x128xf32>
    %swap3A = arith.constant 0 : index
    %swap3A_6 = arith.constant 0 : index
    %swap3A_7 = vector.load %arg2[%swap3A, %swap3A_6] : memref<10240x128xf32, #tpu.memory_space<vmem>>, vector<10240x128xf32>
    tpu.vector_store %arg2[%swap3A, %swap3A_6], %dot_general3A_5 {strides = array<i32>} : memref<10240x128xf32, #tpu.memory_space<vmem>>, vector<10240x128xf32>,
    return
  }
}

module attributes {stable_mosaic.version = 14 : i64} {
  func.func @_mid_body(%arg0: memref<2x10240x128xf32, #tpu.memory_space<vmem>>, %arg1: memref<2x10240x1xf32, #tpu.memory_space<vmem>>, %arg2: memref<10240x128xf32, #tpu.memory_space<vmem>>, %arg3: memref<128x128xf32, #tpu.memory_space<vmem>>, %arg4: memref<1x128xf32, #tpu.memory_space<vmem>>, %arg5: memref<128x128xf32, #tpu.memory_space<vmem>>, %arg6: memref<10240x128xf32, #tpu.memory_space<vmem>>, %arg7: memref<10240x128xf32, #tpu.memory_space<vmem>>) attributes {dimension_semantics = [], scalar_prefetch = 0 : i64, scratch_operands = 0 : i64, tpu.core_type = #tpu.core_type<tc>} {
    %get3A = arith.constant 0 : index
    %get3A_0 = arith.constant 0 : index
    %get3A_1 = arith.constant 0 : index
    %get3A_2 = vector.load %arg0[%get3A, %get3A_0, %get3A_1] : memref<2x10240x128xf32, #tpu.memory_space<vmem>>, vector<1x10240x128xf32>
    %get3A_3 = vector.shape_cast %get3A_2 : vector<1x10240x128xf32> to vector<10240x128xf32>
    %get3A_4 = arith.constant 1 : index
    %get3A_5 = arith.constant 0 : index
    %get3A_6 = arith.constant 0 : index
    %get3A_7 = vector.load %arg0[%get3A_4, %get3A_5, %get3A_6] : memref<2x10240x128xf32, #tpu.memory_space<vmem>>, vector<1x10240x128xf32>
    %get3A_8 = vector.shape_cast %get3A_7 : vector<1x10240x128xf32> to vector<10240x128xf32>
    %add3A = arith.addf %get3A_3, %get3A_8 : vector<10240x128xf32>
    %get3A_9 = arith.constant 0 : index
    %get3A_10 = arith.constant 0 : index
    %get3A_11 = arith.constant 0 : index
    %get3A_12 = vector.load %arg1[%get3A_9, %get3A_10, %get3A_11] : memref<2x10240x1xf32, #tpu.memory_space<vmem>>, vector<1x10240x1xf32>
    %get3A_13 = vector.shape_cast %get3A_12 : vector<1x10240x1xf32> to vector<10240x1xf32>
    %get3A_14 = arith.constant 1 : index
    %get3A_15 = arith.constant 0 : index
    %get3A_16 = arith.constant 0 : index
    %get3A_17 = vector.load %arg1[%get3A_14, %get3A_15, %get3A_16] : memref<2x10240x1xf32, #tpu.memory_space<vmem>>, vector<1x10240x1xf32>
    %get3A_18 = vector.shape_cast %get3A_17 : vector<1x10240x1xf32> to vector<10240x1xf32>
    %add3A_19 = arith.addf %get3A_13, %get3A_18 : vector<10240x1xf32>
    %max3A = arith.constant 1.000000e+00 : f32
    %max3A_20 = vector.broadcast %max3A : f32 to vector<10240x1xf32>
    %max3A_21 = arith.maximumf %add3A_19, %max3A_20 : vector<10240x1xf32>
    %div3A = vector.broadcast %max3A_21 : vector<10240x1xf32> to vector<10240x128xf32>
    %div3A_22 = arith.divf %add3A, %div3A : vector<10240x128xf32>
    %get3A_23 = arith.constant 0 : index
    %get3A_24 = arith.constant 0 : index
    %get3A_25 = vector.load %arg4[%get3A_23, %get3A_24] : memref<1x128xf32, #tpu.memory_space<vmem>>, vector<1x128xf32>
    %add3A_26 = vector.broadcast %get3A_25 : vector<1x128xf32> to vector<10240x128xf32>
    %add3A_27 = arith.addf %div3A_22, %add3A_26 : vector<10240x128xf32>
    %get3A_28 = arith.constant 0 : index
    %get3A_29 = arith.constant 0 : index
    %get3A_30 = vector.load %arg2[%get3A_28, %get3A_29] : memref<10240x128xf32, #tpu.memory_space<vmem>>, vector<10240x128xf32>
    %get3A_31 = arith.constant 0 : index
    %get3A_32 = arith.constant 0 : index
    %get3A_33 = vector.load %arg3[%get3A_31, %get3A_32] : memref<128x128xf32, #tpu.memory_space<vmem>>, vector<128x128xf32>
    %dot_general3A = arith.constant dense<0.000000e+00> : vector<10240x128xf32>
    %dot_general3A_34 = tpu.matmul %get3A_30, %get3A_33, %dot_general3A {dimension_numbers = #tpu.dot_dimension_numbers<[1], [0], [0], [1], [0, 0, 1, 1], [], []>, transpose_lhs_hint = false} : vector<10240x128xf32>, vector<128x128xf32>, vector<10240x128xf32> -> vector<10240x128xf32>
    %add3A_35 = arith.addf %add3A_27, %dot_general3A_34 : vector<10240x128xf32>
    %max3A_36 = arith.constant 0.000000e+00 : f32
    %max3A_37 = vector.broadcast %max3A_36 : f32 to vector<10240x128xf32>
    %max3A_38 = arith.maximumf %add3A_35, %max3A_37 : vector<10240x128xf32>
    %swap3A = arith.constant 0 : index
    %swap3A_39 = arith.constant 0 : index
    %swap3A_40 = vector.load %arg6[%swap3A, %swap3A_39] : memref<10240x128xf32, #tpu.memory_space<vmem>>, vector<10240x128xf32>
    tpu.vector_store %arg6[%swap3A, %swap3A_39], %max3A_38 {strides = array<i32>} : memref<10240x128xf32, #tpu.memory_space<vmem>>, vector<10240x128xf32>,
    %get3A_41 = arith.constant 0 : index
    %get3A_42 = arith.constant 0 : index
    %get3A_43 = vector.load %arg5[%get3A_41, %get3A_42] : memref<128x128xf32, #tpu.memory_space<vmem>>, vector<128x128xf32>
    %dot_general3A_44 = arith.constant dense<0.000000e+00> : vector<10240x128xf32>
    %dot_general3A_45 = tpu.matmul %max3A_38, %get3A_43, %dot_general3A_44 {dimension_numbers = #tpu.dot_dimension_numbers<[1], [0], [0], [1], [0, 0, 1, 1], [], []>, transpose_lhs_hint = false} : vector<10240x128xf32>, vector<128x128xf32>, vector<10240x128xf32> -> vector<10240x128xf32>
    %swap3A_46 = arith.constant 0 : index
    %swap3A_47 = arith.constant 0 : index
    %swap3A_48 = vector.load %arg7[%swap3A_46, %swap3A_47] : memref<10240x128xf32, #tpu.memory_space<vmem>>, vector<10240x128xf32>
    tpu.vector_store %arg7[%swap3A_46, %swap3A_47], %dot_general3A_45 {strides = array<i32>} : memref<10240x128xf32, #tpu.memory_space<vmem>>, vector<10240x128xf32>,
    return
  }
}

module attributes {stable_mosaic.version = 14 : i64} {
  func.func @_fin_body(%arg0: memref<2x10240x128xf32, #tpu.memory_space<vmem>>, %arg1: memref<2x10240x1xf32, #tpu.memory_space<vmem>>, %arg2: memref<10240x128xf32, #tpu.memory_space<vmem>>, %arg3: memref<128x128xf32, #tpu.memory_space<vmem>>, %arg4: memref<1x128xf32, #tpu.memory_space<vmem>>, %arg5: memref<10240x128xf32, #tpu.memory_space<vmem>>) attributes {dimension_semantics = [], scalar_prefetch = 0 : i64, scratch_operands = 0 : i64, tpu.core_type = #tpu.core_type<tc>} {
    %get3A = arith.constant 0 : index
    %get3A_0 = arith.constant 0 : index
    %get3A_1 = arith.constant 0 : index
    %get3A_2 = vector.load %arg0[%get3A, %get3A_0, %get3A_1] : memref<2x10240x128xf32, #tpu.memory_space<vmem>>, vector<1x10240x128xf32>
    %get3A_3 = vector.shape_cast %get3A_2 : vector<1x10240x128xf32> to vector<10240x128xf32>
    %get3A_4 = arith.constant 1 : index
    %get3A_5 = arith.constant 0 : index
    %get3A_6 = arith.constant 0 : index
    %get3A_7 = vector.load %arg0[%get3A_4, %get3A_5, %get3A_6] : memref<2x10240x128xf32, #tpu.memory_space<vmem>>, vector<1x10240x128xf32>
    %get3A_8 = vector.shape_cast %get3A_7 : vector<1x10240x128xf32> to vector<10240x128xf32>
    %add3A = arith.addf %get3A_3, %get3A_8 : vector<10240x128xf32>
    %get3A_9 = arith.constant 0 : index
    %get3A_10 = arith.constant 0 : index
    %get3A_11 = arith.constant 0 : index
    %get3A_12 = vector.load %arg1[%get3A_9, %get3A_10, %get3A_11] : memref<2x10240x1xf32, #tpu.memory_space<vmem>>, vector<1x10240x1xf32>
    %get3A_13 = vector.shape_cast %get3A_12 : vector<1x10240x1xf32> to vector<10240x1xf32>
    %get3A_14 = arith.constant 1 : index
    %get3A_15 = arith.constant 0 : index
    %get3A_16 = arith.constant 0 : index
    %get3A_17 = vector.load %arg1[%get3A_14, %get3A_15, %get3A_16] : memref<2x10240x1xf32, #tpu.memory_space<vmem>>, vector<1x10240x1xf32>
    %get3A_18 = vector.shape_cast %get3A_17 : vector<1x10240x1xf32> to vector<10240x1xf32>
    %add3A_19 = arith.addf %get3A_13, %get3A_18 : vector<10240x1xf32>
    %max3A = arith.constant 1.000000e+00 : f32
    %max3A_20 = vector.broadcast %max3A : f32 to vector<10240x1xf32>
    %max3A_21 = arith.maximumf %add3A_19, %max3A_20 : vector<10240x1xf32>
    %div3A = vector.broadcast %max3A_21 : vector<10240x1xf32> to vector<10240x128xf32>
    %div3A_22 = arith.divf %add3A, %div3A : vector<10240x128xf32>
    %get3A_23 = arith.constant 0 : index
    %get3A_24 = arith.constant 0 : index
    %get3A_25 = vector.load %arg4[%get3A_23, %get3A_24] : memref<1x128xf32, #tpu.memory_space<vmem>>, vector<1x128xf32>
    %add3A_26 = vector.broadcast %get3A_25 : vector<1x128xf32> to vector<10240x128xf32>
    %add3A_27 = arith.addf %div3A_22, %add3A_26 : vector<10240x128xf32>
    %get3A_28 = arith.constant 0 : index
    %get3A_29 = arith.constant 0 : index
    %get3A_30 = vector.load %arg2[%get3A_28, %get3A_29] : memref<10240x128xf32, #tpu.memory_space<vmem>>, vector<10240x128xf32>
    %get3A_31 = arith.constant 0 : index
    %get3A_32 = arith.constant 0 : index
    %get3A_33 = vector.load %arg3[%get3A_31, %get3A_32] : memref<128x128xf32, #tpu.memory_space<vmem>>, vector<128x128xf32>
    %dot_general3A = arith.constant dense<0.000000e+00> : vector<10240x128xf32>
    %dot_general3A_34 = tpu.matmul %get3A_30, %get3A_33, %dot_general3A {dimension_numbers = #tpu.dot_dimension_numbers<[1], [0], [0], [1], [0, 0, 1, 1], [], []>, transpose_lhs_hint = false} : vector<10240x128xf32>, vector<128x128xf32>, vector<10240x128xf32> -> vector<10240x128xf32>
    %add3A_35 = arith.addf %add3A_27, %dot_general3A_34 : vector<10240x128xf32>
    %max3A_36 = arith.constant 0.000000e+00 : f32
    %max3A_37 = vector.broadcast %max3A_36 : f32 to vector<10240x128xf32>
    %max3A_38 = arith.maximumf %add3A_35, %max3A_37 : vector<10240x128xf32>
    %swap3A = arith.constant 0 : index
    %swap3A_39 = arith.constant 0 : index
    %swap3A_40 = vector.load %arg5[%swap3A, %swap3A_39] : memref<10240x128xf32, #tpu.memory_space<vmem>>, vector<10240x128xf32>
    tpu.vector_store %arg5[%swap3A, %swap3A_39], %max3A_38 {strides = array<i32>} : memref<10240x128xf32, #tpu.memory_space<vmem>>, vector<10240x128xf32>,
    return
  }
}

</mosaic_0001>

<sc_bundles>
// kernel: kernel.10.cloned.1.call-start
scs
__scs_entry_jumppad:
0x0: {  	(pc) =	sbr.rel $0x88, $3  }
0x1: {  	(tag) =	ssettag $0x0;
	lr =	simm.s32 $0x1  }
0x2: {  	[smem:$0x3F99] =	sst lr;
	_ =	strace $0xD0000000  }
0x3: {  	_ = 	snop  }
0x4: {  	_ = 	snop  }
0x5: {  	_ = 	snop  }
0x6: {  	_ = 	snop  }
0x7: {  	_ = 	snop  }
__scs_overlays_trampoline_lowered:
0x8: {  	[smem:$0x3FA8] =	sst s0  }
0x9: {  	[smem:$0x3FA9] =	sst s1  }
0xa: {  	[smem:$0x3FAA] =	sst s2  }
0xb: {  	[smem:$0x3FAB] =	sst s3  }
0xc: {  	[smem:$0x3FAC] =	sst s4  }
0xd: {  	[smem:$0x3FAD] =	sst s5  }
0xe: {  	[smem:$0x3FAE] =	sst s6  }
0xf: {  	[smem:$0x3FAF] =	sst s7  }
0x10: {  	[smem:$0x3FB0] =	sst s8  }
0x11: {  	[smem:$0x3FB1] =	sst s9;
	s0 =	simm.s32 @!p0 $0x0  }
0x12: {  	s1 =	sld [smem:$0x3F97];
	s0 =	simm.s32 @p0 $0x1  }
0x13: {  	[smem:$0x3FB2] =	sst s0;
	s0 =	simm.s32 @!p1 $0x0  }
0x14: {  	s2 =	sld [smem:$0x3F96];
	s0 =	simm.s32 @p1 $0x1  }
0x15: {  	[smem:$0x3FB3] =	sst s0;
	s0 =	simm.s32 @!p2 $0x0  }
0x16: {  	s3 =	sld [smem:$0x3FDB];
	s0 =	simm.s32 @p2 $0x1  }
0x17: {  	s4 =	simm.s32 $0x1BF5;
	[smem:$0x3FB5] =	sst s0  }
0x18: {  	s0 =	sld [smem:$0x3F98];
	_ =	swait.ge [sflag:s4], $0x0  }
0x19: {  	s7 =	sld [smem:$0x3F99]  }
0x1a: {  	s8 =	sadd.s32 $0xFFFFE003, lr  }
0x1b: {  	s9 =	sadd.s32 $0xFFFFFEF7, lr;
	s5 =	simm.s32 $0xFFFFFFFF;
	p2 =	slt.u32 s8, $0xFFFFF086  }
0x1c: {  	p1 =	slt.u32 s9, $0xF7A;
	s5 =	simm.s32 @!p2 $0x0  }
0x1d: {  	s5 =	simm.s32 @p1 $0x1;
	p0 =	seq.s32 s7, s2  }
0x1e: {  	s7 =	smul.u32 @!p0 $0xF7A, s2;
	p2 =	seq.s32 @!p0 s5, $0x0  }
0x1f: {  	s9 =	smul.u32 $0xF7A, s1;
	s8 =	simm.s32 @!p0 $0x1BF5;
	p2 =	por !p2, p0  }
0x20: {  	[sflag:s8] =	ssyncset.s32 @!p0 $0xFFFFF086;
	s6 =	sadd.s32 @!p0 s3, s7;
	s7 =	simm.s32 @!p0 $0x108  }
0x21: {  	s3 =	sadd.s32 s3, s9;
	s6 =	sadd.s32 @!p0 $0x88, s6;
	s7 =	simm.s32 @p2 $0x1082  }
0x22: {  	[simem:s7], [sflag:s8] =	dma.local @!p0 [hbm:s6], $0xF7A  }
0x23: {  	s9 =	sor.u32 $0xD0000000, s2;
	s6 =	simm.s32 $0x108;
	_ =	swait.ge @!p0 [sflag:s8], $0x0  }
0x24: {  	s3 =	sadd.s32 $0x88, s3;
	s6 =	simm.s32 @!p1 $0x1082;
	[sflag:s4] =	ssyncset.s32 $0xFFFFF086  }
0x25: {  	[simem:s6], [sflag:s4] =	dma.local [hbm:s3], $0xF7A  }
0x26: {  	[smem:$0x3F99] =	sst s1;
	(tag) =	ssettag s2;
	_ =	strace s9  }
0x27: {  	s1 =	sld [smem:$0x3FA9]  }
0x28: {  	s2 =	sld [smem:$0x3FAA]  }
0x29: {  	s4 =	sld [smem:$0x3FAC]  }
0x2a: {  	p0 =	seq.s32 s5, $0x0;
	s5 =	sld [smem:$0x3FAD]  }
0x2b: {  	s6 =	sld [smem:$0x3FAE]  }
0x2c: {  	s7 =	sld [smem:$0x3FAF]  }
0x2d: {  	s3 =	simm.s32 $0x108;
	s8 =	sld [smem:$0x3FB0]  }
0x2e: {  	s3 =	simm.s32 @!p0 $0x1082;
	s9 =	sld [smem:$0x3FB1]  }
0x2f: {  	lr =	sadd.s32 s0, s3;
	s0 =	sld [smem:$0x3FA8]  }
0x30: {  	s3 =	sld [smem:$0x3FAB]  }
0x31: {  	[smem:$0x3FB4] =	sst s10  }
0x32: {  	s10 =	sld [smem:$0x3FB2];
	_ =	sdelay $0x3  }
0x33: {  	p0 =	seq.s32 s10, $0x1;
	s10 =	sld [smem:$0x3FB4];
	_ =	sdelay $0x3  }
0x34: {  	[smem:$0x3FB4] =	sst s10  }
0x35: {  	s10 =	sld [smem:$0x3FB3];
	_ =	sdelay $0x3  }
0x36: {  	p1 =	seq.s32 s10, $0x1;
	s10 =	sld [smem:$0x3FB4];
	_ =	sdelay $0x3  }
0x37: {  	[smem:$0x3FB4] =	sst s10  }
0x38: {  	s10 =	sld [smem:$0x3FB5]  }
0x39: {  	_ = 	snop;
	(pc) =	sbr.ind lr, $3  }
0x3a: {  	_ = 	snop  }
0x3b: {  	_ = 	snop  }
0x3c: {  	p2 =	seq.s32 s10, $0x1;
	s10 =	sld [smem:$0x3FB4]  }
0x3d: {  	_ =	shalt  }
0x3e: {  	_ =	shalt  }
0x3f: {  	_ =	shalt  }
0x40: {  	_ =	shalt  }
0x41: {  	_ =	shalt  }
0x42: {  	_ =	shalt  }
0x43: {  	_ =	shalt  }
0x44: {  	_ =	shalt  }
0x45: {  	_ =	shalt  }
0x46: {  	_ =	shalt  }
0x47: {  	_ =	shalt  }
0x48: {  	_ =	shalt  }
0x49: {  	_ =	shalt  }
0x4a: {  	_ =	shalt  }
0x4b: {  	_ =	shalt  }
0x4c: {  	_ =	shalt  }
0x4d: {  	_ =	shalt  }
0x4e: {  	_ =	shalt  }
0x4f: {  	_ =	shalt  }
0x50: {  	_ =	shalt  }
0x51: {  	_ =	shalt  }
0x52: {  	_ =	shalt  }
0x53: {  	_ =	shalt  }
0x54: {  	_ =	shalt  }
0x55: {  	_ =	shalt  }
0x56: {  	_ =	shalt  }
0x57: {  	_ =	shalt  }
0x58: {  	_ =	shalt  }
0x59: {  	_ =	shalt  }
0x5a: {  	_ =	shalt  }
0x5b: {  	_ =	shalt  }
0x5c: {  	_ =	shalt  }
0x5d: {  	_ =	shalt  }
0x5e: {  	_ =	shalt  }
0x5f: {  	_ =	shalt  }
0x60: {  	_ =	shalt  }
0x61: {  	_ =	shalt  }
0x62: {  	_ =	shalt  }
0x63: {  	_ =	shalt  }
0x64: {  	_ =	shalt  }
0x65: {  	_ =	shalt  }
0x66: {  	_ =	shalt  }
0x67: {  	_ =	shalt  }
0x68: {  	_ =	shalt  }
0x69: {  	_ =	shalt  }
0x6a: {  	_ =	shalt  }
0x6b: {  	_ =	shalt  }
0x6c: {  	_ =	shalt  }
0x6d: {  	_ =	shalt  }
0x6e: {  	_ =	shalt  }
0x6f: {  	_ =	shalt  }
0x70: {  	_ =	shalt  }
0x71: {  	_ =	shalt  }
0x72: {  	_ =	shalt  }
0x73: {  	_ =	shalt  }
0x74: {  	_ =	shalt  }
0x75: {  	_ =	shalt  }
0x76: {  	_ =	shalt  }
0x77: {  	_ =	shalt  }
0x78: {  	_ =	shalt  }
0x79: {  	_ =	shalt  }
0x7a: {  	_ =	shalt  }
0x7b: {  	_ =	shalt  }
0x7c: {  	_ =	shalt  }
0x7d: {  	_ =	shalt  }
0x7e: {  	_ =	shalt  }
0x7f: {  	_ =	shalt  }
0x80: {  	_ =	shalt  }
0x81: {  	_ =	shalt  }
0x82: {  	_ =	shalt  }
0x83: {  	_ =	shalt  }
0x84: {  	_ =	shalt  }
0x85: {  	_ =	shalt  }
0x86: {  	_ =	shalt  }
0x87: {  	_ =	shalt  }
.Lfunc_end0:
.L_simem_size_0:
called_computation.1_lowered:
.L_overlay_start_0:
0x88: {  	s2 =	sld [smem:$0x3FD9]  }
0x89: {  	s3 =	sld [smem:$0x3FFE];
	_ =	sdelay $0x1  }
0x8a: {  	s1 =	srdreg.scid  }
0x8b: {  	s0 =	sand.u32 $0x1, s1  }
0x8c: {  	s17 =	sshll.u32 s0, $0xA;
	s2 =	sadd.s32 s3, s2  }
0x8d: {  	s2 =	sadd.s32 s2, s17  }
0x8e: {  	[smem:$0x3FC0] =	sst s2  }
0x8f: {  	_ = 	snop  }
0x90: {  	s2 =	sld [smem:$0x3FD0];
	(tm) =	ssettm $0x1  }
0x91: {  	s18 =	sld [smem:$0x3FFB];
	_ =	sdelay $0x3  }
0x92: {  	_ =	strace s18  }
0x93: {  	s3 =	sld [smem:$0x3FFC];
	_ =	sdelay $0x3  }
0x94: {  	_ =	strace s3  }
0x95: {  	s3 =	sld [smem:$0x3FFD];
	_ =	sdelay $0x3  }
0x96: {  	_ =	strace s3  }
0x97: {  	_ =	strace $0x8FFFFFFF  }
0x98: {  	s19 =	sld [smem:$0x3FDB];
	_ =	sdelay $0x1  }
0x99: {  	s4 =	simm.s32 $_scs_section_size  }
0x9a: {  	s5 =	simm.s32 $_size__tile_overlayer_lowered;
	s6 =	simm.s32 $_tile_overlayer_lowered  }
0x9b: {  	s22 =	simm.s32 $0x1BFF;
	s21 =	sshll.u32 s6, $0x1;
	s3 =	sadd.s32 s4, s19  }
0x9c: {  	s7 =	simm.s32 $0x0;
	s20 =	sshll.u32 s5, $0x1;
	s5 =	sadd.s32 s21, s3  }
0x9d: {  	[timem:s7], [sflag:s22] =	dma.local [hbm:s5], s20  }
0x9e: {  	_ =	swait.ge [sflag:s22], s20  }
0x9f: {  	s4 =	ssub.s32 $0x0, s20;
	[sflag:s22] =	ssyncset.done $0x0  }
0xa0: {  	[sflag:s22] =	ssyncadd.s32 s4;
	_ =	sdelay $0x1  }
0xa1: {  	s23 =	simm.s32 $0x1B8B  }
0xa2: {  	_ =	swait.ge [sflag:s23], $0x1  }
0xa3: {  	[sflag:s23] =	ssyncset.done $0x0  }
0xa4: {  	s25 =	simm.s32 $0x1B8E;
	s24 =	sld [smem:$0x3FFE];
	[sflag:s23] =	ssyncadd.s32 $0xFFFFFFFF  }
0xa5: {  	s26 =	simm.s32 $execute0_lowered;
	[smem:$0x3FD2] =	sst s25  }
0xa6: {  	s5 =	sshll.u32 s26, $0x1;
	_ =	strace $0x80000049;
	[dreg:$0x1] =	wrdreg $0xFFFFFFFF  }
0xa7: {  	s28 =	simm.s32 $_size_execute0_lowered;
	s3 =	sadd.s32 s3, s5;
	[dreg:$0x0] =	wrdreg $0x0  }
0xa8: {  	s5 =	sshll.u32 s28, $0x1;
	[dreg:$0x2] =	wrdreg s3  }
0xa9: {  	[dreg:$0x3] =	wrdreg s5  }
0xaa: {  	[dreg:$0x4] =	wrdreg $0xC0  }
0xab: {  	_ =	task [dreg:s7], $0x5FFFF  }
0xac: {  	[dreg:$0x1] =	wrdreg $0xFFFFFFFF  }
0xad: {  	[dreg:$0x0] =	wrdreg $0x60  }
0xae: {  	[dreg:$0x2] =	wrdreg s24  }
0xaf: {  	[dreg:$0x3] =	wrdreg s2  }
0xb0: {  	[dreg:$0x4] =	wrdreg $0x0  }
0xb1: {  	[dreg:$0x5] =	wrdreg $0x9  }
0xb2: {  	_ =	task.clear_ibuf [dreg:s7], $0x6FFFF;
	_ =	strace $0x90000049  }
0xb3: {  	s29 =	simm.s32 $0x9;
	_ =	strace $0x8000004B  }
0xb4: {  	_ =	swait.ge [sflag:s29], $0x1  }
0xb5: {  	[sflag:s29] =	ssyncadd.s32 $0xFFFFFFFF  }
0xb6: {  	_ =	strace $0x9000004B  }
0xb7: {  	_ =	sfence  }
0xb8: {  	s30 =	sld [smem:$0x0];
	_ =	sdelay $0x2  }
0xb9: {  	s31 =	sshll.u32 s1, $0xD;
	s1 =	sshrl.u32 s1, $0x2  }
0xba: {  	s3 =	sand.u32 $0x4000, s31;
	s1 =	sadd.s32 s1, s30  }
0xbb: {  	s0 =	sor.u32 s3, s0;
	s1 =	sshll.u32 s1, $0x11  }
0xbc: {  	s0 =	sor.u32 s1, s0  }
0xbd: {  	s0 =	sadd.s32 $0x8F2B, s0  }
0xbe: {  	[sflag:s0] =	ssyncadd.remote.s32 $0x1  }
0xbf: {  	_ =	sfence.sel $0xFFFF  }
0xc0: {  	[dreg:$0x0] =	wrdreg $0xFFFFFFFF;
	(pc) =	sbr.abs _section_cstart, $3  }
0xc1: {  	[dreg:$0x1] =	wrdreg $0xFFFFFFFF  }
0xc2: {  	_ =	task.clear_ibuf [dreg:s7], $0x2FFFF;
	_ =	strace $0x9FFFFFFF  }
0xc3: {  	(tm) =	ssettm $0x7FFFFFFF  }
tec
execute0_lowered:
.L_overlay_start_1:
0x0: {  	(tag) =	ssettag $0x1  }
0x1: {  	s0 =	rddreg [dreg:$0x0]  }
0x2: {  	s2 =	rddreg [dreg:$0x1]  }
0x3: {  	s3 =	rddreg [dreg:$0x2]  }
0x4: {  	s1 =	srdreg.scid;
	s11 =	stileid.u32  }
0x5: {  	s4 =	simm.s32 $0x0;
	s12 =	simm.s32 $0x71;
	s6 =	smul.u32 $0x2800, s11  }
0x6: {  	s1 =	sand.u32 $0x1, s1;
	[smem:$0x7FF] =	sst s4;
	s8 =	smul.u32 $0x50000, s11  }
0x7: {  	s5 =	sadd.s32 $0xB800, s0;
	s7 =	smul.u32 $0x28000, s1;
	s13 =	ssub.s32 $0x2, s1  }
0x8: {  	s14 =	smul.u32 $0xA0, s11;
	s10 =	sshrl.u32 s13, $0x1;
	s8 =	sshrl.u32 s8, $0x2  }
0x9: {  	s7 =	sadd.s32 s6, s7;
	s6 =	sadd.s32 $0x1800, s0;
	s10 =	ssub.s32 s13, s10  }
0xa: {  	s0 =	sadd.s32 s7, s0;
	s7 =	sadd.s32 s8, s3;
	s26 =	smax.u32 s10, $0x1  }
0xb: {  	_ =	strace $0x8000004A;
	s15 =	sadd.s32 $0x4000, s7;
	[dreg:$0xf] =	wrdreg s26  }
0xc: {  	s9 =	ssub.s32 $0x0, s1;
	s16 =	sadd.s32 $0x8000, s7;
	[dreg:$0x4] =	wrdreg s15  }
0xd: {  	s9 =	sand.u32 $0x71, s9;
	s17 =	sadd.s32 $0xC000, s7;
	[dreg:$0x5] =	wrdreg s16  }
0xe: {  	s8 =	sadd.s32 s14, s9;
	s18 =	sadd.s32 $0x10000, s7;
	[dreg:$0x6] =	wrdreg s17  }
0xf: {  	s19 =	sshll.u32 s8, $0x4;
	s0 =	sadd.s32 $0x33800, s0;
	[dreg:$0x7] =	wrdreg s18  }
0x10: {  	s31 =	simm.s32 $0x5;
	s8 =	sadd.s32 s2, s19;
	[dreg:$0xe] =	wrdreg s0  }
0x11: {  	p0 =	seq.s32 s1, $0x0;
	s21 =	sadd.s32 s6, s19;
	[dreg:$0x8] =	wrdreg s8  }
0x12: {  	s20 =	sadd.s32 $0x10, s19;
	s30 =	ssub.s32 $0xFFFFFFC0, s19;
	[dreg:$0x9] =	wrdreg s21  }
0x13: {  	s1 =	simm.s32 $0x6;
	s22 =	sadd.s32 s2, s20;
	[dreg:$0x12] =	wrdreg s30  }
0x14: {  	s23 =	sor.u32 $0x20, s19;
	s8 =	sadd.s32 s6, s20;
	[dreg:$0xa] =	wrdreg s22  }
0x15: {  	s12 =	simm.s32 @!p0 $0x2F;
	s24 =	sadd.s32 s2, s23;
	[dreg:$0xb] =	wrdreg s8  }
0x16: {  	s28 =	sadd.s32 $0x30, s19;
	s25 =	sadd.s32 s6, s23;
	[dreg:$0xc] =	wrdreg s24  }
0x17: {  	s9 =	simm.s32 $0x3;
	s29 =	sadd.s32 s2, s28;
	[dreg:$0xd] =	wrdreg s25  }
0x18: {  	s10 =	simm.s32 $0x0;
	s0 =	sadd.s32 s6, s28;
	[dreg:$0x10] =	wrdreg s29  }
0x19: {  	s26 =	simm.s32 $0x9;
	s18 =	sor.u32 $0x40, s19;
	[dreg:$0x11] =	wrdreg s0  }
0x1a: {  	v0 =	vimm.f32 $0.0e+00;
	s25 =	simm.s32 $0x14400;
	s0 =	simm.s32 $0x80;
	s8 =	simm.s32 $0x1  }
.LBB2_1:
0x1b: {  	s11 =	sand.u32 $0xFE00, s4  }
0x1c: {  	s13 =	sand.u32 $0x70, s4;
	s14 =	sshrl.u32 s11, $0x2  }
0x1d: {  	s11 =	simm.s32 $0x40;
	s14 =	sor.u32 s13, s14;
	s13 =	simm.s32 $0x0  }
.LBB2_2:
0x1e: {  	p0 =	sne.s32 s11, $0xFFC0  }
0x1f: {  	[tilespmem:s14+$0x14400] =	vst v0;
	s13 =	sadd.s32 $0x10, s13;
	s14 =	smov.u32 s11;
	s11 =	sadd.s32 $0x40, s11  }
.Ltmp0:
0x20: {  	(pc) =	sbr.rel @p0 .LBB2_2-.Ltmp0, $4  }
0x21: {  	_ = 	snop  }
0x22: {  	s14 =	sand.u32 $0xFE00, s14  }
0x23: {  	s15 =	sand.u32 $0x70, s13;
	s14 =	sshrl.u32 s14, $0x2  }
0x24: {  	s14 =	sor.u32 s15, s14  }
0x25: {  	[tilespmem:s14+$0x14400] =	vst v0  }
0x26: {  	[spmem:s7] =	stream.linear.scatter [tilespmem:s25], [sflag:$0x9], $0x4000, $0x38;
	[tilespmem:$0x1C400] =	vst v63  }
0x27: {  	_ =	swait.ge [sflag:s26], $0x4000  }
0x28: {  	[sflag:s26] =	ssyncset.done $0x0  }
0x29: {  	s11 =	rddreg [dreg:$0x4];
	[sflag:s26] =	ssyncadd.s32 $0xFFFFC000  }
0x2a: {  	[spmem:s11] =	stream.linear.scatter [tilespmem:s25], [sflag:$0x9], $0x4000, $0x38;
	[tilespmem:$0x1C400] =	vst v63  }
0x2b: {  	_ =	swait.ge [sflag:s26], $0x4000  }
0x2c: {  	[sflag:s26] =	ssyncset.done $0x0  }
0x2d: {  	s29 =	rddreg [dreg:$0x5];
	[sflag:s26] =	ssyncadd.s32 $0xFFFFC000  }
0x2e: {  	[spmem:s29] =	stream.linear.scatter [tilespmem:s25], [sflag:$0x9], $0x4000, $0x38;
	[tilespmem:$0x1C400] =	vst v63  }
0x2f: {  	_ =	swait.ge [sflag:s26], $0x4000  }
0x30: {  	[sflag:s26] =	ssyncset.done $0x0  }
0x31: {  	s30 =	rddreg [dreg:$0x6];
	[sflag:s26] =	ssyncadd.s32 $0xFFFFC000  }
0x32: {  	[spmem:s30] =	stream.linear.scatter [tilespmem:s25], [sflag:$0x9], $0x4000, $0x38;
	[tilespmem:$0x1C400] =	vst v63  }
0x33: {  	_ =	swait.ge [sflag:s26], $0x4000  }
0x34: {  	[sflag:s26] =	ssyncset.done $0x0  }
0x35: {  	s13 =	rddreg [dreg:$0x7];
	[sflag:s26] =	ssyncadd.s32 $0xFFFFC000  }
0x36: {  	[spmem:s13] =	stream.linear.scatter [tilespmem:s25], [sflag:$0x9], $0x4000, $0x38;
	[tilespmem:$0x1C400] =	vst v63  }
0x37: {  	_ =	swait.ge [sflag:s26], $0x4000  }
0x38: {  	[sflag:s26] =	ssyncset.done $0x0  }
0x39: {  	[sflag:s26] =	ssyncadd.s32 $0xFFFFC000  }
0x3a: {  	[bflag:$0x0] =	sbarrier.arrive $0xFFFF  }
0x3b: {  	s13 =	simm.s32 $0x14000;
	s14 =	rddreg [dreg:$0x8]  }
0x3c: {  	[tilespmem:s13], [sflag:$0x5] =	stream.linear.gather [hbm4b:s14+s4], $0x80, $0x38;
	[tilespmem:$0x1C400] =	vst v63  }
0x3d: {  	s15 =	rddreg [dreg:$0x9];
	s14 =	simm.s32 $0x14200  }
0x3e: {  	[tilespmem:s14], [sflag:$0x5] =	stream.linear.gather [hbm4b:s15+s4], $0x80, $0x38;
	[tilespmem:$0x1C400] =	vst v63  }
0x3f: {  	s16 =	rddreg [dreg:$0xa];
	s15 =	simm.s32 $0x14080  }
0x40: {  	[tilespmem:s15], [sflag:$0x6] =	stream.linear.gather [hbm4b:s16+s4], $0x80, $0x38;
	[tilespmem:$0x1C400] =	vst v63  }
0x41: {  	s17 =	rddreg [dreg:$0xb];
	s16 =	simm.s32 $0x14280  }
0x42: {  	[tilespmem:s16], [sflag:$0x6] =	stream.linear.gather [hbm4b:s17+s4], $0x80, $0x38;
	[tilespmem:$0x1C400] =	vst v63  }
0x43: {  	s20 =	simm.s32 $0x14100;
	s19 =	rddreg [dreg:$0xc]  }
0x44: {  	[tilespmem:s20], [sflag:$0x7] =	stream.linear.gather [hbm4b:s19+s4], $0x80, $0x38;
	[tilespmem:$0x1C400] =	vst v63  }
0x45: {  	s22 =	simm.s32 $0x14300;
	s21 =	rddreg [dreg:$0xd]  }
0x46: {  	[tilespmem:s22], [sflag:$0x7] =	stream.linear.gather [hbm4b:s21+s4], $0x80, $0x38;
	[tilespmem:$0x1C400] =	vst v63  }
0x47: {  	_ =	swait.ge [sflag:s31], $0x80  }
0x48: {  	[sflag:s31] =	ssyncset.done $0x0  }
0x49: {  	[sflag:s31] =	ssyncadd.s32 $0xFFFFFF80  }
0x4a: {  	_ =	swait.ge [sflag:s31], $0x80  }
0x4b: {  	[sflag:s31] =	ssyncset.done $0x0  }
0x4c: {  	[sflag:s31] =	ssyncadd.s32 $0xFFFFFF80  }
0x4d: {  	[tilespmem:s25], [sflag:$0x1] =	stream.indirect.gather [hbm4b:s5+s0], $0x80, s13, s0, $0xb8;
	[tilespmem:$0x1C400] =	vst v63  }
0x4e: {  	s24 =	simm.s32 $0x14180;
	s23 =	rddreg [dreg:$0x10]  }
0x4f: {  	[tilespmem:s24], [sflag:$0x8] =	stream.linear.gather [hbm4b:s23+s4], $0x80, $0x38;
	[tilespmem:$0x1C400] =	vst v63  }
0x50: {  	s29 =	simm.s32 $0x14380;
	s28 =	rddreg [dreg:$0x11]  }
0x51: {  	[tilespmem:s29], [sflag:$0x8] =	stream.linear.gather [hbm4b:s28+s4], $0x80, $0x38;
	[tilespmem:$0x1C400] =	vst v63  }
0x52: {  	_ =	swait.ge [sflag:s1], $0x80  }
0x53: {  	[sflag:s1] =	ssyncset.done $0x0  }
0x54: {  	[sflag:s1] =	ssyncadd.s32 $0xFFFFFF80  }
0x55: {  	_ =	swait.ge [sflag:s1], $0x80  }
0x56: {  	[sflag:s1] =	ssyncset.done $0x0  }
0x57: {  	p1 =	sne.s32 s12, $0x3;
	s30 =	simm.s32 $0x18400;
	[sflag:s1] =	ssyncadd.s32 $0xFFFFFF80  }
0x58: {  	[tilespmem:s30], [sflag:$0x2] =	stream.indirect.gather [hbm4b:s5+s0], $0x80, s15, s0, $0xb8;
	[tilespmem:$0x1C400] =	vst v63  }
.Ltmp1:
0x59: {  	_ = 	snop;
	(pc) =	sbr.rel @!p1 .LBB2_4-.Ltmp1, $4  }
0x5a: {  	p0 =	por $0x0, $0x0;
	s17 =	simm.s32 $0x1;
	_ =	swait.ge [sflag:s8], $0x4000  }
0x5b: {  	s20 =	simm.s32 $0x2;
	s13 =	simm.s32 $0x200;
	[sflag:s8] =	ssyncset.done $0x0  }
0x5c: {  	s19 =	simm.s32 $0x3;
	s16 =	sand.u32 $0x600, s13;
	[sflag:s8] =	ssyncadd.s32 $0xFFFFC000  }
0x5d: {  	[spmem:s3] =	stream.indirect.scatter.add.f32 [tilespmem:s25], [sflag:$0x3], $0x80, s14, s0, $0xb8;
	[tilespmem:$0x1C400] =	vst v63  }
0x5e: {  	s15 =	sand.u32 $0x1, s17;
	s13 =	simm.s32 $0x4  }
0x5f: {  	p0 =	sle.u32 s12, $0x4;
	s17 =	simm.s32 $0x2;
	s24 =	sand.u32 $0x3, s20  }
0x60: {  	p1 =	sne.s32 s12, $0x4;
	s20 =	sand.u32 $0x1, s20;
	s11 =	sxor.u32 $0x1, s15  }
0x61: {  	s13 =	sand.u32 @!p0 $0x3, s13;
	s22 =	simm.s32 @!p0 $0x0;
	s11 =	sadd.s32 $0x3, s11  }
0x62: {  	s23 =	sadd.s32 @!p0 s18, s2;
	s28 =	sadd.s32 $0x1, s15;
	_ =	swait.ge [sflag:s11], $0x4000  }
0x63: {  	s30 =	sshll.u32 s20, $0xE;
	s14 =	sshll.u32 @!p0 s13, $0x7;
	[sflag:s11] =	ssyncset.done $0x0  }
0x64: {  	s21 =	sor.u32 @!p0 $0x14000, s14;
	[sflag:s11] =	ssyncadd.s32 $0xFFFFC000;
	s11 =	sadd.s32 @!p0 $0x5, s13  }
0x65: {  	[tilespmem:s21], [sflag:s11] =	stream.linear.gather @!p0 [hbm4b:s23+s22], $0x80, $0x38;
	[tilespmem:$0x1C400] =	vst v63  }
0x66: {  	s29 =	sshll.u32 s15, $0xE;
	s13 =	sor.u32 @!p0 $0x14200, s14;
	s14 =	sadd.s32 @!p0 s18, s6  }
0x67: {  	[tilespmem:s13], [sflag:s11] =	stream.linear.gather @!p0 [hbm4b:s14+s22], $0x80, $0x38;
	[tilespmem:$0x1C400] =	vst v63  }
0x68: {  	s30 =	sadd.s32 $0x14400, s30;
	s11 =	simm.s32 $0x4;
	s14 =	sadd.s32 $0x5, s24  }
0x69: {  	s13 =	sshrl.u32 s16, $0x2;
	s22 =	sshll.u32 s24, $0x7;
	_ =	swait.ge [sflag:s14], $0x80  }
.Ltmp2:
0x6a: {  	p0 =	por $0x1, $0x1;
	[sflag:s14] =	ssyncset.done $0x0;
	(pc) =	sbr.rel @!p1 .LBB2_6-.Ltmp2, $4  }
0x6b: {  	s22 =	sor.u32 $0x14000, s22;
	s21 =	sor.u32 $0x14200, s13;
	[sflag:s14] =	ssyncadd.s32 $0xFFFFFF80  }
0x6c: {  	s13 =	simm.s32 $0x400;
	s24 =	rddreg [dreg:$0x12];
	_ =	swait.ge [sflag:s14], $0x80  }
0x6d: {  	s16 =	sand.u32 $0x600, s13;
	s23 =	sadd.s32 $0xFFFFFFF0, s24;
	[sflag:s14] =	ssyncset.done $0x0  }
0x6e: {  	s24 =	sadd.s32 $0x10, s18;
	[sflag:s14] =	ssyncadd.s32 $0xFFFFFF80;
	s14 =	sadd.s32 $0x1, s20  }
.LBB2_7:
0x6f: {  	[tilespmem:s30], [sflag:s14] =	stream.indirect.gather [hbm4b:s5+s0], $0x80, s22, s0, $0xb8;
	[tilespmem:$0x1C400] =	vst v63  }
0x70: {  	s14 =	smov.u32 s19;
	s19 =	smov.u32 s11  }
0x71: {  	s20 =	sadd.s32 $0x3, s15;
	s15 =	sand.u32 $0x1, s17;
	_ =	swait.ge [sflag:s28], $0x4000  }
0x72: {  	s17 =	sxor.u32 $0x1, s15;
	s22 =	sadd.s32 $0x2, s14;
	[sflag:s28] =	ssyncset.done $0x0  }
0x73: {  	s30 =	sadd.s32 $0x3, s17;
	p2 =	sge.u32 s22, s12;
	[sflag:s28] =	ssyncadd.s32 $0xFFFFC000  }
0x74: {  	s17 =	sadd.s32 $0xFFFFFFFF, s11;
	s22 =	sand.u32 @!p2 $0x3, s22;
	s28 =	sadd.s32 $0x14400, s29  }
0x75: {  	s16 =	sshrl.u32 s16, $0x2;
	s11 =	sadd.s32 $0x1, s11;
	s29 =	sshll.u32 @!p2 s22, $0x7  }
0x76: {  	[spmem:s3] =	stream.indirect.scatter.add.f32 [tilespmem:s28], [sflag:s20], $0x80, s21, s0, $0xb8;
	[tilespmem:$0x1C400] =	vst v63  }
0x77: {  	s20 =	sor.u32 @!p2 $0x14000, s29;
	s21 =	simm.s32 @!p2 $0x0;
	_ =	swait.ge [sflag:s30], $0x4000  }
0x78: {  	p1 =	sne.s32 s12, s11;
	s28 =	sadd.s32 @!p2 s24, s2;
	[sflag:s30] =	ssyncset.done $0x0  }
0x79: {  	s22 =	sadd.s32 @!p2 $0x5, s22;
	s29 =	sor.u32 @!p2 $0x14200, s29;
	[sflag:s30] =	ssyncadd.s32 $0xFFFFC000  }
0x7a: {  	[tilespmem:s20], [sflag:s22] =	stream.linear.gather @!p2 [hbm4b:s28+s21], $0x80, $0x38;
	[tilespmem:$0x1C400] =	vst v63  }
0x7b: {  	s20 =	sadd.s32 @!p2 s24, s6;
	s28 =	sand.u32 $0x3, s14  }
0x7c: {  	[tilespmem:s29], [sflag:s22] =	stream.linear.gather @!p2 [hbm4b:s20+s21], $0x80, $0x38;
	[tilespmem:$0x1C400] =	vst v63  }
0x7d: {  	s23 =	sadd.s32 $0xFFFFFFF0, s23;
	s20 =	sadd.s32 $0x5, s28;
	s21 =	sshll.u32 s28, $0x7  }
0x7e: {  	s24 =	sadd.s32 $0x10, s24;
	s22 =	sor.u32 $0x14000, s21;
	_ =	swait.ge [sflag:s20], $0x80  }
.Ltmp3:
0x7f: {  	s28 =	sadd.s32 $0x1, s15;
	[sflag:s20] =	ssyncset.done $0x0;
	(pc) =	sbr.rel @p1 .LBB2_7-.Ltmp3, $4  }
0x80: {  	s13 =	sadd.s32 $0x200, s13;
	s21 =	sor.u32 $0x14200, s16;
	[sflag:s20] =	ssyncadd.s32 $0xFFFFFF80  }
0x81: {  	s14 =	sand.u32 $0x1, s14;
	s16 =	sand.u32 $0x600, s13;
	_ =	swait.ge [sflag:s20], $0x80  }
0x82: {  	s30 =	sshll.u32 s14, $0xE;
	s29 =	sshll.u32 s15, $0xE;
	[sflag:s20] =	ssyncset.done $0x0  }
0x83: {  	s14 =	sadd.s32 $0x1, s14;
	s30 =	sadd.s32 $0x14400, s30;
	[sflag:s20] =	ssyncadd.s32 $0xFFFFFF80  }
0x84: {  	s20 =	smov.u32 s19;
	s19 =	smov.u32 s11  }
.LBB2_9:
0x85: {  	[tilespmem:s30], [sflag:s14] =	stream.indirect.gather @p0 [hbm4b:s5+s0], $0x80, s22, s0, $0xb8;
	[tilespmem:$0x1C400] =	vst v63  }
0x86: {  	s11 =	sand.u32 $0x1, s17;
	s14 =	sadd.s32 @p0 $0x3, s15  }
0x87: {  	s17 =	sadd.s32 $0x2, s20;
	_ =	swait.ge @p0 [sflag:s28], $0x4000;
	s22 =	sxor.u32 $0x1, s11  }
0x88: {  	p1 =	sge.u32 s17, s12;
	[sflag:s28] =	ssyncset.done @p0 $0x0;
	s15 =	sadd.s32 $0x3, s22  }
0x89: {  	s17 =	sand.u32 @!p1 $0x3, s17;
	s22 =	sadd.s32 @p0 $0x14400, s29;
	[sflag:s28] =	ssyncadd.s32 @p0 $0xFFFFC000  }
0x8a: {  	[spmem:s3] =	stream.indirect.scatter.add.f32 @p0 [tilespmem:s22], [sflag:s14], $0x80, s21, s0, $0xb8;
	[tilespmem:$0x1C400] =	vst v63  }
0x8b: {  	s29 =	sand.u32 $0x3, s20;
	s28 =	sadd.s32 @!p1 s24, s2;
	_ =	swait.ge [sflag:s15], $0x4000  }
0x8c: {  	s14 =	sshll.u32 @!p1 s17, $0x7;
	s22 =	simm.s32 @!p1 $0x0;
	[sflag:s15] =	ssyncset.done $0x0  }
0x8d: {  	s21 =	sor.u32 @!p1 $0x14000, s14;
	[sflag:s15] =	ssyncadd.s32 $0xFFFFC000;
	s15 =	sadd.s32 @!p1 $0x5, s17  }
0x8e: {  	[tilespmem:s21], [sflag:s15] =	stream.linear.gather @!p1 [hbm4b:s28+s22], $0x80, $0x38;
	[tilespmem:$0x1C400] =	vst v63  }
0x8f: {  	s30 =	sadd.s32 $0x5, s29;
	s14 =	sor.u32 @!p1 $0x14200, s14;
	s17 =	sadd.s32 @!p1 s24, s6  }
0x90: {  	[tilespmem:s14], [sflag:s15] =	stream.linear.gather @!p1 [hbm4b:s17+s22], $0x80, $0x38;
	[tilespmem:$0x1C400] =	vst v63  }
0x91: {  	_ =	swait.ge [sflag:s30], $0x80  }
0x92: {  	[sflag:s30] =	ssyncset.done $0x0  }
0x93: {  	s21 =	sshll.u32 s29, $0x7;
	[sflag:s30] =	ssyncadd.s32 $0xFFFFFF80  }
0x94: {  	s15 =	sor.u32 $0x14000, s21;
	s17 =	sand.u32 $0x1, s20;
	_ =	swait.ge [sflag:s30], $0x80  }
0x95: {  	s20 =	sadd.s32 $0x1, s11;
	s22 =	sshll.u32 s17, $0xE;
	[sflag:s30] =	ssyncset.done $0x0  }
0x96: {  	s21 =	sadd.s32 $0x1, s17;
	s14 =	sadd.s32 $0x14400, s22;
	[sflag:s30] =	ssyncadd.s32 $0xFFFFFF80  }
0x97: {  	[tilespmem:s14], [sflag:s21] =	stream.indirect.gather [hbm4b:s5+s0], $0x80, s15, s0, $0xb8;
	[tilespmem:$0x1C400] =	vst v63  }
0x98: {  	s24 =	sshrl.u32 s16, $0x2;
	s28 =	sshll.u32 s11, $0xE;
	_ =	swait.ge [sflag:s20], $0x4000  }
0x99: {  	s16 =	sadd.s32 $0x14400, s28;
	s11 =	sadd.s32 $0x3, s11;
	[sflag:s20] =	ssyncset.done $0x0  }
0x9a: {  	s29 =	sxor.u32 $0x1, s17;
	s15 =	sor.u32 $0x14200, s24;
	[sflag:s20] =	ssyncadd.s32 $0xFFFFC000  }
0x9b: {  	[spmem:s3] =	stream.indirect.scatter.add.f32 [tilespmem:s16], [sflag:s11], $0x80, s15, s0, $0xb8;
	[tilespmem:$0x1C400] =	vst v63  }
0x9c: {  	s30 =	sadd.s32 $0x2, s19;
	s11 =	sadd.s32 $0x3, s29  }
0x9d: {  	p0 =	sge.u32 s30, s12;
	s15 =	sadd.s32 $0xFFFFFFFE, s19;
	_ =	swait.ge [sflag:s11], $0x4000  }
0x9e: {  	s22 =	sadd.s32 $0xFFFFFFF0, s23;
	s15 =	sand.u32 @!p0 $0x3, s15;
	[sflag:s11] =	ssyncset.done $0x0  }
0x9f: {  	[sflag:s11] =	ssyncadd.s32 $0xFFFFC000;
	s11 =	sadd.s32 @!p0 $0x5, s15;
	s15 =	sshll.u32 @!p0 s15, $0x7  }
0xa0: {  	s24 =	ssub.s32 @!p0 s2, s22;
	s28 =	simm.s32 @!p0 $0x0;
	s23 =	sor.u32 @!p0 $0x14000, s15  }
0xa1: {  	[tilespmem:s23], [sflag:s11] =	stream.linear.gather @!p0 [hbm4b:s24+s28], $0x80, $0x38;
	[tilespmem:$0x1C400] =	vst v63  }
0xa2: {  	s22 =	ssub.s32 @!p0 s6, s22;
	s15 =	sor.u32 @!p0 $0x14200, s15  }
0xa3: {  	[tilespmem:s15], [sflag:s11] =	stream.linear.gather @!p0 [hbm4b:s22+s28], $0x80, $0x38;
	[tilespmem:$0x1C400] =	vst v63  }
0xa4: {  	p0 =	sge.u32 s19, s12  }
0xa5: {  	s11 =	sand.u32 @!p0 $0x3, s19  }
0xa6: {  	s15 =	sadd.s32 @!p0 $0x5, s11  }
0xa7: {  	_ =	swait.ge @!p0 [sflag:s15], $0x80  }
0xa8: {  	[sflag:s15] =	ssyncset.done @!p0 $0x0  }
0xa9: {  	[sflag:s15] =	ssyncadd.s32 @!p0 $0xFFFFFF80  }
0xaa: {  	_ =	swait.ge @!p0 [sflag:s15], $0x80  }
0xab: {  	s22 =	sadd.s32 $0x200, s13;
	s11 =	sshll.u32 @!p0 s11, $0x7;
	[sflag:s15] =	ssyncset.done @!p0 $0x0  }
0xac: {  	s11 =	sor.u32 @!p0 $0x14000, s11;
	[sflag:s15] =	ssyncadd.s32 @!p0 $0xFFFFFF80;
	s15 =	simm.s32 @!p0 $0x80  }
0xad: {  	[tilespmem:s16], [sflag:s20] =	stream.indirect.gather @!p0 [hbm4b:s5+s15], $0x80, s11, s15, $0xb8;
	[tilespmem:$0x1C400] =	vst v63  }
0xae: {  	s11 =	sand.u32 $0x600, s22;
	_ =	swait.ge [sflag:s21], $0x4000  }
0xaf: {  	s11 =	sshrl.u32 s11, $0x2;
	[sflag:s21] =	ssyncset.done $0x0  }
0xb0: {  	s23 =	sadd.s32 $0x3, s17;
	s11 =	sor.u32 $0x14200, s11;
	[sflag:s21] =	ssyncadd.s32 $0xFFFFC000  }
0xb1: {  	[spmem:s3] =	stream.indirect.scatter.add.f32 [tilespmem:s14], [sflag:s23], $0x80, s11, s0, $0xb8;
	[tilespmem:$0x1C400] =	vst v63  }
0xb2: {  	_ =	swait.ge [sflag:s9], $0x4000  }
0xb3: {  	[sflag:s9] =	ssyncset.done $0x0  }
0xb4: {  	s24 =	stileid.u32;
	[sflag:s9] =	ssyncadd.s32 $0xFFFFC000  }
0xb5: {  	s11 =	sshll.u32 s24, $0x6;
	[bflag:$0x0] =	sbarrier.arrive $0xFFFF  }
0xb6: {  	s28 =	sshrl.u32 s7, $0x3;
	s11 =	sor.u32 $0x1C09, s11;
	s29 =	rddreg [dreg:$0xe]  }
0xb7: {  	[hbm:s29], [sflag:s11] =	dma.local [spmem:s28], $0x2800  }
0xb8: {  	_ =	swait.ge [sflag:s26], $0x2800  }
0xb9: {  	s10 =	sadd.s32 $0x1, s10;
	s30 =	rddreg [dreg:$0xf]  }
0xba: {  	p0 =	sne.s32 s10, s30  }
.Ltmp4:
0xbb: {  	_ = 	snop;
	(pc) =	sbr.rel @p0 .LBB2_1-.Ltmp4, $4  }
.Ltmp5:
0xbc: {  	_ = 	snop;
	(pc) =	sbr.rel @!p0 .LBB2_10-.Ltmp5, $4  }
0xbd: {  	_ = 	snop  }
0xbe: {  	[sflag:s26] =	ssyncset.done $0x0  }
0xbf: {  	[sflag:s26] =	ssyncadd.s32 $0xFFFFD800  }
0xc0: {  	_ = 	snop  }
.LBB2_4:
.Ltmp6:
0xc1: {  	(pc) =	sbr.rel .LBB2_9-.Ltmp6, $2  }
0xc2: {  	_ =	sdelay $0x2  }
0xc3: {  	s24 =	smov.u32 s18;
	s23 =	rddreg [dreg:$0x12]  }
.LBB2_6:
.Ltmp7:
0xc4: {  	(pc) =	sbr.rel .LBB2_9-.Ltmp7, $2  }
0xc5: {  	_ =	sdelay $0x2  }
0xc6: {  	s20 =	simm.s32 $0x3;
	s19 =	simm.s32 $0x4  }
.LBB2_10:
0xc7: {  	_ =	sfence.sel $0x180000  }
0xc8: {  	[bflag:$0x0] =	sbarrier.arrive $0xFFFF  }
0xc9: {  	_ =	strace $0x9000004A  }
0xca: {  	s0 =	stileid.u32;
	[bflag:$0x2] =	sbarrier.arrive $0xFFFF  }
0xcb: {  	p0 =	sne.s32 s0, $0x0;
	s0 =	rddreg [dreg:$0x3]  }
0xcc: {  	s0 =	sadd.s32 @!p0 $0x100000, s0  }
0xcd: {  	[sflag:s0] =	ssyncadd.tile.s32 @!p0 $0x1;
	_ =	shalt  }
.Lfunc_end2:
_tile_overlayer_lowered:
.L_overlay_start_2:
0xce: {  	(tag) =	ssettag $0x2  }
0xcf: {  	s0 =	rddreg [dreg:$0x0];
	s2 =	stileid.u32  }
0xd0: {  	s1 =	rddreg [dreg:$0x1];
	p0 =	sne.s32 s2, $0x0  }
0xd1: {  	s3 =	rddreg [dreg:$0x2];
	[bflag:$0x3] =	sbarrier.arrive $0xFFFF;
	s2 =	simm.s32 @!p0 $0x1C09  }
0xd2: {  	[timem:s3], [sflag:s2] =	dma.local @!p0 [hbm:s0], s1  }
0xd3: {  	s0 =	simm.s32 @!p0 $0x9  }
0xd4: {  	_ =	swait.ge @!p0 [sflag:s0], s1  }
0xd5: {  	s1 =	ssub.s32 @!p0 $0x0, s1;
	[sflag:s0] =	ssyncset.done @!p0 $0x0  }
0xd6: {  	[sflag:s0] =	ssyncadd.s32 @!p0 s1  }
0xd7: {  	[bflag:$0x3] =	sbarrier.arrive $0xFFFF  }
0xd8: {  	_ =	shalt  }

// kernel: kernel.7.cloned.1.call-start
scs
__scs_entry_jumppad:
0x0: {  	(pc) =	sbr.rel $0x88, $3  }
0x1: {  	(tag) =	ssettag $0x0;
	lr =	simm.s32 $0x1  }
0x2: {  	[smem:$0x3F99] =	sst lr;
	_ =	strace $0xD0000000  }
0x3: {  	_ = 	snop  }
0x4: {  	_ = 	snop  }
0x5: {  	_ = 	snop  }
0x6: {  	_ = 	snop  }
0x7: {  	_ = 	snop  }
__scs_overlays_trampoline_lowered:
0x8: {  	[smem:$0x3FA8] =	sst s0  }
0x9: {  	[smem:$0x3FA9] =	sst s1  }
0xa: {  	[smem:$0x3FAA] =	sst s2  }
0xb: {  	[smem:$0x3FAB] =	sst s3  }
0xc: {  	[smem:$0x3FAC] =	sst s4  }
0xd: {  	[smem:$0x3FAD] =	sst s5  }
0xe: {  	[smem:$0x3FAE] =	sst s6  }
0xf: {  	[smem:$0x3FAF] =	sst s7  }
0x10: {  	[smem:$0x3FB0] =	sst s8  }
0x11: {  	[smem:$0x3FB1] =	sst s9;
	s0 =	simm.s32 @!p0 $0x0  }
0x12: {  	s1 =	sld [smem:$0x3F97];
	s0 =	simm.s32 @p0 $0x1  }
0x13: {  	[smem:$0x3FB2] =	sst s0;
	s0 =	simm.s32 @!p1 $0x0  }
0x14: {  	s2 =	sld [smem:$0x3F96];
	s0 =	simm.s32 @p1 $0x1  }
0x15: {  	[smem:$0x3FB3] =	sst s0;
	s0 =	simm.s32 @!p2 $0x0  }
0x16: {  	s3 =	sld [smem:$0x3FDB];
	s0 =	simm.s32 @p2 $0x1  }
0x17: {  	s4 =	simm.s32 $0x1BF5;
	[smem:$0x3FB5] =	sst s0  }
0x18: {  	s0 =	sld [smem:$0x3F98];
	_ =	swait.ge [sflag:s4], $0x0  }
0x19: {  	s7 =	sld [smem:$0x3F99]  }
0x1a: {  	s8 =	sadd.s32 $0xFFFFE003, lr  }
0x1b: {  	s9 =	sadd.s32 $0xFFFFFEF7, lr;
	s5 =	simm.s32 $0xFFFFFFFF;
	p2 =	slt.u32 s8, $0xFFFFF086  }
0x1c: {  	p1 =	slt.u32 s9, $0xF7A;
	s5 =	simm.s32 @!p2 $0x0  }
0x1d: {  	s5 =	simm.s32 @p1 $0x1;
	p0 =	seq.s32 s7, s2  }
0x1e: {  	s7 =	smul.u32 @!p0 $0xF7A, s2;
	p2 =	seq.s32 @!p0 s5, $0x0  }
0x1f: {  	s9 =	smul.u32 $0xF7A, s1;
	s8 =	simm.s32 @!p0 $0x1BF5;
	p2 =	por !p2, p0  }
0x20: {  	[sflag:s8] =	ssyncset.s32 @!p0 $0xFFFFF086;
	s6 =	sadd.s32 @!p0 s3, s7;
	s7 =	simm.s32 @!p0 $0x108  }
0x21: {  	s3 =	sadd.s32 s3, s9;
	s6 =	sadd.s32 @!p0 $0x88, s6;
	s7 =	simm.s32 @p2 $0x1082  }
0x22: {  	[simem:s7], [sflag:s8] =	dma.local @!p0 [hbm:s6], $0xF7A  }
0x23: {  	s9 =	sor.u32 $0xD0000000, s2;
	s6 =	simm.s32 $0x108;
	_ =	swait.ge @!p0 [sflag:s8], $0x0  }
0x24: {  	s3 =	sadd.s32 $0x88, s3;
	s6 =	simm.s32 @!p1 $0x1082;
	[sflag:s4] =	ssyncset.s32 $0xFFFFF086  }
0x25: {  	[simem:s6], [sflag:s4] =	dma.local [hbm:s3], $0xF7A  }
0x26: {  	[smem:$0x3F99] =	sst s1;
	(tag) =	ssettag s2;
	_ =	strace s9  }
0x27: {  	s1 =	sld [smem:$0x3FA9]  }
0x28: {  	s2 =	sld [smem:$0x3FAA]  }
0x29: {  	s4 =	sld [smem:$0x3FAC]  }
0x2a: {  	p0 =	seq.s32 s5, $0x0;
	s5 =	sld [smem:$0x3FAD]  }
0x2b: {  	s6 =	sld [smem:$0x3FAE]  }
0x2c: {  	s7 =	sld [smem:$0x3FAF]  }
0x2d: {  	s3 =	simm.s32 $0x108;
	s8 =	sld [smem:$0x3FB0]  }
0x2e: {  	s3 =	simm.s32 @!p0 $0x1082;
	s9 =	sld [smem:$0x3FB1]  }
0x2f: {  	lr =	sadd.s32 s0, s3;
	s0 =	sld [smem:$0x3FA8]  }
0x30: {  	s3 =	sld [smem:$0x3FAB]  }
0x31: {  	[smem:$0x3FB4] =	sst s10  }
0x32: {  	s10 =	sld [smem:$0x3FB2];
	_ =	sdelay $0x3  }
0x33: {  	p0 =	seq.s32 s10, $0x1;
	s10 =	sld [smem:$0x3FB4];
	_ =	sdelay $0x3  }
0x34: {  	[smem:$0x3FB4] =	sst s10  }
0x35: {  	s10 =	sld [smem:$0x3FB3];
	_ =	sdelay $0x3  }
0x36: {  	p1 =	seq.s32 s10, $0x1;
	s10 =	sld [smem:$0x3FB4];
	_ =	sdelay $0x3  }
0x37: {  	[smem:$0x3FB4] =	sst s10  }
0x38: {  	s10 =	sld [smem:$0x3FB5]  }
0x39: {  	_ = 	snop;
	(pc) =	sbr.ind lr, $3  }
0x3a: {  	_ = 	snop  }
0x3b: {  	_ = 	snop  }
0x3c: {  	p2 =	seq.s32 s10, $0x1;
	s10 =	sld [smem:$0x3FB4]  }
0x3d: {  	_ =	shalt  }
0x3e: {  	_ =	shalt  }
0x3f: {  	_ =	shalt  }
0x40: {  	_ =	shalt  }
0x41: {  	_ =	shalt  }
0x42: {  	_ =	shalt  }
0x43: {  	_ =	shalt  }
0x44: {  	_ =	shalt  }
0x45: {  	_ =	shalt  }
0x46: {  	_ =	shalt  }
0x47: {  	_ =	shalt  }
0x48: {  	_ =	shalt  }
0x49: {  	_ =	shalt  }
0x4a: {  	_ =	shalt  }
0x4b: {  	_ =	shalt  }
0x4c: {  	_ =	shalt  }
0x4d: {  	_ =	shalt  }
0x4e: {  	_ =	shalt  }
0x4f: {  	_ =	shalt  }
0x50: {  	_ =	shalt  }
0x51: {  	_ =	shalt  }
0x52: {  	_ =	shalt  }
0x53: {  	_ =	shalt  }
0x54: {  	_ =	shalt  }
0x55: {  	_ =	shalt  }
0x56: {  	_ =	shalt  }
0x57: {  	_ =	shalt  }
0x58: {  	_ =	shalt  }
0x59: {  	_ =	shalt  }
0x5a: {  	_ =	shalt  }
0x5b: {  	_ =	shalt  }
0x5c: {  	_ =	shalt  }
0x5d: {  	_ =	shalt  }
0x5e: {  	_ =	shalt  }
0x5f: {  	_ =	shalt  }
0x60: {  	_ =	shalt  }
0x61: {  	_ =	shalt  }
0x62: {  	_ =	shalt  }
0x63: {  	_ =	shalt  }
0x64: {  	_ =	shalt  }
0x65: {  	_ =	shalt  }
0x66: {  	_ =	shalt  }
0x67: {  	_ =	shalt  }
0x68: {  	_ =	shalt  }
0x69: {  	_ =	shalt  }
0x6a: {  	_ =	shalt  }
0x6b: {  	_ =	shalt  }
0x6c: {  	_ =	shalt  }
0x6d: {  	_ =	shalt  }
0x6e: {  	_ =	shalt  }
0x6f: {  	_ =	shalt  }
0x70: {  	_ =	shalt  }
0x71: {  	_ =	shalt  }
0x72: {  	_ =	shalt  }
0x73: {  	_ =	shalt  }
0x74: {  	_ =	shalt  }
0x75: {  	_ =	shalt  }
0x76: {  	_ =	shalt  }
0x77: {  	_ =	shalt  }
0x78: {  	_ =	shalt  }
0x79: {  	_ =	shalt  }
0x7a: {  	_ =	shalt  }
0x7b: {  	_ =	shalt  }
0x7c: {  	_ =	shalt  }
0x7d: {  	_ =	shalt  }
0x7e: {  	_ =	shalt  }
0x7f: {  	_ =	shalt  }
0x80: {  	_ =	shalt  }
0x81: {  	_ =	shalt  }
0x82: {  	_ =	shalt  }
0x83: {  	_ =	shalt  }
0x84: {  	_ =	shalt  }
0x85: {  	_ =	shalt  }
0x86: {  	_ =	shalt  }
0x87: {  	_ =	shalt  }
.Lfunc_end0:
.L_simem_size_0:
called_computation_lowered:
.L_overlay_start_0:
0x88: {  	s2 =	sld [smem:$0x3FD9]  }
0x89: {  	s3 =	sld [smem:$0x3FFE];
	_ =	sdelay $0x1  }
0x8a: {  	s1 =	srdreg.scid  }
0x8b: {  	s0 =	sand.u32 $0x1, s1  }
0x8c: {  	s17 =	sshll.u32 s0, $0xA;
	s2 =	sadd.s32 s3, s2  }
0x8d: {  	s2 =	sadd.s32 s2, s17  }
0x8e: {  	[smem:$0x3FC0] =	sst s2  }
0x8f: {  	_ = 	snop  }
0x90: {  	s2 =	sld [smem:$0x3FD0];
	(tm) =	ssettm $0x1  }
0x91: {  	s18 =	sld [smem:$0x3FFB];
	_ =	sdelay $0x3  }
0x92: {  	_ =	strace s18  }
0x93: {  	s3 =	sld [smem:$0x3FFC];
	_ =	sdelay $0x3  }
0x94: {  	_ =	strace s3  }
0x95: {  	s3 =	sld [smem:$0x3FFD];
	_ =	sdelay $0x3  }
0x96: {  	_ =	strace s3  }
0x97: {  	_ =	strace $0x8FFFFFFF  }
0x98: {  	s19 =	sld [smem:$0x3FDB];
	_ =	sdelay $0x1  }
0x99: {  	s4 =	simm.s32 $_scs_section_size  }
0x9a: {  	s5 =	simm.s32 $_size__tile_overlayer_lowered;
	s6 =	simm.s32 $_tile_overlayer_lowered  }
0x9b: {  	s22 =	simm.s32 $0x1BFF;
	s21 =	sshll.u32 s6, $0x1;
	s3 =	sadd.s32 s4, s19  }
0x9c: {  	s7 =	simm.s32 $0x0;
	s20 =	sshll.u32 s5, $0x1;
	s5 =	sadd.s32 s21, s3  }
0x9d: {  	[timem:s7], [sflag:s22] =	dma.local [hbm:s5], s20  }
0x9e: {  	_ =	swait.ge [sflag:s22], s20  }
0x9f: {  	s4 =	ssub.s32 $0x0, s20;
	[sflag:s22] =	ssyncset.done $0x0  }
0xa0: {  	[sflag:s22] =	ssyncadd.s32 s4;
	_ =	sdelay $0x1  }
0xa1: {  	s23 =	simm.s32 $0x1B8B  }
0xa2: {  	_ =	swait.ge [sflag:s23], $0x1  }
0xa3: {  	[sflag:s23] =	ssyncset.done $0x0  }
0xa4: {  	s25 =	simm.s32 $0x1B8E;
	s24 =	sld [smem:$0x3FFE];
	[sflag:s23] =	ssyncadd.s32 $0xFFFFFFFF  }
0xa5: {  	s26 =	simm.s32 $execute0_lowered;
	[smem:$0x3FD2] =	sst s25  }
0xa6: {  	s5 =	sshll.u32 s26, $0x1;
	_ =	strace $0x80000046;
	[dreg:$0x1] =	wrdreg $0xFFFFFFFF  }
0xa7: {  	s28 =	simm.s32 $_size_execute0_lowered;
	s3 =	sadd.s32 s3, s5;
	[dreg:$0x0] =	wrdreg $0x0  }
0xa8: {  	s5 =	sshll.u32 s28, $0x1;
	[dreg:$0x2] =	wrdreg s3  }
0xa9: {  	[dreg:$0x3] =	wrdreg s5  }
0xaa: {  	[dreg:$0x4] =	wrdreg $0xC0  }
0xab: {  	_ =	task [dreg:s7], $0x5FFFF  }
0xac: {  	[dreg:$0x1] =	wrdreg $0xFFFFFFFF  }
0xad: {  	[dreg:$0x0] =	wrdreg $0x60  }
0xae: {  	[dreg:$0x2] =	wrdreg s24  }
0xaf: {  	[dreg:$0x3] =	wrdreg s2  }
0xb0: {  	[dreg:$0x4] =	wrdreg $0x0  }
0xb1: {  	[dreg:$0x5] =	wrdreg $0x140000  }
0xb2: {  	[dreg:$0x6] =	wrdreg $0x9  }
0xb3: {  	_ =	task.clear_ibuf [dreg:s7], $0x7FFFF;
	_ =	strace $0x90000046  }
0xb4: {  	s29 =	simm.s32 $0x9;
	_ =	strace $0x80000048  }
0xb5: {  	_ =	swait.ge [sflag:s29], $0x1  }
0xb6: {  	[sflag:s29] =	ssyncadd.s32 $0xFFFFFFFF  }
0xb7: {  	_ =	strace $0x90000048  }
0xb8: {  	_ =	sfence  }
0xb9: {  	s30 =	sld [smem:$0x0];
	_ =	sdelay $0x2  }
0xba: {  	s31 =	sshll.u32 s1, $0xD;
	s1 =	sshrl.u32 s1, $0x2  }
0xbb: {  	s3 =	sand.u32 $0x4000, s31;
	s1 =	sadd.s32 s1, s30  }
0xbc: {  	s0 =	sor.u32 s3, s0;
	s1 =	sshll.u32 s1, $0x11  }
0xbd: {  	s0 =	sor.u32 s1, s0  }
0xbe: {  	s0 =	sadd.s32 $0x8F2B, s0  }
0xbf: {  	[sflag:s0] =	ssyncadd.remote.s32 $0x1  }
0xc0: {  	_ =	sfence.sel $0xFFFF  }
0xc1: {  	[dreg:$0x0] =	wrdreg $0xFFFFFFFF;
	(pc) =	sbr.abs _section_cstart, $3  }
0xc2: {  	[dreg:$0x1] =	wrdreg $0xFFFFFFFF  }
0xc3: {  	_ =	task.clear_ibuf [dreg:s7], $0x2FFFF;
	_ =	strace $0x9FFFFFFF  }
0xc4: {  	(tm) =	ssettm $0x7FFFFFFF  }
0xc5: {  	_ =	shalt  }
tec
execute0_lowered:
.L_overlay_start_1:
0x0: {  	(tag) =	ssettag $0x1  }
0x1: {  	s0 =	rddreg [dreg:$0x0]  }
0x2: {  	s1 =	rddreg [dreg:$0x1]  }
0x3: {  	s3 =	rddreg [dreg:$0x2];
	s14 =	stileid.u32  }
0x4: {  	s2 =	srdreg.scid;
	s9 =	smul.u32 $0x280, s14  }
0x5: {  	s4 =	rddreg [dreg:$0x3];
	s11 =	smul.u32 $0x50000, s14  }
0x6: {  	s5 =	simm.s32 $0x0;
	s2 =	sand.u32 $0x1, s2;
	s14 =	smul.u32 $0xA0, s14  }
0x7: {  	[smem:$0x7FF] =	sst s5;
	s7 =	sadd.s32 $0x1800, s0;
	s6 =	smul.u32 $0x2800, s2  }
0x8: {  	_ =	strace $0x80000047;
	s12 =	ssub.s32 $0x0, s2;
	s23 =	ssub.s32 $0x2, s2  }
0x9: {  	s13 =	sshrl.u32 s23, $0x1;
	s11 =	sshrl.u32 s11, $0x2;
	s24 =	sand.u32 $0x71, s12  }
0xa: {  	s12 =	sadd.s32 s9, s4;
	s8 =	sadd.s32 s9, s6;
	s6 =	sadd.s32 $0xB800, s0  }
0xb: {  	s13 =	ssub.s32 s23, s13;
	s28 =	sadd.s32 s14, s24;
	[dreg:$0x8] =	wrdreg s12  }
0xc: {  	s10 =	sshll.u32 s8, $0x4;
	s31 =	sshll.u32 s28, $0x4;
	s23 =	smax.u32 s13, $0x1  }
0xd: {  	s8 =	sshrl.u32 s8, $0x3;
	s15 =	sadd.s32 s1, s31;
	[dreg:$0x11] =	wrdreg s23  }
0xe: {  	s10 =	sadd.s32 s10, s0;
	s16 =	sadd.s32 s7, s31;
	[dreg:$0x9] =	wrdreg s15  }
0xf: {  	s0 =	sadd.s32 s8, s0;
	s8 =	sadd.s32 s11, s3;
	[dreg:$0xa] =	wrdreg s16  }
0x10: {  	s29 =	simm.s32 $0x14680;
	s25 =	sadd.s32 $0x4000, s8;
	[dreg:$0x5] =	wrdreg s8  }
0x11: {  	s17 =	sadd.s32 $0x10, s31;
	s26 =	sadd.s32 $0x8000, s8;
	[dreg:$0x6] =	wrdreg s25  }
0x12: {  	s30 =	simm.s32 $0x9;
	s15 =	sadd.s32 s1, s17;
	[dreg:$0x7] =	wrdreg s26  }
0x13: {  	s18 =	sor.u32 $0x20, s31;
	s9 =	sadd.s32 s7, s17;
	[dreg:$0xb] =	wrdreg s15  }
0x14: {  	p0 =	seq.s32 s2, $0x0;
	s19 =	sadd.s32 s1, s18;
	[dreg:$0xc] =	wrdreg s9  }
0x15: {  	s13 =	simm.s32 $0x6;
	s20 =	sadd.s32 s7, s18;
	[dreg:$0xd] =	wrdreg s19  }
0x16: {  	s11 =	simm.s32 $0x71;
	s21 =	sadd.s32 $0x34200, s10;
	[dreg:$0xe] =	wrdreg s20  }
0x17: {  	s22 =	sadd.s32 $0x30, s31;
	s0 =	sadd.s32 $0x33800, s0;
	[dreg:$0xf] =	wrdreg s21  }
0x18: {  	s11 =	simm.s32 @!p0 $0x2F;
	s24 =	sadd.s32 s1, s22;
	[dreg:$0x10] =	wrdreg s0  }
0x19: {  	s28 =	sadd.s32 $0xC000, s8;
	s10 =	simm.s32 $0x80;
	[dreg:$0x12] =	wrdreg s24  }
0x1a: {  	s16 =	simm.s32 $0x3;
	s25 =	sadd.s32 s7, s22;
	[dreg:$0x15] =	wrdreg s28  }
0x1b: {  	s17 =	simm.s32 $0x0;
	s26 =	ssub.s32 $0xFFFFFFC0, s31;
	[dreg:$0x13] =	wrdreg s25  }
0x1c: {  	s22 =	sor.u32 $0x40, s31;
	s31 =	sadd.s32 $0x10000, s8;
	[dreg:$0x14] =	wrdreg s26  }
0x1d: {  	v0 =	vimm.f32 $0.0e+00;
	v1 =	vimm.f32 $1.000000000e+00;
	s9 =	simm.s32 $0x5;
	s15 =	simm.s32 $0x1C680;
	[dreg:$0x16] =	wrdreg s31  }
.LBB2_1:
0x1e: {  	s0 =	sand.u32 $0xFE00, s5  }
0x1f: {  	s2 =	sand.u32 $0x70, s5;
	s18 =	sshrl.u32 s0, $0x2  }
0x20: {  	s0 =	simm.s32 $0x40;
	s18 =	sor.u32 s2, s18;
	s2 =	simm.s32 $0x0  }
.LBB2_2:
0x21: {  	p0 =	sne.s32 s0, $0xFFC0  }
0x22: {  	[tilespmem:s18+$0x14680] =	vst v0;
	s2 =	sadd.s32 $0x10, s2;
	s18 =	smov.u32 s0;
	s0 =	sadd.s32 $0x40, s0  }
.Ltmp0:
0x23: {  	(pc) =	sbr.rel @p0 .LBB2_2-.Ltmp0, $4  }
0x24: {  	_ = 	snop  }
0x25: {  	s18 =	sand.u32 $0xFE00, s18  }
0x26: {  	s19 =	sand.u32 $0x70, s2;
	s18 =	sshrl.u32 s18, $0x2  }
0x27: {  	s18 =	sor.u32 s19, s18  }
0x28: {  	[tilespmem:s18+$0x14680] =	vst v0  }
0x29: {  	[spmem:s8] =	stream.linear.scatter [tilespmem:s29], [sflag:$0x9], $0x4000, $0x38;
	[tilespmem:$0x1C980] =	vst v63  }
0x2a: {  	_ =	swait.ge [sflag:s30], $0x4000  }
0x2b: {  	[sflag:s30] =	ssyncset.done $0x0  }
0x2c: {  	s0 =	rddreg [dreg:$0x6];
	[sflag:s30] =	ssyncadd.s32 $0xFFFFC000  }
0x2d: {  	[spmem:s0] =	stream.linear.scatter [tilespmem:s29], [sflag:$0x9], $0x4000, $0x38;
	[tilespmem:$0x1C980] =	vst v63  }
0x2e: {  	_ =	swait.ge [sflag:s30], $0x4000  }
0x2f: {  	[sflag:s30] =	ssyncset.done $0x0  }
0x30: {  	s14 =	rddreg [dreg:$0x7];
	[sflag:s30] =	ssyncadd.s32 $0xFFFFC000  }
0x31: {  	[spmem:s14] =	stream.linear.scatter [tilespmem:s29], [sflag:$0x9], $0x4000, $0x38;
	[tilespmem:$0x1C980] =	vst v63  }
0x32: {  	_ =	swait.ge [sflag:s30], $0x4000  }
0x33: {  	[sflag:s30] =	ssyncset.done $0x0  }
0x34: {  	s18 =	rddreg [dreg:$0x15];
	[sflag:s30] =	ssyncadd.s32 $0xFFFFC000  }
0x35: {  	[spmem:s18] =	stream.linear.scatter [tilespmem:s29], [sflag:$0x9], $0x4000, $0x38;
	[tilespmem:$0x1C980] =	vst v63  }
0x36: {  	_ =	swait.ge [sflag:s30], $0x4000  }
0x37: {  	[sflag:s30] =	ssyncset.done $0x0  }
0x38: {  	s19 =	rddreg [dreg:$0x16];
	[sflag:s30] =	ssyncadd.s32 $0xFFFFC000  }
0x39: {  	[spmem:s19] =	stream.linear.scatter [tilespmem:s29], [sflag:$0x9], $0x4000, $0x38;
	[tilespmem:$0x1C980] =	vst v63  }
0x3a: {  	_ =	swait.ge [sflag:s30], $0x4000  }
0x3b: {  	[sflag:s30] =	ssyncset.done $0x0  }
0x3c: {  	[sflag:s30] =	ssyncadd.s32 $0xFFFFC000  }
0x3d: {  	[tilespmem:$0x1C680] =	vst v1  }
0x3e: {  	[tilespmem:$0x1C690] =	vst v1  }
0x3f: {  	[tilespmem:$0x1C6A0] =	vst v1  }
0x40: {  	[tilespmem:$0x1C6B0] =	vst v1  }
0x41: {  	[tilespmem:$0x1C6C0] =	vst v1  }
0x42: {  	[tilespmem:$0x1C6D0] =	vst v1  }
0x43: {  	[tilespmem:$0x1C6E0] =	vst v1  }
0x44: {  	[tilespmem:$0x1C6F0] =	vst v1  }
0x45: {  	[tilespmem:$0x1C700] =	vst v0  }
0x46: {  	[tilespmem:$0x1C710] =	vst v0  }
0x47: {  	[tilespmem:$0x1C720] =	vst v0  }
0x48: {  	[tilespmem:$0x1C730] =	vst v0  }
0x49: {  	[tilespmem:$0x1C740] =	vst v0  }
0x4a: {  	[tilespmem:$0x1C750] =	vst v0  }
0x4b: {  	[tilespmem:$0x1C760] =	vst v0  }
0x4c: {  	[tilespmem:$0x1C770] =	vst v0  }
0x4d: {  	[tilespmem:$0x1C780] =	vst v0  }
0x4e: {  	[tilespmem:$0x1C790] =	vst v0  }
0x4f: {  	[tilespmem:$0x1C7A0] =	vst v0  }
0x50: {  	[tilespmem:$0x1C7B0] =	vst v0  }
0x51: {  	[tilespmem:$0x1C7C0] =	vst v0  }
0x52: {  	[tilespmem:$0x1C7D0] =	vst v0  }
0x53: {  	[tilespmem:$0x1C7E0] =	vst v0  }
0x54: {  	[tilespmem:$0x1C7F0] =	vst v0  }
0x55: {  	[tilespmem:$0x1C800] =	vst v0  }
0x56: {  	[tilespmem:$0x1C810] =	vst v0  }
0x57: {  	[tilespmem:$0x1C820] =	vst v0  }
0x58: {  	[tilespmem:$0x1C830] =	vst v0  }
0x59: {  	[tilespmem:$0x1C840] =	vst v0  }
0x5a: {  	[tilespmem:$0x1C850] =	vst v0  }
0x5b: {  	[tilespmem:$0x1C860] =	vst v0  }
0x5c: {  	[tilespmem:$0x1C870] =	vst v0  }
0x5d: {  	[tilespmem:$0x1C880] =	vst v0  }
0x5e: {  	[tilespmem:$0x1C890] =	vst v0  }
0x5f: {  	[tilespmem:$0x1C8A0] =	vst v0  }
0x60: {  	[tilespmem:$0x1C8B0] =	vst v0  }
0x61: {  	[tilespmem:$0x1C8C0] =	vst v0  }
0x62: {  	[tilespmem:$0x1C8D0] =	vst v0  }
0x63: {  	[tilespmem:$0x1C8E0] =	vst v0  }
0x64: {  	[tilespmem:$0x1C8F0] =	vst v0  }
0x65: {  	[tilespmem:$0x1C900] =	vst v0  }
0x66: {  	[tilespmem:$0x1C910] =	vst v0  }
0x67: {  	[tilespmem:$0x1C920] =	vst v0  }
0x68: {  	[tilespmem:$0x1C930] =	vst v0  }
0x69: {  	[tilespmem:$0x1C940] =	vst v0  }
0x6a: {  	[tilespmem:$0x1C950] =	vst v0  }
0x6b: {  	[tilespmem:$0x1C960] =	vst v0  }
0x6c: {  	s20 =	simm.s32 $0x1C700;
	[tilespmem:$0x1C970] =	vst v0  }
0x6d: {  	[spmem:s12] =	stream.linear.scatter [tilespmem:s20], [sflag:$0x9], $0x280, $0x38;
	[tilespmem:$0x1C980] =	vst v63  }
0x6e: {  	_ =	swait.ge [sflag:s30], $0x280  }
0x6f: {  	[sflag:s30] =	ssyncset.done $0x0  }
0x70: {  	[sflag:s30] =	ssyncadd.s32 $0xFFFFFD80  }
0x71: {  	[bflag:$0x0] =	sbarrier.arrive $0xFFFF  }
0x72: {  	s2 =	simm.s32 $0x14280;
	s21 =	rddreg [dreg:$0x9]  }
0x73: {  	[tilespmem:s2], [sflag:$0x5] =	stream.linear.gather [hbm4b:s21+s5], $0x80, $0x38;
	[tilespmem:$0x1C980] =	vst v63  }
0x74: {  	s8 =	simm.s32 $0x14480;
	s23 =	rddreg [dreg:$0xa]  }
0x75: {  	[tilespmem:s8], [sflag:$0x5] =	stream.linear.gather [hbm4b:s23+s5], $0x80, $0x38;
	[tilespmem:$0x1C980] =	vst v63  }
0x76: {  	s12 =	simm.s32 $0x14300;
	s24 =	rddreg [dreg:$0xb]  }
0x77: {  	[tilespmem:s12], [sflag:$0x6] =	stream.linear.gather [hbm4b:s24+s5], $0x80, $0x38;
	[tilespmem:$0x1C980] =	vst v63  }
0x78: {  	s14 =	simm.s32 $0x14500;
	s25 =	rddreg [dreg:$0xc]  }
0x79: {  	[tilespmem:s14], [sflag:$0x6] =	stream.linear.gather [hbm4b:s25+s5], $0x80, $0x38;
	[tilespmem:$0x1C980] =	vst v63  }
0x7a: {  	s28 =	simm.s32 $0x14380;
	s26 =	rddreg [dreg:$0xd]  }
0x7b: {  	[tilespmem:s28], [sflag:$0x7] =	stream.linear.gather [hbm4b:s26+s5], $0x80, $0x38;
	[tilespmem:$0x1C980] =	vst v63  }
0x7c: {  	s19 =	simm.s32 $0x14580;
	s18 =	rddreg [dreg:$0xe]  }
0x7d: {  	[tilespmem:s19], [sflag:$0x7] =	stream.linear.gather [hbm4b:s18+s5], $0x80, $0x38;
	[tilespmem:$0x1C980] =	vst v63  }
0x7e: {  	_ =	swait.ge [sflag:s9], $0x80  }
0x7f: {  	[sflag:s9] =	ssyncset.done $0x0  }
0x80: {  	[sflag:s9] =	ssyncadd.s32 $0xFFFFFF80  }
0x81: {  	_ =	swait.ge [sflag:s9], $0x80  }
0x82: {  	[sflag:s9] =	ssyncset.done $0x0  }
0x83: {  	[sflag:s9] =	ssyncadd.s32 $0xFFFFFF80  }
0x84: {  	[tilespmem:s29], [sflag:$0x1] =	stream.indirect.gather [hbm4b:s6+s10], $0x80, s2, s10, $0xb8;
	[tilespmem:$0x1C980] =	vst v63  }
0x85: {  	s21 =	simm.s32 $0x14400;
	s20 =	rddreg [dreg:$0x12]  }
0x86: {  	[tilespmem:s21], [sflag:$0x8] =	stream.linear.gather [hbm4b:s20+s5], $0x80, $0x38;
	[tilespmem:$0x1C980] =	vst v63  }
0x87: {  	s24 =	simm.s32 $0x14600;
	s23 =	rddreg [dreg:$0x13]  }
0x88: {  	[tilespmem:s24], [sflag:$0x8] =	stream.linear.gather [hbm4b:s23+s5], $0x80, $0x38;
	[tilespmem:$0x1C980] =	vst v63  }
0x89: {  	_ =	swait.ge [sflag:s13], $0x80  }
0x8a: {  	[sflag:s13] =	ssyncset.done $0x0  }
0x8b: {  	[sflag:s13] =	ssyncadd.s32 $0xFFFFFF80  }
0x8c: {  	_ =	swait.ge [sflag:s13], $0x80  }
0x8d: {  	[sflag:s13] =	ssyncset.done $0x0  }
0x8e: {  	s25 =	simm.s32 $0x18680;
	s26 =	simm.s32 $0x1;
	[sflag:s13] =	ssyncadd.s32 $0xFFFFFF80  }
0x8f: {  	[tilespmem:s25], [sflag:$0x2] =	stream.indirect.gather [hbm4b:s6+s10], $0x80, s12, s10, $0xb8;
	[tilespmem:$0x1C980] =	vst v63  }
0x90: {  	p1 =	sne.s32 s11, $0x3;
	_ =	swait.ge [sflag:s26], $0x4000  }
.Ltmp1:
0x91: {  	s31 =	simm.s32 $0x2;
	[sflag:s26] =	ssyncset.done $0x0;
	(pc) =	sbr.rel @!p1 .LBB2_4-.Ltmp1, $4  }
0x92: {  	p0 =	por $0x0, $0x0;
	s28 =	simm.s32 $0x1;
	[sflag:s26] =	ssyncadd.s32 $0xFFFFC000  }
0x93: {  	[spmem:s3] =	stream.indirect.scatter.add.f32 [tilespmem:s29], [sflag:$0x3], $0x80, s8, s10, $0xb8;
	[tilespmem:$0x1C980] =	vst v63  }
0x94: {  	s19 =	sand.u32 $0x1, s28;
	s2 =	simm.s32 $0x3;
	s26 =	simm.s32 $0x200  }
0x95: {  	[spmem:s4] =	stream.indirect.scatter.add.f32 [tilespmem:s15], [sflag:$0x3], $0x1, s8, s10, $0xb8;
	[tilespmem:$0x1C980] =	vst v63  }
0x96: {  	s0 =	sxor.u32 $0x1, s19  }
0x97: {  	s21 =	sadd.s32 $0x3, s19;
	s18 =	simm.s32 $0x4;
	s0 =	sadd.s32 $0x3, s0  }
0x98: {  	p0 =	sle.u32 s11, $0x4;
	s14 =	sand.u32 $0x3, s31;
	_ =	swait.ge [sflag:s0], $0x4000  }
0x99: {  	p1 =	sne.s32 s11, $0x4;
	s26 =	sand.u32 $0x600, s26;
	[sflag:s0] =	ssyncset.done $0x0  }
0x9a: {  	s12 =	sand.u32 $0x1, s31;
	s28 =	sadd.s32 $0x1, s19;
	[sflag:s0] =	ssyncadd.s32 $0xFFFFC000  }
0x9b: {  	s18 =	sand.u32 @!p0 $0x3, s18;
	s20 =	simm.s32 @!p0 $0x0;
	_ =	swait.ge [sflag:s0], $0x80  }
0x9c: {  	s24 =	sadd.s32 @!p0 s22, s1;
	s23 =	sshll.u32 @!p0 s18, $0x7;
	[sflag:s0] =	ssyncset.done $0x0  }
0x9d: {  	s18 =	sadd.s32 @!p0 $0x5, s18;
	s25 =	sadd.s32 @!p0 $0x14280, s23;
	[sflag:s0] =	ssyncadd.s32 $0xFFFFFF80  }
0x9e: {  	[tilespmem:s25], [sflag:s18] =	stream.linear.gather @!p0 [hbm4b:s24+s20], $0x80, $0x38;
	[tilespmem:$0x1C980] =	vst v63  }
0x9f: {  	s8 =	sshll.u32 s14, $0x7;
	s0 =	sadd.s32 @!p0 $0x14480, s23;
	s23 =	sadd.s32 @!p0 s22, s7  }
0xa0: {  	[tilespmem:s0], [sflag:s18] =	stream.linear.gather @!p0 [hbm4b:s23+s20], $0x80, $0x38;
	[tilespmem:$0x1C980] =	vst v63  }
0xa1: {  	s31 =	sshll.u32 s12, $0xE;
	s12 =	sadd.s32 $0x1, s12;
	s0 =	sadd.s32 $0x5, s14  }
0xa2: {  	s25 =	sadd.s32 $0x10, s22;
	s18 =	simm.s32 $0x4;
	_ =	swait.ge [sflag:s0], $0x80  }
0xa3: {  	s23 =	simm.s32 $0x400;
	s14 =	sshll.u32 s19, $0xE;
	[sflag:s0] =	ssyncset.done $0x0  }
0xa4: {  	s19 =	sadd.s32 $0x14280, s8;
	s20 =	sadd.s32 $0x14680, s31;
	[sflag:s0] =	ssyncadd.s32 $0xFFFFFF80  }
.Ltmp2:
0xa5: {  	s8 =	simm.s32 $0x2;
	_ =	swait.ge [sflag:s0], $0x80;
	(pc) =	sbr.rel @!p1 .LBB2_6-.Ltmp2, $4  }
0xa6: {  	p0 =	por $0x1, $0x1;
	[sflag:s0] =	ssyncset.done $0x0;
	s24 =	rddreg [dreg:$0x14]  }
0xa7: {  	[sflag:s0] =	ssyncadd.s32 $0xFFFFFF80;
	s24 =	sadd.s32 $0xFFFFFFF0, s24;
	s0 =	sadd.s32 $0x14680, s14  }
0xa8: {  	[tilespmem:s20], [sflag:s12] =	stream.indirect.gather [hbm4b:s6+s10], $0x80, s19, s10, $0xb8;
	[tilespmem:$0x1C980] =	vst v63  }
0xa9: {  	s20 =	sshrl.u32 s26, $0x2;
	s19 =	sand.u32 $0x1, s8;
	_ =	swait.ge [sflag:s28], $0x4000  }
.LBB2_7:
0xaa: {  	s14 =	sxor.u32 $0x1, s19;
	s26 =	sadd.s32 $0x3, s19;
	[sflag:s28] =	ssyncset.done $0x0  }
0xab: {  	s31 =	smov.u32 s2;
	s2 =	smov.u32 s18;
	s12 =	smov.u32 s23  }
0xac: {  	s18 =	sadd.s32 $0x1, s18;
	s20 =	sadd.s32 $0x14480, s20;
	[sflag:s28] =	ssyncadd.s32 $0xFFFFC000  }
0xad: {  	[spmem:s3] =	stream.indirect.scatter.add.f32 [tilespmem:s0], [sflag:s21], $0x80, s20, s10, $0xb8;
	[tilespmem:$0x1C980] =	vst v63  }
0xae: {  	p1 =	sne.s32 s11, s18;
	s0 =	sadd.s32 $0x3, s14  }
0xaf: {  	[spmem:s4] =	stream.indirect.scatter.add.f32 [tilespmem:s15], [sflag:s21], $0x1, s20, s10, $0xb8;
	[tilespmem:$0x1C980] =	vst v63  }
0xb0: {  	s14 =	sadd.s32 $0x2, s31;
	s21 =	smov.u32 s26;
	_ =	swait.ge [sflag:s0], $0x4000  }
0xb1: {  	p2 =	sge.u32 s14, s11;
	[sflag:s0] =	ssyncset.done $0x0  }
0xb2: {  	s14 =	sand.u32 @!p2 $0x3, s14;
	s20 =	simm.s32 @!p2 $0x0;
	[sflag:s0] =	ssyncadd.s32 $0xFFFFC000  }
0xb3: {  	s28 =	sadd.s32 @!p2 s25, s1;
	s26 =	sshll.u32 @!p2 s14, $0x7;
	_ =	swait.ge [sflag:s0], $0x80  }
0xb4: {  	s14 =	sadd.s32 @!p2 $0x5, s14;
	s8 =	sadd.s32 @!p2 $0x14280, s26;
	[sflag:s0] =	ssyncset.done $0x0  }
0xb5: {  	[sflag:s0] =	ssyncadd.s32 $0xFFFFFF80;
	s0 =	sadd.s32 @!p2 $0x14480, s26  }
0xb6: {  	[tilespmem:s8], [sflag:s14] =	stream.linear.gather @!p2 [hbm4b:s28+s20], $0x80, $0x38;
	[tilespmem:$0x1C980] =	vst v63  }
0xb7: {  	s23 =	sadd.s32 $0x200, s23;
	s26 =	sand.u32 $0x3, s31;
	s8 =	sadd.s32 @!p2 s25, s7  }
0xb8: {  	[tilespmem:s0], [sflag:s14] =	stream.linear.gather @!p2 [hbm4b:s8+s20], $0x80, $0x38;
	[tilespmem:$0x1C980] =	vst v63  }
0xb9: {  	s24 =	sadd.s32 $0xFFFFFFF0, s24;
	s25 =	sadd.s32 $0x10, s25;
	s0 =	sadd.s32 $0x5, s26  }
0xba: {  	s12 =	sand.u32 $0x600, s12;
	s8 =	sshll.u32 s26, $0x7;
	_ =	swait.ge [sflag:s0], $0x80  }
0xbb: {  	s28 =	sadd.s32 $0x1, s19;
	s14 =	sshll.u32 s19, $0xE;
	[sflag:s0] =	ssyncset.done $0x0  }
0xbc: {  	s26 =	sand.u32 $0x1, s31;
	s20 =	sshrl.u32 s12, $0x2;
	[sflag:s0] =	ssyncadd.s32 $0xFFFFFF80  }
.Ltmp3:
0xbd: {  	s12 =	sshll.u32 s26, $0xE;
	_ =	swait.ge [sflag:s0], $0x80;
	(pc) =	sbr.rel @p1 .LBB2_7-.Ltmp3, $4  }
0xbe: {  	s8 =	sadd.s32 $0x14280, s8;
	s12 =	sadd.s32 $0x14680, s12;
	[sflag:s0] =	ssyncset.done $0x0  }
0xbf: {  	s19 =	sadd.s32 $0xFFFFFFFF, s2;
	[sflag:s0] =	ssyncadd.s32 $0xFFFFFF80;
	s0 =	sadd.s32 $0x1, s26  }
0xc0: {  	[tilespmem:s12], [sflag:s0] =	stream.indirect.gather [hbm4b:s6+s10], $0x80, s8, s10, $0xb8;
	[tilespmem:$0x1C980] =	vst v63  }
0xc1: {  	s19 =	sand.u32 $0x1, s19;
	s0 =	sadd.s32 $0x14680, s14;
	_ =	swait.ge [sflag:s28], $0x4000  }
0xc2: {  	s31 =	smov.u32 s2;
	s2 =	smov.u32 s18;
	s26 =	smov.u32 s23  }
.LBB2_9:
0xc3: {  	[sflag:s28] =	ssyncset.done @p0 $0x0  }
0xc4: {  	s8 =	sxor.u32 $0x1, s19;
	s12 =	sadd.s32 @p0 $0x14480, s20;
	[sflag:s28] =	ssyncadd.s32 @p0 $0xFFFFC000  }
0xc5: {  	[spmem:s3] =	stream.indirect.scatter.add.f32 @p0 [tilespmem:s0], [sflag:s21], $0x80, s12, s10, $0xb8;
	[tilespmem:$0x1C980] =	vst v63  }
0xc6: {  	s23 =	sadd.s32 $0x3, s8;
	s8 =	sadd.s32 $0x2, s31  }
0xc7: {  	[spmem:s4] =	stream.indirect.scatter.add.f32 @p0 [tilespmem:s15], [sflag:s21], $0x1, s12, s10, $0xb8;
	[tilespmem:$0x1C980] =	vst v63  }
0xc8: {  	p0 =	sge.u32 s8, s11;
	_ =	swait.ge [sflag:s23], $0x4000  }
0xc9: {  	s8 =	sand.u32 @!p0 $0x3, s8;
	[sflag:s23] =	ssyncset.done $0x0  }
0xca: {  	s12 =	simm.s32 @!p0 $0x0;
	s18 =	sadd.s32 @!p0 s25, s1;
	[sflag:s23] =	ssyncadd.s32 $0xFFFFC000  }
0xcb: {  	s14 =	sshll.u32 @!p0 s8, $0x7;
	s8 =	sadd.s32 @!p0 $0x5, s8;
	_ =	swait.ge [sflag:s23], $0x80  }
0xcc: {  	s20 =	sadd.s32 @!p0 $0x14280, s14;
	s0 =	sadd.s32 @!p0 $0x14480, s14;
	[sflag:s23] =	ssyncset.done $0x0  }
0xcd: {  	s14 =	sadd.s32 @!p0 s25, s7;
	s25 =	sand.u32 $0x3, s31;
	[sflag:s23] =	ssyncadd.s32 $0xFFFFFF80  }
0xce: {  	[tilespmem:s20], [sflag:s8] =	stream.linear.gather @!p0 [hbm4b:s18+s12], $0x80, $0x38;
	[tilespmem:$0x1C980] =	vst v63  }
0xcf: {  	s28 =	sadd.s32 $0x5, s25  }
0xd0: {  	[tilespmem:s0], [sflag:s8] =	stream.linear.gather @!p0 [hbm4b:s14+s12], $0x80, $0x38;
	[tilespmem:$0x1C980] =	vst v63  }
0xd1: {  	_ =	swait.ge [sflag:s28], $0x80  }
0xd2: {  	[sflag:s28] =	ssyncset.done $0x0  }
0xd3: {  	s21 =	sadd.s32 $0x3, s19;
	s18 =	sand.u32 $0x1, s31;
	[sflag:s28] =	ssyncadd.s32 $0xFFFFFF80  }
0xd4: {  	s20 =	sshll.u32 s18, $0xE;
	s12 =	sshll.u32 s25, $0x7;
	_ =	swait.ge [sflag:s28], $0x80  }
0xd5: {  	s14 =	sadd.s32 $0x1, s19;
	s0 =	sadd.s32 $0x1, s18;
	[sflag:s28] =	ssyncset.done $0x0  }
0xd6: {  	s8 =	sadd.s32 $0x14280, s12;
	s12 =	sadd.s32 $0x14680, s20;
	[sflag:s28] =	ssyncadd.s32 $0xFFFFFF80  }
0xd7: {  	[tilespmem:s12], [sflag:s0] =	stream.indirect.gather [hbm4b:s6+s10], $0x80, s8, s10, $0xb8;
	[tilespmem:$0x1C980] =	vst v63  }
0xd8: {  	s23 =	sand.u32 $0x600, s26;
	s25 =	sshll.u32 s19, $0xE;
	_ =	swait.ge [sflag:s14], $0x4000  }
0xd9: {  	s20 =	sshrl.u32 s23, $0x2;
	s19 =	sadd.s32 $0x14680, s25;
	[sflag:s14] =	ssyncset.done $0x0  }
0xda: {  	s20 =	sadd.s32 $0x14480, s20;
	s28 =	sxor.u32 $0x1, s18;
	[sflag:s14] =	ssyncadd.s32 $0xFFFFC000  }
0xdb: {  	[spmem:s3] =	stream.indirect.scatter.add.f32 [tilespmem:s19], [sflag:s21], $0x80, s20, s10, $0xb8;
	[tilespmem:$0x1C980] =	vst v63  }
0xdc: {  	s8 =	sadd.s32 $0x3, s28  }
0xdd: {  	[spmem:s4] =	stream.indirect.scatter.add.f32 [tilespmem:s15], [sflag:s21], $0x1, s20, s10, $0xb8;
	[tilespmem:$0x1C980] =	vst v63  }
0xde: {  	_ =	swait.ge [sflag:s8], $0x4000  }
0xdf: {  	[sflag:s8] =	ssyncset.done $0x0  }
0xe0: {  	s31 =	sadd.s32 $0x2, s2;
	[sflag:s8] =	ssyncadd.s32 $0xFFFFC000  }
0xe1: {  	p0 =	sge.u32 s31, s11;
	s20 =	sadd.s32 $0xFFFFFFFE, s2;
	_ =	swait.ge [sflag:s8], $0x80  }
0xe2: {  	s21 =	sadd.s32 $0xFFFFFFF0, s24;
	s20 =	sand.u32 @!p0 $0x3, s20;
	[sflag:s8] =	ssyncset.done $0x0  }
0xe3: {  	[sflag:s8] =	ssyncadd.s32 $0xFFFFFF80;
	s8 =	sadd.s32 @!p0 $0x5, s20;
	s20 =	sshll.u32 @!p0 s20, $0x7  }
0xe4: {  	s25 =	simm.s32 @!p0 $0x0;
	s24 =	ssub.s32 @!p0 s1, s21;
	s23 =	sadd.s32 @!p0 $0x14280, s20  }
0xe5: {  	[tilespmem:s23], [sflag:s8] =	stream.linear.gather @!p0 [hbm4b:s24+s25], $0x80, $0x38;
	[tilespmem:$0x1C980] =	vst v63  }
0xe6: {  	s21 =	ssub.s32 @!p0 s7, s21;
	s20 =	sadd.s32 @!p0 $0x14480, s20  }
0xe7: {  	[tilespmem:s20], [sflag:s8] =	stream.linear.gather @!p0 [hbm4b:s21+s25], $0x80, $0x38;
	[tilespmem:$0x1C980] =	vst v63  }
0xe8: {  	p0 =	sge.u32 s2, s11  }
0xe9: {  	s2 =	sand.u32 @!p0 $0x3, s2  }
0xea: {  	s8 =	sadd.s32 @!p0 $0x5, s2  }
0xeb: {  	_ =	swait.ge @!p0 [sflag:s8], $0x80  }
0xec: {  	[sflag:s8] =	ssyncset.done @!p0 $0x0  }
0xed: {  	[sflag:s8] =	ssyncadd.s32 @!p0 $0xFFFFFF80  }
0xee: {  	_ =	swait.ge @!p0 [sflag:s8], $0x80  }
0xef: {  	s2 =	sshll.u32 @!p0 s2, $0x7;
	[sflag:s8] =	ssyncset.done @!p0 $0x0  }
0xf0: {  	s2 =	sadd.s32 @!p0 $0x14280, s2;
	[sflag:s8] =	ssyncadd.s32 @!p0 $0xFFFFFF80;
	s8 =	simm.s32 @!p0 $0x80  }
0xf1: {  	[tilespmem:s19], [sflag:s14] =	stream.indirect.gather @!p0 [hbm4b:s6+s8], $0x80, s2, s8, $0xb8;
	[tilespmem:$0x1C980] =	vst v63  }
0xf2: {  	s19 =	sadd.s32 $0x200, s26  }
0xf3: {  	_ =	swait.ge [sflag:s0], $0x4000;
	s2 =	sand.u32 $0x600, s19  }
0xf4: {  	[sflag:s0] =	ssyncset.done $0x0;
	s2 =	sshrl.u32 s2, $0x2  }
0xf5: {  	s21 =	sadd.s32 $0x3, s18;
	[sflag:s0] =	ssyncadd.s32 $0xFFFFC000;
	s20 =	sadd.s32 $0x14480, s2  }
0xf6: {  	[spmem:s3] =	stream.indirect.scatter.add.f32 [tilespmem:s12], [sflag:s21], $0x80, s20, s10, $0xb8;
	[tilespmem:$0x1C980] =	vst v63  }
0xf7: {  	_ = 	snop  }
0xf8: {  	[spmem:s4] =	stream.indirect.scatter.add.f32 [tilespmem:s15], [sflag:s21], $0x1, s20, s10, $0xb8;
	[tilespmem:$0x1C980] =	vst v63  }
0xf9: {  	_ =	swait.ge [sflag:s16], $0x4000  }
0xfa: {  	[sflag:s16] =	ssyncset.done $0x0  }
0xfb: {  	[sflag:s16] =	ssyncadd.s32 $0xFFFFC000  }
0xfc: {  	_ =	swait.ge [sflag:s16], $0x80  }
0xfd: {  	[sflag:s16] =	ssyncset.done $0x0  }
0xfe: {  	[sflag:s16] =	ssyncadd.s32 $0xFFFFFF80  }
0xff: {  	s23 =	stileid.u32;
	[bflag:$0x0] =	sbarrier.arrive $0xFFFF  }
0x100: {  	s0 =	sshll.u32 s23, $0x6;
	s8 =	rddreg [dreg:$0x5]  }
0x101: {  	s0 =	sor.u32 $0x1C09, s0;
	s25 =	rddreg [dreg:$0xf];
	s24 =	sshrl.u32 s8, $0x3  }
0x102: {  	[hbm:s25], [sflag:s0] =	dma.local [spmem:s24], $0x2800  }
0x103: {  	_ =	swait.ge [sflag:s30], $0x2800  }
0x104: {  	[sflag:s30] =	ssyncset.done $0x0;
	s12 =	rddreg [dreg:$0x8]  }
0x105: {  	s28 =	rddreg [dreg:$0x10];
	[sflag:s30] =	ssyncadd.s32 $0xFFFFD800;
	s26 =	sshrl.u32 s12, $0x3  }
0x106: {  	[hbm:s28], [sflag:s0] =	dma.local [spmem:s26], $0x50  }
0x107: {  	_ =	swait.ge [sflag:s30], $0x50  }
0x108: {  	s17 =	sadd.s32 $0x1, s17;
	s31 =	rddreg [dreg:$0x11]  }
0x109: {  	p0 =	sne.s32 s17, s31  }
.Ltmp4:
0x10a: {  	_ = 	snop;
	(pc) =	sbr.rel @p0 .LBB2_1-.Ltmp4, $4  }
.Ltmp5:
0x10b: {  	_ = 	snop;
	(pc) =	sbr.rel @!p0 .LBB2_10-.Ltmp5, $4  }
0x10c: {  	_ = 	snop  }
0x10d: {  	[sflag:s30] =	ssyncset.done $0x0  }
0x10e: {  	[sflag:s30] =	ssyncadd.s32 $0xFFFFFFB0  }
0x10f: {  	_ = 	snop  }
.LBB2_4:
.Ltmp6:
0x110: {  	(pc) =	sbr.rel .LBB2_9-.Ltmp6, $2  }
0x111: {  	_ =	sdelay $0x2  }
0x112: {  	s25 =	smov.u32 s22;
	s24 =	rddreg [dreg:$0x14]  }
.LBB2_6:
.Ltmp7:
0x113: {  	(pc) =	sbr.rel .LBB2_9-.Ltmp7, $2  }
0x114: {  	_ =	sdelay $0x2  }
0x115: {  	s31 =	simm.s32 $0x3;
	s2 =	simm.s32 $0x4;
	s26 =	simm.s32 $0x400  }
.LBB2_10:
0x116: {  	_ =	sfence.sel $0x180000  }
0x117: {  	[bflag:$0x0] =	sbarrier.arrive $0xFFFF  }
0x118: {  	_ =	strace $0x90000047  }
0x119: {  	s0 =	stileid.u32;
	[bflag:$0x2] =	sbarrier.arrive $0xFFFF  }
0x11a: {  	p0 =	sne.s32 s0, $0x0;
	s0 =	rddreg [dreg:$0x4]  }
0x11b: {  	s0 =	sadd.s32 @!p0 $0x100000, s0  }
0x11c: {  	[sflag:s0] =	ssyncadd.tile.s32 @!p0 $0x1;
	_ =	shalt  }
.Lfunc_end2:
_tile_overlayer_lowered:
.L_overlay_start_2:
0x11d: {  	(tag) =	ssettag $0x2  }
0x11e: {  	s0 =	rddreg [dreg:$0x0];
	s2 =	stileid.u32  }
0x11f: {  	s1 =	rddreg [dreg:$0x1];
	p0 =	sne.s32 s2, $0x0  }
0x120: {  	s3 =	rddreg [dreg:$0x2];
	[bflag:$0x3] =	sbarrier.arrive $0xFFFF;
	s2 =	simm.s32 @!p0 $0x1C09  }
0x121: {  	[timem:s3], [sflag:s2] =	dma.local @!p0 [hbm:s0], s1  }
0x122: {  	s0 =	simm.s32 @!p0 $0x9  }
0x123: {  	_ =	swait.ge @!p0 [sflag:s0], s1  }
0x124: {  	s1 =	ssub.s32 @!p0 $0x0, s1;
	[sflag:s0] =	ssyncset.done @!p0 $0x0  }
0x125: {  	[sflag:s0] =	ssyncadd.s32 @!p0 s1  }
0x126: {  	[bflag:$0x3] =	sbarrier.arrive $0xFFFF  }
0x127: {  	_ =	shalt  }

</sc_bundles>
